<compile_context>
chip_gen: v7x
topology: tpu7x:2x2x1
jax: 0.10.2.dev20260603
libtpu: 0.0.44.dev20260713+nightly
codegen_flags: <defaults>
</compile_context>

<pallas_src>
import functools

import jax
import jax.numpy as jnp
from jax import lax
from jax.experimental import pallas as pl
from jax.experimental.pallas import tpu as pltpu
from jax.experimental.pallas import tpu_sc as plsc

NC = 2
NS = 16
NW = NC * NS
LANES = 16
TC_T = 64
TC_TB = 8
TC_BB = 512
SC_BB = 512
NBUF = 2


def _sc_decode_call(xT2, alphabet_codes, V, B, t0, sc_t):
    nchunks = sc_t * (B // SC_BB)
    per_w = nchunks // NW

    mesh = plsc.VectorSubcoreMesh(
        core_axis_name="c", subcore_axis_name="s",
        num_cores=NC, num_subcores=NS)

    @functools.partial(
        pl.kernel,
        out_type=jax.ShapeDtypeStruct((sc_t * B,), jnp.int32),
        mesh=mesh,
        scratch_types=(
            [pltpu.VMEM((V, SC_BB), jnp.float32) for _ in range(NBUF)]
            + [pltpu.VMEM((SC_BB,), jnp.int32),
               pltpu.VMEM((V,), jnp.int32)]
            + [pltpu.SemaphoreType.DMA for _ in range(NBUF)]
        ),
        compiler_params=pltpu.CompilerParams(
            needs_layout_passes=False, use_tc_tiling_on_sc=True),
    )
    def sc_decode(x_hbm, alpha_hbm, out_hbm, *refs):
        bufs = refs[:NBUF]
        obuf, alpha_v = refs[NBUF], refs[NBUF + 1]
        sems = refs[NBUF + 2:]

        wid = lax.axis_index("s") * NC + lax.axis_index("c")
        k0 = wid * per_w
        ncol = B // SC_BB

        def in_slice(k):
            t = t0 + k // ncol
            b0 = (k % ncol) * SC_BB
            return x_hbm.at[pl.ds(t * V, V), pl.ds(b0, SC_BB)]

        pltpu.sync_copy(alpha_hbm, alpha_v)
        for b in range(NBUF):
            pltpu.async_copy(in_slice(k0 + b), bufs[b], sems[b])

        def chunk_body(k, b):
            pltpu.make_async_copy(in_slice(k), bufs[b], sems[b]).wait()
            bb = bufs[b]

            def group(gr, carry):
                c0 = gr * LANES
                ms, idxs = [], []
                for j in range(8):
                    base_c = j * 8
                    m = bb[base_c, pl.ds(c0, LANES)]
                    idx = jnp.full((LANES,), base_c, jnp.int32)
                    for q in range(1, 8):
                        c = base_c + q
                        v = bb[c, pl.ds(c0, LANES)]
                        upd = v > m
                        m = jnp.where(upd, v, m)
                        idx = jnp.where(upd, c, idx)
                    ms.append(m)
                    idxs.append(idx)
                while len(ms) > 1:
                    nm, ni = [], []
                    for j in range(0, len(ms), 2):
                        upd = ms[j + 1] > ms[j]
                        nm.append(jnp.where(upd, ms[j + 1], ms[j]))
                        ni.append(jnp.where(upd, idxs[j + 1], idxs[j]))
                    ms, idxs = nm, ni
                obuf[pl.ds(c0, LANES)] = plsc.load_gather(alpha_v, [idxs[0]])
                return carry

            lax.fori_loop(0, SC_BB // LANES, group, 0)

            t = t0 + k // ncol
            b0 = (k % ncol) * SC_BB
            pltpu.sync_copy(
                obuf, out_hbm.at[pl.ds((t - t0) * B + b0, SC_BB)])

            nxt = k + NBUF

            @pl.when(nxt < k0 + per_w)
            def _():
                pltpu.async_copy(in_slice(nxt), bufs[b], sems[b])

        def ring_body(i, carry):
            for b in range(NBUF):
                chunk_body(k0 + i * NBUF + b, b)
            return carry

        lax.fori_loop(0, per_w // NBUF, ring_body, 0)

    return sc_decode(xT2, alphabet_codes)


def _tc_decode_call(xT, comb2, T, V, B):
    def tc_kernel(comb_ref, x_ref, o_ref):
        xb = x_ref[...]
        m = jnp.max(xb, axis=1, keepdims=True)
        keyf = jnp.where(xb == m, comb_ref[...][None, :, :], -jnp.inf)
        best = jnp.max(keyf, axis=1)
        o_ref[...] = (-best).astype(jnp.int32) & 255

    return pl.pallas_call(
        tc_kernel,
        grid=(TC_T // TC_TB, B // TC_BB),
        in_specs=[
            pl.BlockSpec((V, 1), lambda i, j: (0, 0)),
            pl.BlockSpec((TC_TB, V, TC_BB), lambda i, j: (i, 0, j)),
        ],
        out_specs=pl.BlockSpec((TC_TB, TC_BB), lambda i, j: (i, j)),
        out_shape=jax.ShapeDtypeStruct((TC_T, B), jnp.int32),
        compiler_params=pltpu.CompilerParams(
            dimension_semantics=("parallel", "parallel")),
    )(comb2, xT)


def kernel(x, alphabet_codes):
    B, T, V = x.shape
    sc_t = T - TC_T
    xT = jnp.transpose(x, (1, 2, 0))
    xT2 = xT.reshape(T * V, B)
    comb2 = -((jnp.arange(V, dtype=jnp.int32) << 8) | alphabet_codes
              ).astype(jnp.float32).reshape(V, 1)

    sc_out = _sc_decode_call(xT2, alphabet_codes, V, B, TC_T, sc_t)
    tc_out = _tc_decode_call(xT, comb2, T, V, B)
    oT = jnp.concatenate([tc_out, sc_out.reshape(sc_t, B)], axis=0)
    return jnp.transpose(oT)

# --- scband reference (transcript-rebuilt; emitter-appended) ---
"""Pipeline reference for scband-decode-char-layer-79413945303924 (READ-ONLY COPY).

The authoritative reference and input builder live on the scoring server;
editing this copy changes nothing except your own understanding.
"""

import jax, jax.numpy as jnp
import numpy as np

ALPHABET = "abcdefghijklmnopqrstuvwxyzABCDEFGHIJKLMNOPQRSTUVWXYZ0123456789 _"


def setup_inputs(seed: int = 0) -> dict:
    key = jax.random.key(seed)
    x = jax.random.normal(key, (4096, 200, 64), dtype=jnp.float32)
    # alphabet represented as int32 character codes (the 'embedding table' being looked up)
    alphabet_codes = jnp.asarray(np.frombuffer(ALPHABET.encode('ascii'), dtype=np.uint8).astype(np.int32))
    return {"x": x, "alphabet_codes": alphabet_codes}


def reference(x, alphabet_codes):
    # decode_prediction: per-timestep argmax over the alphabet dimension,
    # then lookup of the corresponding alphabet symbol (char code gather).
    idx = jnp.argmax(x, axis=-1)                      # int32 [B, T]
    decoded = jnp.take(alphabet_codes, idx, axis=0)   # gather into alphabet table -> [B, T]
    return decoded

if __name__ == "__main__":
    import jax
    _d = setup_inputs()
    print(jax.jit(kernel)(*tuple(_d.values())))

</pallas_src>

<mosaic_0001>
#map = affine_map<(d0, d1) -> (0, 0)>
#map1 = affine_map<(d0, d1) -> (0)>
module attributes {stable_mosaic.version = 14 : i64} {
  func.func @sc_decode(%arg0: i32, %arg1: i32, %arg2: memref<12800x4096xf32, #tpu.memory_space<hbm>>, %arg3: memref<64xi32, #tpu.memory_space<hbm>>, %arg4: memref<557056xi32, #tpu.memory_space<hbm>>, %arg5: memref<64x512xf32, #tpu.memory_space<vmem>>, %arg6: memref<64x512xf32, #tpu.memory_space<vmem>>, %arg7: memref<512xi32, #tpu.memory_space<vmem>>, %arg8: memref<64xi32, #tpu.memory_space<vmem>>, %arg9: memref<!tpu.dma_semaphore, #tpu.memory_space<semaphore_mem>>, %arg10: memref<!tpu.dma_semaphore, #tpu.memory_space<semaphore_mem>>) attributes {dimension_semantics = [#tpu.dimension_semantics<core_parallel>, #tpu.dimension_semantics<subcore_parallel>], iteration_bounds = array<i64: 2, 16>, scalar_prefetch = 0 : i64, scratch_operands = 6 : i64, tpu.core_type = #tpu.core_type<sc_vector_subcore>, window_params = [{transform_indices = #map}, {transform_indices = #map1}, {transform_indices = #map1}]} {
    %mul3A = arith.constant 2 : i32
    %mul3A_0 = arith.muli %arg1, %mul3A : i32
    %add3A = arith.addi %mul3A_0, %arg0 : i32
    %mul3A_1 = arith.constant 34 : i32
    %mul3A_2 = arith.muli %add3A, %mul3A_1 : i32
    "tpu.region"() ({
      %run_scoped3A = tpu.sem_alloc : memref<!tpu.dma_semaphore, #tpu.memory_space<semaphore_mem>>
      tpu.enqueue_dma source(%arg3 : memref<64xi32, #tpu.memory_space<hbm>>) target(%arg8 : memref<64xi32, #tpu.memory_space<vmem>>) target_semaphore(%run_scoped3A : memref<!tpu.dma_semaphore, #tpu.memory_space<semaphore_mem>>)
      tpu.wait_dma2 semaphore(%run_scoped3A : memref<!tpu.dma_semaphore, #tpu.memory_space<semaphore_mem>>) src(%arg3 : memref<64xi32, #tpu.memory_space<hbm>>) dst(%arg8 : memref<64xi32, #tpu.memory_space<vmem>>)
      tpu.yield
    }) : () -> ()
    %add3A_3 = arith.constant 0 : i32
    %add3A_4 = arith.addi %mul3A_2, %add3A_3 : i32
    %jit3A = arith.constant 8 : i32
    %div3A = arith.divsi %add3A_4, %jit3A : i32
    %sign3A = arith.constant 0 : i32
    %sign3A_5 = arith.cmpi sgt, %add3A_4, %sign3A : i32
    %sign3A_6 = arith.extui %sign3A_5 : i1 to i32
    %sign3A_7 = arith.constant 0 : i32
    %sign3A_8 = arith.cmpi slt, %add3A_4, %sign3A_7 : i32
    %sign3A_9 = arith.extui %sign3A_8 : i1 to i32
    %sign3A_10 = arith.subi %sign3A_6, %sign3A_9 : i32
    %sign3A_11 = arith.constant 0 : i32
    %sign3A_12 = arith.cmpi sgt, %jit3A, %sign3A_11 : i32
    %sign3A_13 = arith.extui %sign3A_12 : i1 to i32
    %sign3A_14 = arith.constant 0 : i32
    %sign3A_15 = arith.cmpi slt, %jit3A, %sign3A_14 : i32
    %sign3A_16 = arith.extui %sign3A_15 : i1 to i32
    %sign3A_17 = arith.subi %sign3A_13, %sign3A_16 : i32
    %ne3A = arith.cmpi ne, %sign3A_10, %sign3A_17 : i32
    %rem3A = arith.remsi %add3A_4, %jit3A : i32
    %ne3A_18 = arith.constant 0 : i32
    %ne3A_19 = arith.cmpi ne, %rem3A, %ne3A_18 : i32
    %and3A = arith.andi %ne3A, %ne3A_19 : i1
    %sub3A = arith.constant 1 : i32
    %sub3A_20 = arith.subi %div3A, %sub3A : i32
    %select_n3A = arith.select %and3A, %sub3A_20, %div3A : i32
    %add3A_21 = arith.constant 64 : i32
    %add3A_22 = arith.addi %add3A_21, %select_n3A : i32
    %jit3A_23 = arith.constant 8 : i32
    %eq3A = arith.constant 0 : i32
    %eq3A_24 = arith.cmpi eq, %jit3A_23, %eq3A : i32
    %jit3A_25 = arith.constant 1 : i32
    %select_n3A_26 = arith.select %eq3A_24, %jit3A_25, %jit3A_23 : i32
    %rem3A_27 = arith.remsi %add3A_4, %select_n3A_26 : i32
    %ne3A_28 = arith.constant 0 : i32
    %ne3A_29 = arith.cmpi ne, %rem3A_27, %ne3A_28 : i32
    %lt3A = arith.constant 0 : i32
    %lt3A_30 = arith.cmpi slt, %rem3A_27, %lt3A : i32
    %lt3A_31 = arith.constant 0 : i32
    %lt3A_32 = arith.cmpi slt, %select_n3A_26, %lt3A_31 : i32
    %ne3A_33 = arith.xori %lt3A_30, %lt3A_32 : i1
    %and3A_34 = arith.andi %ne3A_33, %ne3A_29 : i1
    %add3A_35 = arith.addi %rem3A_27, %select_n3A_26 : i32
    %select_n3A_36 = arith.select %and3A_34, %add3A_35, %rem3A_27 : i32
    %mul3A_37 = arith.constant 512 : i32
    %mul3A_38 = arith.muli %select_n3A_36, %mul3A_37 : i32
    %mul3A_39 = arith.constant 64 : i32
    %mul3A_40 = arith.muli %add3A_22, %mul3A_39 : i32
    %dma_start3A = tpu.memref_slice %arg2[%mul3A_40, %mul3A_38] : memref<12800x4096xf32, #tpu.memory_space<hbm>> -> memref<64x512xf32, #tpu.memory_space<hbm>>
    %dma_start3A_41 = tpu.memref_slice %arg2[%mul3A_40, %mul3A_38] : memref<12800x4096xf32, #tpu.memory_space<hbm>> -> memref<64x512xf32, #tpu.memory_space<hbm>>
    tpu.enqueue_dma source(%dma_start3A_41 : memref<64x512xf32, #tpu.memory_space<hbm>>) target(%arg5 : memref<64x512xf32, #tpu.memory_space<vmem>>) target_semaphore(%arg9 : memref<!tpu.dma_semaphore, #tpu.memory_space<semaphore_mem>>)
    %add3A_42 = arith.constant 1 : i32
    %add3A_43 = arith.addi %mul3A_2, %add3A_42 : i32
    %jit3A_44 = arith.constant 8 : i32
    %div3A_45 = arith.divsi %add3A_43, %jit3A_44 : i32
    %sign3A_46 = arith.constant 0 : i32
    %sign3A_47 = arith.cmpi sgt, %add3A_43, %sign3A_46 : i32
    %sign3A_48 = arith.extui %sign3A_47 : i1 to i32
    %sign3A_49 = arith.constant 0 : i32
    %sign3A_50 = arith.cmpi slt, %add3A_43, %sign3A_49 : i32
    %sign3A_51 = arith.extui %sign3A_50 : i1 to i32
    %sign3A_52 = arith.subi %sign3A_48, %sign3A_51 : i32
    %sign3A_53 = arith.constant 0 : i32
    %sign3A_54 = arith.cmpi sgt, %jit3A_44, %sign3A_53 : i32
    %sign3A_55 = arith.extui %sign3A_54 : i1 to i32
    %sign3A_56 = arith.constant 0 : i32
    %sign3A_57 = arith.cmpi slt, %jit3A_44, %sign3A_56 : i32
    %sign3A_58 = arith.extui %sign3A_57 : i1 to i32
    %sign3A_59 = arith.subi %sign3A_55, %sign3A_58 : i32
    %ne3A_60 = arith.cmpi ne, %sign3A_52, %sign3A_59 : i32
    %rem3A_61 = arith.remsi %add3A_43, %jit3A_44 : i32
    %ne3A_62 = arith.constant 0 : i32
    %ne3A_63 = arith.cmpi ne, %rem3A_61, %ne3A_62 : i32
    %and3A_64 = arith.andi %ne3A_60, %ne3A_63 : i1
    %sub3A_65 = arith.constant 1 : i32
    %sub3A_66 = arith.subi %div3A_45, %sub3A_65 : i32
    %select_n3A_67 = arith.select %and3A_64, %sub3A_66, %div3A_45 : i32
    %add3A_68 = arith.constant 64 : i32
    %add3A_69 = arith.addi %add3A_68, %select_n3A_67 : i32
    %jit3A_70 = arith.constant 8 : i32
    %eq3A_71 = arith.constant 0 : i32
    %eq3A_72 = arith.cmpi eq, %jit3A_70, %eq3A_71 : i32
    %jit3A_73 = arith.constant 1 : i32
    %select_n3A_74 = arith.select %eq3A_72, %jit3A_73, %jit3A_70 : i32
    %rem3A_75 = arith.remsi %add3A_43, %select_n3A_74 : i32
    %ne3A_76 = arith.constant 0 : i32
    %ne3A_77 = arith.cmpi ne, %rem3A_75, %ne3A_76 : i32
    %lt3A_78 = arith.constant 0 : i32
    %lt3A_79 = arith.cmpi slt, %rem3A_75, %lt3A_78 : i32
    %lt3A_80 = arith.constant 0 : i32
    %lt3A_81 = arith.cmpi slt, %select_n3A_74, %lt3A_80 : i32
    %ne3A_82 = arith.xori %lt3A_79, %lt3A_81 : i1
    %and3A_83 = arith.andi %ne3A_82, %ne3A_77 : i1
    %add3A_84 = arith.addi %rem3A_75, %select_n3A_74 : i32
    %select_n3A_85 = arith.select %and3A_83, %add3A_84, %rem3A_75 : i32
    %mul3A_86 = arith.constant 512 : i32
    %mul3A_87 = arith.muli %select_n3A_85, %mul3A_86 : i32
    %mul3A_88 = arith.constant 64 : i32
    %mul3A_89 = arith.muli %add3A_69, %mul3A_88 : i32
    %dma_start3A_90 = tpu.memref_slice %arg2[%mul3A_89, %mul3A_87] : memref<12800x4096xf32, #tpu.memory_space<hbm>> -> memref<64x512xf32, #tpu.memory_space<hbm>>
    %dma_start3A_91 = tpu.memref_slice %arg2[%mul3A_89, %mul3A_87] : memref<12800x4096xf32, #tpu.memory_space<hbm>> -> memref<64x512xf32, #tpu.memory_space<hbm>>
    tpu.enqueue_dma source(%dma_start3A_91 : memref<64x512xf32, #tpu.memory_space<hbm>>) target(%arg6 : memref<64x512xf32, #tpu.memory_space<vmem>>) target_semaphore(%arg10 : memref<!tpu.dma_semaphore, #tpu.memory_space<semaphore_mem>>)
    %scan3A = arith.constant 0 : i32
    %scan3A_92 = arith.constant 0 : i32
    %scan3A_93 = arith.constant 17 : i32
    %scan3A_94 = arith.addi %scan3A_92, %scan3A_93 : i32
    %scan3A_95 = arith.constant 1 : i32
    scf.for %scan3A_97 = %scan3A_92 to %scan3A_94 step %scan3A_95  : i32 {
      %mul3A_98 = arith.constant 2 : i32
      %mul3A_99 = arith.muli %scan3A_97, %mul3A_98 : i32
      %add3A_100 = arith.addi %mul3A_2, %mul3A_99 : i32
      %add3A_101 = arith.constant 0 : i32
      %add3A_102 = arith.addi %add3A_100, %add3A_101 : i32
      %jit3A_103 = arith.constant 8 : i32
      %div3A_104 = arith.divsi %add3A_102, %jit3A_103 : i32
      %sign3A_105 = arith.constant 0 : i32
      %sign3A_106 = arith.cmpi sgt, %add3A_102, %sign3A_105 : i32
      %sign3A_107 = arith.extui %sign3A_106 : i1 to i32
      %sign3A_108 = arith.constant 0 : i32
      %sign3A_109 = arith.cmpi slt, %add3A_102, %sign3A_108 : i32
      %sign3A_110 = arith.extui %sign3A_109 : i1 to i32
      %sign3A_111 = arith.subi %sign3A_107, %sign3A_110 : i32
      %sign3A_112 = arith.constant 0 : i32
      %sign3A_113 = arith.cmpi sgt, %jit3A_103, %sign3A_112 : i32
      %sign3A_114 = arith.extui %sign3A_113 : i1 to i32
      %sign3A_115 = arith.constant 0 : i32
      %sign3A_116 = arith.cmpi slt, %jit3A_103, %sign3A_115 : i32
      %sign3A_117 = arith.extui %sign3A_116 : i1 to i32
      %sign3A_118 = arith.subi %sign3A_114, %sign3A_117 : i32
      %ne3A_119 = arith.cmpi ne, %sign3A_111, %sign3A_118 : i32
      %rem3A_120 = arith.remsi %add3A_102, %jit3A_103 : i32
      %ne3A_121 = arith.constant 0 : i32
      %ne3A_122 = arith.cmpi ne, %rem3A_120, %ne3A_121 : i32
      %and3A_123 = arith.andi %ne3A_119, %ne3A_122 : i1
      %sub3A_124 = arith.constant 1 : i32
      %sub3A_125 = arith.subi %div3A_104, %sub3A_124 : i32
      %select_n3A_126 = arith.select %and3A_123, %sub3A_125, %div3A_104 : i32
      %add3A_127 = arith.constant 64 : i32
      %add3A_128 = arith.addi %add3A_127, %select_n3A_126 : i32
      %jit3A_129 = arith.constant 8 : i32
      %eq3A_130 = arith.constant 0 : i32
      %eq3A_131 = arith.cmpi eq, %jit3A_129, %eq3A_130 : i32
      %jit3A_132 = arith.constant 1 : i32
      %select_n3A_133 = arith.select %eq3A_131, %jit3A_132, %jit3A_129 : i32
      %rem3A_134 = arith.remsi %add3A_102, %select_n3A_133 : i32
      %ne3A_135 = arith.constant 0 : i32
      %ne3A_136 = arith.cmpi ne, %rem3A_134, %ne3A_135 : i32
      %lt3A_137 = arith.constant 0 : i32
      %lt3A_138 = arith.cmpi slt, %rem3A_134, %lt3A_137 : i32
      %lt3A_139 = arith.constant 0 : i32
      %lt3A_140 = arith.cmpi slt, %select_n3A_133, %lt3A_139 : i32
      %ne3A_141 = arith.xori %lt3A_138, %lt3A_140 : i1
      %and3A_142 = arith.andi %ne3A_141, %ne3A_136 : i1
      %add3A_143 = arith.addi %rem3A_134, %select_n3A_133 : i32
      %select_n3A_144 = arith.select %and3A_142, %add3A_143, %rem3A_134 : i32
      %mul3A_145 = arith.constant 512 : i32
      %mul3A_146 = arith.muli %select_n3A_144, %mul3A_145 : i32
      %mul3A_147 = arith.constant 64 : i32
      %mul3A_148 = arith.muli %add3A_128, %mul3A_147 : i32
      %dma_wait3A = tpu.memref_slice %arg2[%mul3A_148, %mul3A_146] : memref<12800x4096xf32, #tpu.memory_space<hbm>> -> memref<64x512xf32, #tpu.memory_space<hbm>>
      %dma_wait3A_149 = tpu.memref_slice %arg2[%mul3A_148, %mul3A_146] : memref<12800x4096xf32, #tpu.memory_space<hbm>> -> memref<64x512xf32, #tpu.memory_space<hbm>>
      tpu.wait_dma2 semaphore(%arg9 : memref<!tpu.dma_semaphore, #tpu.memory_space<semaphore_mem>>) src(%dma_wait3A_149 : memref<64x512xf32, #tpu.memory_space<hbm>>) dst(%arg5 : memref<64x512xf32, #tpu.memory_space<vmem>>)
      %scan3A_150 = arith.constant 0 : i32
      %scan3A_151 = arith.constant 0 : i32
      %scan3A_152 = arith.constant 32 : i32
      %scan3A_153 = arith.addi %scan3A_151, %scan3A_152 : i32
      %scan3A_154 = arith.constant 1 : i32
      scf.for %scan3A_327 = %scan3A_151 to %scan3A_153 step %scan3A_154  : i32 {
        %mul3A_328 = arith.constant 16 : i32
        %mul3A_329 = arith.muli %scan3A_327, %mul3A_328 : i32
        %get3A = arith.constant 0 : i32
        %get3A_330 = arith.index_cast %get3A : i32 to index
        %get3A_331 = arith.index_cast %mul3A_329 : i32 to index
        %get3A_332 = tpu.vector_load %arg5[%get3A_330, %get3A_331] {strides = array<i32>} : memref<64x512xf32, #tpu.memory_space<vmem>>, vector<16xf32>,
        %broadcast_in_dim3A = arith.constant 0 : i32
        %broadcast_in_dim3A_333 = vector.broadcast %broadcast_in_dim3A : i32 to vector<16xi32>
        %get3A_334 = arith.constant 1 : i32
        %get3A_335 = arith.index_cast %get3A_334 : i32 to index
        %get3A_336 = arith.index_cast %mul3A_329 : i32 to index
        %get3A_337 = tpu.vector_load %arg5[%get3A_335, %get3A_336] {strides = array<i32>} : memref<64x512xf32, #tpu.memory_space<vmem>>, vector<16xf32>,
        %gt3A = arith.cmpf ogt, %get3A_337, %get3A_332 : vector<16xf32>
        %select_n3A_338 = arith.select %gt3A, %get3A_337, %get3A_332 : vector<16xi1>, vector<16xf32>
        %jit3A_339 = arith.constant 1 : i32
        %broadcast_in_dim3A_340 = vector.broadcast %jit3A_339 : i32 to vector<16xi32>
        %select_n3A_341 = arith.select %gt3A, %broadcast_in_dim3A_340, %broadcast_in_dim3A_333 : vector<16xi1>, vector<16xi32>
        %get3A_342 = arith.constant 2 : i32
        %get3A_343 = arith.index_cast %get3A_342 : i32 to index
        %get3A_344 = arith.index_cast %mul3A_329 : i32 to index
        %get3A_345 = tpu.vector_load %arg5[%get3A_343, %get3A_344] {strides = array<i32>} : memref<64x512xf32, #tpu.memory_space<vmem>>, vector<16xf32>,
        %gt3A_346 = arith.cmpf ogt, %get3A_345, %select_n3A_338 : vector<16xf32>
        %select_n3A_347 = arith.select %gt3A_346, %get3A_345, %select_n3A_338 : vector<16xi1>, vector<16xf32>
        %jit3A_348 = arith.constant 2 : i32
        %broadcast_in_dim3A_349 = vector.broadcast %jit3A_348 : i32 to vector<16xi32>
        %select_n3A_350 = arith.select %gt3A_346, %broadcast_in_dim3A_349, %select_n3A_341 : vector<16xi1>, vector<16xi32>
        %get3A_351 = arith.constant 3 : i32
        %get3A_352 = arith.index_cast %get3A_351 : i32 to index
        %get3A_353 = arith.index_cast %mul3A_329 : i32 to index
        %get3A_354 = tpu.vector_load %arg5[%get3A_352, %get3A_353] {strides = array<i32>} : memref<64x512xf32, #tpu.memory_space<vmem>>, vector<16xf32>,
        %gt3A_355 = arith.cmpf ogt, %get3A_354, %select_n3A_347 : vector<16xf32>
        %select_n3A_356 = arith.select %gt3A_355, %get3A_354, %select_n3A_347 : vector<16xi1>, vector<16xf32>
        %jit3A_357 = arith.constant 3 : i32
        %broadcast_in_dim3A_358 = vector.broadcast %jit3A_357 : i32 to vector<16xi32>
        %select_n3A_359 = arith.select %gt3A_355, %broadcast_in_dim3A_358, %select_n3A_350 : vector<16xi1>, vector<16xi32>
        %get3A_360 = arith.constant 4 : i32
        %get3A_361 = arith.index_cast %get3A_360 : i32 to index
        %get3A_362 = arith.index_cast %mul3A_329 : i32 to index
        %get3A_363 = tpu.vector_load %arg5[%get3A_361, %get3A_362] {strides = array<i32>} : memref<64x512xf32, #tpu.memory_space<vmem>>, vector<16xf32>,
        %gt3A_364 = arith.cmpf ogt, %get3A_363, %select_n3A_356 : vector<16xf32>
        %select_n3A_365 = arith.select %gt3A_364, %get3A_363, %select_n3A_356 : vector<16xi1>, vector<16xf32>
        %jit3A_366 = arith.constant 4 : i32
        %broadcast_in_dim3A_367 = vector.broadcast %jit3A_366 : i32 to vector<16xi32>
        %select_n3A_368 = arith.select %gt3A_364, %broadcast_in_dim3A_367, %select_n3A_359 : vector<16xi1>, vector<16xi32>
        %get3A_369 = arith.constant 5 : i32
        %get3A_370 = arith.index_cast %get3A_369 : i32 to index
        %get3A_371 = arith.index_cast %mul3A_329 : i32 to index
        %get3A_372 = tpu.vector_load %arg5[%get3A_370, %get3A_371] {strides = array<i32>} : memref<64x512xf32, #tpu.memory_space<vmem>>, vector<16xf32>,
        %gt3A_373 = arith.cmpf ogt, %get3A_372, %select_n3A_365 : vector<16xf32>
        %select_n3A_374 = arith.select %gt3A_373, %get3A_372, %select_n3A_365 : vector<16xi1>, vector<16xf32>
        %jit3A_375 = arith.constant 5 : i32
        %broadcast_in_dim3A_376 = vector.broadcast %jit3A_375 : i32 to vector<16xi32>
        %select_n3A_377 = arith.select %gt3A_373, %broadcast_in_dim3A_376, %select_n3A_368 : vector<16xi1>, vector<16xi32>
        %get3A_378 = arith.constant 6 : i32
        %get3A_379 = arith.index_cast %get3A_378 : i32 to index
        %get3A_380 = arith.index_cast %mul3A_329 : i32 to index
        %get3A_381 = tpu.vector_load %arg5[%get3A_379, %get3A_380] {strides = array<i32>} : memref<64x512xf32, #tpu.memory_space<vmem>>, vector<16xf32>,
        %gt3A_382 = arith.cmpf ogt, %get3A_381, %select_n3A_374 : vector<16xf32>
        %select_n3A_383 = arith.select %gt3A_382, %get3A_381, %select_n3A_374 : vector<16xi1>, vector<16xf32>
        %jit3A_384 = arith.constant 6 : i32
        %broadcast_in_dim3A_385 = vector.broadcast %jit3A_384 : i32 to vector<16xi32>
        %select_n3A_386 = arith.select %gt3A_382, %broadcast_in_dim3A_385, %select_n3A_377 : vector<16xi1>, vector<16xi32>
        %get3A_387 = arith.constant 7 : i32
        %get3A_388 = arith.index_cast %get3A_387 : i32 to index
        %get3A_389 = arith.index_cast %mul3A_329 : i32 to index
        %get3A_390 = tpu.vector_load %arg5[%get3A_388, %get3A_389] {strides = array<i32>} : memref<64x512xf32, #tpu.memory_space<vmem>>, vector<16xf32>,
        %gt3A_391 = arith.cmpf ogt, %get3A_390, %select_n3A_383 : vector<16xf32>
        %select_n3A_392 = arith.select %gt3A_391, %get3A_390, %select_n3A_383 : vector<16xi1>, vector<16xf32>
        %jit3A_393 = arith.constant 7 : i32
        %broadcast_in_dim3A_394 = vector.broadcast %jit3A_393 : i32 to vector<16xi32>
        %select_n3A_395 = arith.select %gt3A_391, %broadcast_in_dim3A_394, %select_n3A_386 : vector<16xi1>, vector<16xi32>
        %get3A_396 = arith.constant 8 : i32
        %get3A_397 = arith.index_cast %get3A_396 : i32 to index
        %get3A_398 = arith.index_cast %mul3A_329 : i32 to index
        %get3A_399 = tpu.vector_load %arg5[%get3A_397, %get3A_398] {strides = array<i32>} : memref<64x512xf32, #tpu.memory_space<vmem>>, vector<16xf32>,
        %broadcast_in_dim3A_400 = arith.constant 8 : i32
        %broadcast_in_dim3A_401 = vector.broadcast %broadcast_in_dim3A_400 : i32 to vector<16xi32>
        %get3A_402 = arith.constant 9 : i32
        %get3A_403 = arith.index_cast %get3A_402 : i32 to index
        %get3A_404 = arith.index_cast %mul3A_329 : i32 to index
        %get3A_405 = tpu.vector_load %arg5[%get3A_403, %get3A_404] {strides = array<i32>} : memref<64x512xf32, #tpu.memory_space<vmem>>, vector<16xf32>,
        %gt3A_406 = arith.cmpf ogt, %get3A_405, %get3A_399 : vector<16xf32>
        %select_n3A_407 = arith.select %gt3A_406, %get3A_405, %get3A_399 : vector<16xi1>, vector<16xf32>
        %jit3A_408 = arith.constant 9 : i32
        %broadcast_in_dim3A_409 = vector.broadcast %jit3A_408 : i32 to vector<16xi32>
        %select_n3A_410 = arith.select %gt3A_406, %broadcast_in_dim3A_409, %broadcast_in_dim3A_401 : vector<16xi1>, vector<16xi32>
        %get3A_411 = arith.constant 10 : i32
        %get3A_412 = arith.index_cast %get3A_411 : i32 to index
        %get3A_413 = arith.index_cast %mul3A_329 : i32 to index
        %get3A_414 = tpu.vector_load %arg5[%get3A_412, %get3A_413] {strides = array<i32>} : memref<64x512xf32, #tpu.memory_space<vmem>>, vector<16xf32>,
        %gt3A_415 = arith.cmpf ogt, %get3A_414, %select_n3A_407 : vector<16xf32>
        %select_n3A_416 = arith.select %gt3A_415, %get3A_414, %select_n3A_407 : vector<16xi1>, vector<16xf32>
        %jit3A_417 = arith.constant 10 : i32
        %broadcast_in_dim3A_418 = vector.broadcast %jit3A_417 : i32 to vector<16xi32>
        %select_n3A_419 = arith.select %gt3A_415, %broadcast_in_dim3A_418, %select_n3A_410 : vector<16xi1>, vector<16xi32>
        %get3A_420 = arith.constant 11 : i32
        %get3A_421 = arith.index_cast %get3A_420 : i32 to index
        %get3A_422 = arith.index_cast %mul3A_329 : i32 to index
        %get3A_423 = tpu.vector_load %arg5[%get3A_421, %get3A_422] {strides = array<i32>} : memref<64x512xf32, #tpu.memory_space<vmem>>, vector<16xf32>,
        %gt3A_424 = arith.cmpf ogt, %get3A_423, %select_n3A_416 : vector<16xf32>
        %select_n3A_425 = arith.select %gt3A_424, %get3A_423, %select_n3A_416 : vector<16xi1>, vector<16xf32>
        %jit3A_426 = arith.constant 11 : i32
        %broadcast_in_dim3A_427 = vector.broadcast %jit3A_426 : i32 to vector<16xi32>
        %select_n3A_428 = arith.select %gt3A_424, %broadcast_in_dim3A_427, %select_n3A_419 : vector<16xi1>, vector<16xi32>
        %get3A_429 = arith.constant 12 : i32
        %get3A_430 = arith.index_cast %get3A_429 : i32 to index
        %get3A_431 = arith.index_cast %mul3A_329 : i32 to index
        %get3A_432 = tpu.vector_load %arg5[%get3A_430, %get3A_431] {strides = array<i32>} : memref<64x512xf32, #tpu.memory_space<vmem>>, vector<16xf32>,
        %gt3A_433 = arith.cmpf ogt, %get3A_432, %select_n3A_425 : vector<16xf32>
        %select_n3A_434 = arith.select %gt3A_433, %get3A_432, %select_n3A_425 : vector<16xi1>, vector<16xf32>
        %jit3A_435 = arith.constant 12 : i32
        %broadcast_in_dim3A_436 = vector.broadcast %jit3A_435 : i32 to vector<16xi32>
        %select_n3A_437 = arith.select %gt3A_433, %broadcast_in_dim3A_436, %select_n3A_428 : vector<16xi1>, vector<16xi32>
        %get3A_438 = arith.constant 13 : i32
        %get3A_439 = arith.index_cast %get3A_438 : i32 to index
        %get3A_440 = arith.index_cast %mul3A_329 : i32 to index
        %get3A_441 = tpu.vector_load %arg5[%get3A_439, %get3A_440] {strides = array<i32>} : memref<64x512xf32, #tpu.memory_space<vmem>>, vector<16xf32>,
        %gt3A_442 = arith.cmpf ogt, %get3A_441, %select_n3A_434 : vector<16xf32>
        %select_n3A_443 = arith.select %gt3A_442, %get3A_441, %select_n3A_434 : vector<16xi1>, vector<16xf32>
        %jit3A_444 = arith.constant 13 : i32
        %broadcast_in_dim3A_445 = vector.broadcast %jit3A_444 : i32 to vector<16xi32>
        %select_n3A_446 = arith.select %gt3A_442, %broadcast_in_dim3A_445, %select_n3A_437 : vector<16xi1>, vector<16xi32>
        %get3A_447 = arith.constant 14 : i32
        %get3A_448 = arith.index_cast %get3A_447 : i32 to index
        %get3A_449 = arith.index_cast %mul3A_329 : i32 to index
        %get3A_450 = tpu.vector_load %arg5[%get3A_448, %get3A_449] {strides = array<i32>} : memref<64x512xf32, #tpu.memory_space<vmem>>, vector<16xf32>,
        %gt3A_451 = arith.cmpf ogt, %get3A_450, %select_n3A_443 : vector<16xf32>
        %select_n3A_452 = arith.select %gt3A_451, %get3A_450, %select_n3A_443 : vector<16xi1>, vector<16xf32>
        %jit3A_453 = arith.constant 14 : i32
        %broadcast_in_dim3A_454 = vector.broadcast %jit3A_453 : i32 to vector<16xi32>
        %select_n3A_455 = arith.select %gt3A_451, %broadcast_in_dim3A_454, %select_n3A_446 : vector<16xi1>, vector<16xi32>
        %get3A_456 = arith.constant 15 : i32
        %get3A_457 = arith.index_cast %get3A_456 : i32 to index
        %get3A_458 = arith.index_cast %mul3A_329 : i32 to index
        %get3A_459 = tpu.vector_load %arg5[%get3A_457, %get3A_458] {strides = array<i32>} : memref<64x512xf32, #tpu.memory_space<vmem>>, vector<16xf32>,
        %gt3A_460 = arith.cmpf ogt, %get3A_459, %select_n3A_452 : vector<16xf32>
        %select_n3A_461 = arith.select %gt3A_460, %get3A_459, %select_n3A_452 : vector<16xi1>, vector<16xf32>
        %jit3A_462 = arith.constant 15 : i32
        %broadcast_in_dim3A_463 = vector.broadcast %jit3A_462 : i32 to vector<16xi32>
        %select_n3A_464 = arith.select %gt3A_460, %broadcast_in_dim3A_463, %select_n3A_455 : vector<16xi1>, vector<16xi32>
        %get3A_465 = arith.constant 16 : i32
        %get3A_466 = arith.index_cast %get3A_465 : i32 to index
        %get3A_467 = arith.index_cast %mul3A_329 : i32 to index
        %get3A_468 = tpu.vector_load %arg5[%get3A_466, %get3A_467] {strides = array<i32>} : memref<64x512xf32, #tpu.memory_space<vmem>>, vector<16xf32>,
        %broadcast_in_dim3A_469 = arith.constant 16 : i32
        %broadcast_in_dim3A_470 = vector.broadcast %broadcast_in_dim3A_469 : i32 to vector<16xi32>
        %get3A_471 = arith.constant 17 : i32
        %get3A_472 = arith.index_cast %get3A_471 : i32 to index
        %get3A_473 = arith.index_cast %mul3A_329 : i32 to index
        %get3A_474 = tpu.vector_load %arg5[%get3A_472, %get3A_473] {strides = array<i32>} : memref<64x512xf32, #tpu.memory_space<vmem>>, vector<16xf32>,
        %gt3A_475 = arith.cmpf ogt, %get3A_474, %get3A_468 : vector<16xf32>
        %select_n3A_476 = arith.select %gt3A_475, %get3A_474, %get3A_468 : vector<16xi1>, vector<16xf32>
        %jit3A_477 = arith.constant 17 : i32
        %broadcast_in_dim3A_478 = vector.broadcast %jit3A_477 : i32 to vector<16xi32>
        %select_n3A_479 = arith.select %gt3A_475, %broadcast_in_dim3A_478, %broadcast_in_dim3A_470 : vector<16xi1>, vector<16xi32>
        %get3A_480 = arith.constant 18 : i32
        %get3A_481 = arith.index_cast %get3A_480 : i32 to index
        %get3A_482 = arith.index_cast %mul3A_329 : i32 to index
        %get3A_483 = tpu.vector_load %arg5[%get3A_481, %get3A_482] {strides = array<i32>} : memref<64x512xf32, #tpu.memory_space<vmem>>, vector<16xf32>,
        %gt3A_484 = arith.cmpf ogt, %get3A_483, %select_n3A_476 : vector<16xf32>
        %select_n3A_485 = arith.select %gt3A_484, %get3A_483, %select_n3A_476 : vector<16xi1>, vector<16xf32>
        %jit3A_486 = arith.constant 18 : i32
        %broadcast_in_dim3A_487 = vector.broadcast %jit3A_486 : i32 to vector<16xi32>
        %select_n3A_488 = arith.select %gt3A_484, %broadcast_in_dim3A_487, %select_n3A_479 : vector<16xi1>, vector<16xi32>
        %get3A_489 = arith.constant 19 : i32
        %get3A_490 = arith.index_cast %get3A_489 : i32 to index
        %get3A_491 = arith.index_cast %mul3A_329 : i32 to index
        %get3A_492 = tpu.vector_load %arg5[%get3A_490, %get3A_491] {strides = array<i32>} : memref<64x512xf32, #tpu.memory_space<vmem>>, vector<16xf32>,
        %gt3A_493 = arith.cmpf ogt, %get3A_492, %select_n3A_485 : vector<16xf32>
        %select_n3A_494 = arith.select %gt3A_493, %get3A_492, %select_n3A_485 : vector<16xi1>, vector<16xf32>
        %jit3A_495 = arith.constant 19 : i32
        %broadcast_in_dim3A_496 = vector.broadcast %jit3A_495 : i32 to vector<16xi32>
        %select_n3A_497 = arith.select %gt3A_493, %broadcast_in_dim3A_496, %select_n3A_488 : vector<16xi1>, vector<16xi32>
        %get3A_498 = arith.constant 20 : i32
        %get3A_499 = arith.index_cast %get3A_498 : i32 to index
        %get3A_500 = arith.index_cast %mul3A_329 : i32 to index
        %get3A_501 = tpu.vector_load %arg5[%get3A_499, %get3A_500] {strides = array<i32>} : memref<64x512xf32, #tpu.memory_space<vmem>>, vector<16xf32>,
        %gt3A_502 = arith.cmpf ogt, %get3A_501, %select_n3A_494 : vector<16xf32>
        %select_n3A_503 = arith.select %gt3A_502, %get3A_501, %select_n3A_494 : vector<16xi1>, vector<16xf32>
        %jit3A_504 = arith.constant 20 : i32
        %broadcast_in_dim3A_505 = vector.broadcast %jit3A_504 : i32 to vector<16xi32>
        %select_n3A_506 = arith.select %gt3A_502, %broadcast_in_dim3A_505, %select_n3A_497 : vector<16xi1>, vector<16xi32>
        %get3A_507 = arith.constant 21 : i32
        %get3A_508 = arith.index_cast %get3A_507 : i32 to index
        %get3A_509 = arith.index_cast %mul3A_329 : i32 to index
        %get3A_510 = tpu.vector_load %arg5[%get3A_508, %get3A_509] {strides = array<i32>} : memref<64x512xf32, #tpu.memory_space<vmem>>, vector<16xf32>,
        %gt3A_511 = arith.cmpf ogt, %get3A_510, %select_n3A_503 : vector<16xf32>
        %select_n3A_512 = arith.select %gt3A_511, %get3A_510, %select_n3A_503 : vector<16xi1>, vector<16xf32>
        %jit3A_513 = arith.constant 21 : i32
        %broadcast_in_dim3A_514 = vector.broadcast %jit3A_513 : i32 to vector<16xi32>
        %select_n3A_515 = arith.select %gt3A_511, %broadcast_in_dim3A_514, %select_n3A_506 : vector<16xi1>, vector<16xi32>
        %get3A_516 = arith.constant 22 : i32
        %get3A_517 = arith.index_cast %get3A_516 : i32 to index
        %get3A_518 = arith.index_cast %mul3A_329 : i32 to index
        %get3A_519 = tpu.vector_load %arg5[%get3A_517, %get3A_518] {strides = array<i32>} : memref<64x512xf32, #tpu.memory_space<vmem>>, vector<16xf32>,
        %gt3A_520 = arith.cmpf ogt, %get3A_519, %select_n3A_512 : vector<16xf32>
        %select_n3A_521 = arith.select %gt3A_520, %get3A_519, %select_n3A_512 : vector<16xi1>, vector<16xf32>
        %jit3A_522 = arith.constant 22 : i32
        %broadcast_in_dim3A_523 = vector.broadcast %jit3A_522 : i32 to vector<16xi32>
        %select_n3A_524 = arith.select %gt3A_520, %broadcast_in_dim3A_523, %select_n3A_515 : vector<16xi1>, vector<16xi32>
        %get3A_525 = arith.constant 23 : i32
        %get3A_526 = arith.index_cast %get3A_525 : i32 to index
        %get3A_527 = arith.index_cast %mul3A_329 : i32 to index
        %get3A_528 = tpu.vector_load %arg5[%get3A_526, %get3A_527] {strides = array<i32>} : memref<64x512xf32, #tpu.memory_space<vmem>>, vector<16xf32>,
        %gt3A_529 = arith.cmpf ogt, %get3A_528, %select_n3A_521 : vector<16xf32>
        %select_n3A_530 = arith.select %gt3A_529, %get3A_528, %select_n3A_521 : vector<16xi1>, vector<16xf32>
        %jit3A_531 = arith.constant 23 : i32
        %broadcast_in_dim3A_532 = vector.broadcast %jit3A_531 : i32 to vector<16xi32>
        %select_n3A_533 = arith.select %gt3A_529, %broadcast_in_dim3A_532, %select_n3A_524 : vector<16xi1>, vector<16xi32>
        %get3A_534 = arith.constant 24 : i32
        %get3A_535 = arith.index_cast %get3A_534 : i32 to index
        %get3A_536 = arith.index_cast %mul3A_329 : i32 to index
        %get3A_537 = tpu.vector_load %arg5[%get3A_535, %get3A_536] {strides = array<i32>} : memref<64x512xf32, #tpu.memory_space<vmem>>, vector<16xf32>,
        %broadcast_in_dim3A_538 = arith.constant 24 : i32
        %broadcast_in_dim3A_539 = vector.broadcast %broadcast_in_dim3A_538 : i32 to vector<16xi32>
        %get3A_540 = arith.constant 25 : i32
        %get3A_541 = arith.index_cast %get3A_540 : i32 to index
        %get3A_542 = arith.index_cast %mul3A_329 : i32 to index
        %get3A_543 = tpu.vector_load %arg5[%get3A_541, %get3A_542] {strides = array<i32>} : memref<64x512xf32, #tpu.memory_space<vmem>>, vector<16xf32>,
        %gt3A_544 = arith.cmpf ogt, %get3A_543, %get3A_537 : vector<16xf32>
        %select_n3A_545 = arith.select %gt3A_544, %get3A_543, %get3A_537 : vector<16xi1>, vector<16xf32>
        %jit3A_546 = arith.constant 25 : i32
        %broadcast_in_dim3A_547 = vector.broadcast %jit3A_546 : i32 to vector<16xi32>
        %select_n3A_548 = arith.select %gt3A_544, %broadcast_in_dim3A_547, %broadcast_in_dim3A_539 : vector<16xi1>, vector<16xi32>
        %get3A_549 = arith.constant 26 : i32
        %get3A_550 = arith.index_cast %get3A_549 : i32 to index
        %get3A_551 = arith.index_cast %mul3A_329 : i32 to index
        %get3A_552 = tpu.vector_load %arg5[%get3A_550, %get3A_551] {strides = array<i32>} : memref<64x512xf32, #tpu.memory_space<vmem>>, vector<16xf32>,
        %gt3A_553 = arith.cmpf ogt, %get3A_552, %select_n3A_545 : vector<16xf32>
        %select_n3A_554 = arith.select %gt3A_553, %get3A_552, %select_n3A_545 : vector<16xi1>, vector<16xf32>
        %jit3A_555 = arith.constant 26 : i32
        %broadcast_in_dim3A_556 = vector.broadcast %jit3A_555 : i32 to vector<16xi32>
        %select_n3A_557 = arith.select %gt3A_553, %broadcast_in_dim3A_556, %select_n3A_548 : vector<16xi1>, vector<16xi32>
        %get3A_558 = arith.constant 27 : i32
        %get3A_559 = arith.index_cast %get3A_558 : i32 to index
        %get3A_560 = arith.index_cast %mul3A_329 : i32 to index
        %get3A_561 = tpu.vector_load %arg5[%get3A_559, %get3A_560] {strides = array<i32>} : memref<64x512xf32, #tpu.memory_space<vmem>>, vector<16xf32>,
        %gt3A_562 = arith.cmpf ogt, %get3A_561, %select_n3A_554 : vector<16xf32>
        %select_n3A_563 = arith.select %gt3A_562, %get3A_561, %select_n3A_554 : vector<16xi1>, vector<16xf32>
        %jit3A_564 = arith.constant 27 : i32
        %broadcast_in_dim3A_565 = vector.broadcast %jit3A_564 : i32 to vector<16xi32>
        %select_n3A_566 = arith.select %gt3A_562, %broadcast_in_dim3A_565, %select_n3A_557 : vector<16xi1>, vector<16xi32>
        %get3A_567 = arith.constant 28 : i32
        %get3A_568 = arith.index_cast %get3A_567 : i32 to index
        %get3A_569 = arith.index_cast %mul3A_329 : i32 to index
        %get3A_570 = tpu.vector_load %arg5[%get3A_568, %get3A_569] {strides = array<i32>} : memref<64x512xf32, #tpu.memory_space<vmem>>, vector<16xf32>,
        %gt3A_571 = arith.cmpf ogt, %get3A_570, %select_n3A_563 : vector<16xf32>
        %select_n3A_572 = arith.select %gt3A_571, %get3A_570, %select_n3A_563 : vector<16xi1>, vector<16xf32>
        %jit3A_573 = arith.constant 28 : i32
        %broadcast_in_dim3A_574 = vector.broadcast %jit3A_573 : i32 to vector<16xi32>
        %select_n3A_575 = arith.select %gt3A_571, %broadcast_in_dim3A_574, %select_n3A_566 : vector<16xi1>, vector<16xi32>
        %get3A_576 = arith.constant 29 : i32
        %get3A_577 = arith.index_cast %get3A_576 : i32 to index
        %get3A_578 = arith.index_cast %mul3A_329 : i32 to index
        %get3A_579 = tpu.vector_load %arg5[%get3A_577, %get3A_578] {strides = array<i32>} : memref<64x512xf32, #tpu.memory_space<vmem>>, vector<16xf32>,
        %gt3A_580 = arith.cmpf ogt, %get3A_579, %select_n3A_572 : vector<16xf32>
        %select_n3A_581 = arith.select %gt3A_580, %get3A_579, %select_n3A_572 : vector<16xi1>, vector<16xf32>
        %jit3A_582 = arith.constant 29 : i32
        %broadcast_in_dim3A_583 = vector.broadcast %jit3A_582 : i32 to vector<16xi32>
        %select_n3A_584 = arith.select %gt3A_580, %broadcast_in_dim3A_583, %select_n3A_575 : vector<16xi1>, vector<16xi32>
        %get3A_585 = arith.constant 30 : i32
        %get3A_586 = arith.index_cast %get3A_585 : i32 to index
        %get3A_587 = arith.index_cast %mul3A_329 : i32 to index
        %get3A_588 = tpu.vector_load %arg5[%get3A_586, %get3A_587] {strides = array<i32>} : memref<64x512xf32, #tpu.memory_space<vmem>>, vector<16xf32>,
        %gt3A_589 = arith.cmpf ogt, %get3A_588, %select_n3A_581 : vector<16xf32>
        %select_n3A_590 = arith.select %gt3A_589, %get3A_588, %select_n3A_581 : vector<16xi1>, vector<16xf32>
        %jit3A_591 = arith.constant 30 : i32
        %broadcast_in_dim3A_592 = vector.broadcast %jit3A_591 : i32 to vector<16xi32>
        %select_n3A_593 = arith.select %gt3A_589, %broadcast_in_dim3A_592, %select_n3A_584 : vector<16xi1>, vector<16xi32>
        %get3A_594 = arith.constant 31 : i32
        %get3A_595 = arith.index_cast %get3A_594 : i32 to index
        %get3A_596 = arith.index_cast %mul3A_329 : i32 to index
        %get3A_597 = tpu.vector_load %arg5[%get3A_595, %get3A_596] {strides = array<i32>} : memref<64x512xf32, #tpu.memory_space<vmem>>, vector<16xf32>,
        %gt3A_598 = arith.cmpf ogt, %get3A_597, %select_n3A_590 : vector<16xf32>
        %select_n3A_599 = arith.select %gt3A_598, %get3A_597, %select_n3A_590 : vector<16xi1>, vector<16xf32>
        %jit3A_600 = arith.constant 31 : i32
        %broadcast_in_dim3A_601 = vector.broadcast %jit3A_600 : i32 to vector<16xi32>
        %select_n3A_602 = arith.select %gt3A_598, %broadcast_in_dim3A_601, %select_n3A_593 : vector<16xi1>, vector<16xi32>
        %get3A_603 = arith.constant 32 : i32
        %get3A_604 = arith.index_cast %get3A_603 : i32 to index
        %get3A_605 = arith.index_cast %mul3A_329 : i32 to index
        %get3A_606 = tpu.vector_load %arg5[%get3A_604, %get3A_605] {strides = array<i32>} : memref<64x512xf32, #tpu.memory_space<vmem>>, vector<16xf32>,
        %broadcast_in_dim3A_607 = arith.constant 32 : i32
        %broadcast_in_dim3A_608 = vector.broadcast %broadcast_in_dim3A_607 : i32 to vector<16xi32>
        %get3A_609 = arith.constant 33 : i32
        %get3A_610 = arith.index_cast %get3A_609 : i32 to index
        %get3A_611 = arith.index_cast %mul3A_329 : i32 to index
        %get3A_612 = tpu.vector_load %arg5[%get3A_610, %get3A_611] {strides = array<i32>} : memref<64x512xf32, #tpu.memory_space<vmem>>, vector<16xf32>,
        %gt3A_613 = arith.cmpf ogt, %get3A_612, %get3A_606 : vector<16xf32>
        %select_n3A_614 = arith.select %gt3A_613, %get3A_612, %get3A_606 : vector<16xi1>, vector<16xf32>
        %jit3A_615 = arith.constant 33 : i32
        %broadcast_in_dim3A_616 = vector.broadcast %jit3A_615 : i32 to vector<16xi32>
        %select_n3A_617 = arith.select %gt3A_613, %broadcast_in_dim3A_616, %broadcast_in_dim3A_608 : vector<16xi1>, vector<16xi32>
        %get3A_618 = arith.constant 34 : i32
        %get3A_619 = arith.index_cast %get3A_618 : i32 to index
        %get3A_620 = arith.index_cast %mul3A_329 : i32 to index
        %get3A_621 = tpu.vector_load %arg5[%get3A_619, %get3A_620] {strides = array<i32>} : memref<64x512xf32, #tpu.memory_space<vmem>>, vector<16xf32>,
        %gt3A_622 = arith.cmpf ogt, %get3A_621, %select_n3A_614 : vector<16xf32>
        %select_n3A_623 = arith.select %gt3A_622, %get3A_621, %select_n3A_614 : vector<16xi1>, vector<16xf32>
        %jit3A_624 = arith.constant 34 : i32
        %broadcast_in_dim3A_625 = vector.broadcast %jit3A_624 : i32 to vector<16xi32>
        %select_n3A_626 = arith.select %gt3A_622, %broadcast_in_dim3A_625, %select_n3A_617 : vector<16xi1>, vector<16xi32>
        %get3A_627 = arith.constant 35 : i32
        %get3A_628 = arith.index_cast %get3A_627 : i32 to index
        %get3A_629 = arith.index_cast %mul3A_329 : i32 to index
        %get3A_630 = tpu.vector_load %arg5[%get3A_628, %get3A_629] {strides = array<i32>} : memref<64x512xf32, #tpu.memory_space<vmem>>, vector<16xf32>,
        %gt3A_631 = arith.cmpf ogt, %get3A_630, %select_n3A_623 : vector<16xf32>
        %select_n3A_632 = arith.select %gt3A_631, %get3A_630, %select_n3A_623 : vector<16xi1>, vector<16xf32>
        %jit3A_633 = arith.constant 35 : i32
        %broadcast_in_dim3A_634 = vector.broadcast %jit3A_633 : i32 to vector<16xi32>
        %select_n3A_635 = arith.select %gt3A_631, %broadcast_in_dim3A_634, %select_n3A_626 : vector<16xi1>, vector<16xi32>
        %get3A_636 = arith.constant 36 : i32
        %get3A_637 = arith.index_cast %get3A_636 : i32 to index
        %get3A_638 = arith.index_cast %mul3A_329 : i32 to index
        %get3A_639 = tpu.vector_load %arg5[%get3A_637, %get3A_638] {strides = array<i32>} : memref<64x512xf32, #tpu.memory_space<vmem>>, vector<16xf32>,
        %gt3A_640 = arith.cmpf ogt, %get3A_639, %select_n3A_632 : vector<16xf32>
        %select_n3A_641 = arith.select %gt3A_640, %get3A_639, %select_n3A_632 : vector<16xi1>, vector<16xf32>
        %jit3A_642 = arith.constant 36 : i32
        %broadcast_in_dim3A_643 = vector.broadcast %jit3A_642 : i32 to vector<16xi32>
        %select_n3A_644 = arith.select %gt3A_640, %broadcast_in_dim3A_643, %select_n3A_635 : vector<16xi1>, vector<16xi32>
        %get3A_645 = arith.constant 37 : i32
        %get3A_646 = arith.index_cast %get3A_645 : i32 to index
        %get3A_647 = arith.index_cast %mul3A_329 : i32 to index
        %get3A_648 = tpu.vector_load %arg5[%get3A_646, %get3A_647] {strides = array<i32>} : memref<64x512xf32, #tpu.memory_space<vmem>>, vector<16xf32>,
        %gt3A_649 = arith.cmpf ogt, %get3A_648, %select_n3A_641 : vector<16xf32>
        %select_n3A_650 = arith.select %gt3A_649, %get3A_648, %select_n3A_641 : vector<16xi1>, vector<16xf32>
        %jit3A_651 = arith.constant 37 : i32
        %broadcast_in_dim3A_652 = vector.broadcast %jit3A_651 : i32 to vector<16xi32>
        %select_n3A_653 = arith.select %gt3A_649, %broadcast_in_dim3A_652, %select_n3A_644 : vector<16xi1>, vector<16xi32>
        %get3A_654 = arith.constant 38 : i32
        %get3A_655 = arith.index_cast %get3A_654 : i32 to index
        %get3A_656 = arith.index_cast %mul3A_329 : i32 to index
        %get3A_657 = tpu.vector_load %arg5[%get3A_655, %get3A_656] {strides = array<i32>} : memref<64x512xf32, #tpu.memory_space<vmem>>, vector<16xf32>,
        %gt3A_658 = arith.cmpf ogt, %get3A_657, %select_n3A_650 : vector<16xf32>
        %select_n3A_659 = arith.select %gt3A_658, %get3A_657, %select_n3A_650 : vector<16xi1>, vector<16xf32>
        %jit3A_660 = arith.constant 38 : i32
        %broadcast_in_dim3A_661 = vector.broadcast %jit3A_660 : i32 to vector<16xi32>
        %select_n3A_662 = arith.select %gt3A_658, %broadcast_in_dim3A_661, %select_n3A_653 : vector<16xi1>, vector<16xi32>
        %get3A_663 = arith.constant 39 : i32
        %get3A_664 = arith.index_cast %get3A_663 : i32 to index
        %get3A_665 = arith.index_cast %mul3A_329 : i32 to index
        %get3A_666 = tpu.vector_load %arg5[%get3A_664, %get3A_665] {strides = array<i32>} : memref<64x512xf32, #tpu.memory_space<vmem>>, vector<16xf32>,
        %gt3A_667 = arith.cmpf ogt, %get3A_666, %select_n3A_659 : vector<16xf32>
        %select_n3A_668 = arith.select %gt3A_667, %get3A_666, %select_n3A_659 : vector<16xi1>, vector<16xf32>
        %jit3A_669 = arith.constant 39 : i32
        %broadcast_in_dim3A_670 = vector.broadcast %jit3A_669 : i32 to vector<16xi32>
        %select_n3A_671 = arith.select %gt3A_667, %broadcast_in_dim3A_670, %select_n3A_662 : vector<16xi1>, vector<16xi32>
        %get3A_672 = arith.constant 40 : i32
        %get3A_673 = arith.index_cast %get3A_672 : i32 to index
        %get3A_674 = arith.index_cast %mul3A_329 : i32 to index
        %get3A_675 = tpu.vector_load %arg5[%get3A_673, %get3A_674] {strides = array<i32>} : memref<64x512xf32, #tpu.memory_space<vmem>>, vector<16xf32>,
        %broadcast_in_dim3A_676 = arith.constant 40 : i32
        %broadcast_in_dim3A_677 = vector.broadcast %broadcast_in_dim3A_676 : i32 to vector<16xi32>
        %get3A_678 = arith.constant 41 : i32
        %get3A_679 = arith.index_cast %get3A_678 : i32 to index
        %get3A_680 = arith.index_cast %mul3A_329 : i32 to index
        %get3A_681 = tpu.vector_load %arg5[%get3A_679, %get3A_680] {strides = array<i32>} : memref<64x512xf32, #tpu.memory_space<vmem>>, vector<16xf32>,
        %gt3A_682 = arith.cmpf ogt, %get3A_681, %get3A_675 : vector<16xf32>
        %select_n3A_683 = arith.select %gt3A_682, %get3A_681, %get3A_675 : vector<16xi1>, vector<16xf32>
        %jit3A_684 = arith.constant 41 : i32
        %broadcast_in_dim3A_685 = vector.broadcast %jit3A_684 : i32 to vector<16xi32>
        %select_n3A_686 = arith.select %gt3A_682, %broadcast_in_dim3A_685, %broadcast_in_dim3A_677 : vector<16xi1>, vector<16xi32>
        %get3A_687 = arith.constant 42 : i32
        %get3A_688 = arith.index_cast %get3A_687 : i32 to index
        %get3A_689 = arith.index_cast %mul3A_329 : i32 to index
        %get3A_690 = tpu.vector_load %arg5[%get3A_688, %get3A_689] {strides = array<i32>} : memref<64x512xf32, #tpu.memory_space<vmem>>, vector<16xf32>,
        %gt3A_691 = arith.cmpf ogt, %get3A_690, %select_n3A_683 : vector<16xf32>
        %select_n3A_692 = arith.select %gt3A_691, %get3A_690, %select_n3A_683 : vector<16xi1>, vector<16xf32>
        %jit3A_693 = arith.constant 42 : i32
        %broadcast_in_dim3A_694 = vector.broadcast %jit3A_693 : i32 to vector<16xi32>
        %select_n3A_695 = arith.select %gt3A_691, %broadcast_in_dim3A_694, %select_n3A_686 : vector<16xi1>, vector<16xi32>
        %get3A_696 = arith.constant 43 : i32
        %get3A_697 = arith.index_cast %get3A_696 : i32 to index
        %get3A_698 = arith.index_cast %mul3A_329 : i32 to index
        %get3A_699 = tpu.vector_load %arg5[%get3A_697, %get3A_698] {strides = array<i32>} : memref<64x512xf32, #tpu.memory_space<vmem>>, vector<16xf32>,
        %gt3A_700 = arith.cmpf ogt, %get3A_699, %select_n3A_692 : vector<16xf32>
        %select_n3A_701 = arith.select %gt3A_700, %get3A_699, %select_n3A_692 : vector<16xi1>, vector<16xf32>
        %jit3A_702 = arith.constant 43 : i32
        %broadcast_in_dim3A_703 = vector.broadcast %jit3A_702 : i32 to vector<16xi32>
        %select_n3A_704 = arith.select %gt3A_700, %broadcast_in_dim3A_703, %select_n3A_695 : vector<16xi1>, vector<16xi32>
        %get3A_705 = arith.constant 44 : i32
        %get3A_706 = arith.index_cast %get3A_705 : i32 to index
        %get3A_707 = arith.index_cast %mul3A_329 : i32 to index
        %get3A_708 = tpu.vector_load %arg5[%get3A_706, %get3A_707] {strides = array<i32>} : memref<64x512xf32, #tpu.memory_space<vmem>>, vector<16xf32>,
        %gt3A_709 = arith.cmpf ogt, %get3A_708, %select_n3A_701 : vector<16xf32>
        %select_n3A_710 = arith.select %gt3A_709, %get3A_708, %select_n3A_701 : vector<16xi1>, vector<16xf32>
        %jit3A_711 = arith.constant 44 : i32
        %broadcast_in_dim3A_712 = vector.broadcast %jit3A_711 : i32 to vector<16xi32>
        %select_n3A_713 = arith.select %gt3A_709, %broadcast_in_dim3A_712, %select_n3A_704 : vector<16xi1>, vector<16xi32>
        %get3A_714 = arith.constant 45 : i32
        %get3A_715 = arith.index_cast %get3A_714 : i32 to index
        %get3A_716 = arith.index_cast %mul3A_329 : i32 to index
        %get3A_717 = tpu.vector_load %arg5[%get3A_715, %get3A_716] {strides = array<i32>} : memref<64x512xf32, #tpu.memory_space<vmem>>, vector<16xf32>,
        %gt3A_718 = arith.cmpf ogt, %get3A_717, %select_n3A_710 : vector<16xf32>
        %select_n3A_719 = arith.select %gt3A_718, %get3A_717, %select_n3A_710 : vector<16xi1>, vector<16xf32>
        %jit3A_720 = arith.constant 45 : i32
        %broadcast_in_dim3A_721 = vector.broadcast %jit3A_720 : i32 to vector<16xi32>
        %select_n3A_722 = arith.select %gt3A_718, %broadcast_in_dim3A_721, %select_n3A_713 : vector<16xi1>, vector<16xi32>
        %get3A_723 = arith.constant 46 : i32
        %get3A_724 = arith.index_cast %get3A_723 : i32 to index
        %get3A_725 = arith.index_cast %mul3A_329 : i32 to index
        %get3A_726 = tpu.vector_load %arg5[%get3A_724, %get3A_725] {strides = array<i32>} : memref<64x512xf32, #tpu.memory_space<vmem>>, vector<16xf32>,
        %gt3A_727 = arith.cmpf ogt, %get3A_726, %select_n3A_719 : vector<16xf32>
        %select_n3A_728 = arith.select %gt3A_727, %get3A_726, %select_n3A_719 : vector<16xi1>, vector<16xf32>
        %jit3A_729 = arith.constant 46 : i32
        %broadcast_in_dim3A_730 = vector.broadcast %jit3A_729 : i32 to vector<16xi32>
        %select_n3A_731 = arith.select %gt3A_727, %broadcast_in_dim3A_730, %select_n3A_722 : vector<16xi1>, vector<16xi32>
        %get3A_732 = arith.constant 47 : i32
        %get3A_733 = arith.index_cast %get3A_732 : i32 to index
        %get3A_734 = arith.index_cast %mul3A_329 : i32 to index
        %get3A_735 = tpu.vector_load %arg5[%get3A_733, %get3A_734] {strides = array<i32>} : memref<64x512xf32, #tpu.memory_space<vmem>>, vector<16xf32>,
        %gt3A_736 = arith.cmpf ogt, %get3A_735, %select_n3A_728 : vector<16xf32>
        %select_n3A_737 = arith.select %gt3A_736, %get3A_735, %select_n3A_728 : vector<16xi1>, vector<16xf32>
        %jit3A_738 = arith.constant 47 : i32
        %broadcast_in_dim3A_739 = vector.broadcast %jit3A_738 : i32 to vector<16xi32>
        %select_n3A_740 = arith.select %gt3A_736, %broadcast_in_dim3A_739, %select_n3A_731 : vector<16xi1>, vector<16xi32>
        %get3A_741 = arith.constant 48 : i32
        %get3A_742 = arith.index_cast %get3A_741 : i32 to index
        %get3A_743 = arith.index_cast %mul3A_329 : i32 to index
        %get3A_744 = tpu.vector_load %arg5[%get3A_742, %get3A_743] {strides = array<i32>} : memref<64x512xf32, #tpu.memory_space<vmem>>, vector<16xf32>,
        %broadcast_in_dim3A_745 = arith.constant 48 : i32
        %broadcast_in_dim3A_746 = vector.broadcast %broadcast_in_dim3A_745 : i32 to vector<16xi32>
        %get3A_747 = arith.constant 49 : i32
        %get3A_748 = arith.index_cast %get3A_747 : i32 to index
        %get3A_749 = arith.index_cast %mul3A_329 : i32 to index
        %get3A_750 = tpu.vector_load %arg5[%get3A_748, %get3A_749] {strides = array<i32>} : memref<64x512xf32, #tpu.memory_space<vmem>>, vector<16xf32>,
        %gt3A_751 = arith.cmpf ogt, %get3A_750, %get3A_744 : vector<16xf32>
        %select_n3A_752 = arith.select %gt3A_751, %get3A_750, %get3A_744 : vector<16xi1>, vector<16xf32>
        %jit3A_753 = arith.constant 49 : i32
        %broadcast_in_dim3A_754 = vector.broadcast %jit3A_753 : i32 to vector<16xi32>
        %select_n3A_755 = arith.select %gt3A_751, %broadcast_in_dim3A_754, %broadcast_in_dim3A_746 : vector<16xi1>, vector<16xi32>
        %get3A_756 = arith.constant 50 : i32
        %get3A_757 = arith.index_cast %get3A_756 : i32 to index
        %get3A_758 = arith.index_cast %mul3A_329 : i32 to index
        %get3A_759 = tpu.vector_load %arg5[%get3A_757, %get3A_758] {strides = array<i32>} : memref<64x512xf32, #tpu.memory_space<vmem>>, vector<16xf32>,
        %gt3A_760 = arith.cmpf ogt, %get3A_759, %select_n3A_752 : vector<16xf32>
        %select_n3A_761 = arith.select %gt3A_760, %get3A_759, %select_n3A_752 : vector<16xi1>, vector<16xf32>
        %jit3A_762 = arith.constant 50 : i32
        %broadcast_in_dim3A_763 = vector.broadcast %jit3A_762 : i32 to vector<16xi32>
        %select_n3A_764 = arith.select %gt3A_760, %broadcast_in_dim3A_763, %select_n3A_755 : vector<16xi1>, vector<16xi32>
        %get3A_765 = arith.constant 51 : i32
        %get3A_766 = arith.index_cast %get3A_765 : i32 to index
        %get3A_767 = arith.index_cast %mul3A_329 : i32 to index
        %get3A_768 = tpu.vector_load %arg5[%get3A_766, %get3A_767] {strides = array<i32>} : memref<64x512xf32, #tpu.memory_space<vmem>>, vector<16xf32>,
        %gt3A_769 = arith.cmpf ogt, %get3A_768, %select_n3A_761 : vector<16xf32>
        %select_n3A_770 = arith.select %gt3A_769, %get3A_768, %select_n3A_761 : vector<16xi1>, vector<16xf32>
        %jit3A_771 = arith.constant 51 : i32
        %broadcast_in_dim3A_772 = vector.broadcast %jit3A_771 : i32 to vector<16xi32>
        %select_n3A_773 = arith.select %gt3A_769, %broadcast_in_dim3A_772, %select_n3A_764 : vector<16xi1>, vector<16xi32>
        %get3A_774 = arith.constant 52 : i32
        %get3A_775 = arith.index_cast %get3A_774 : i32 to index
        %get3A_776 = arith.index_cast %mul3A_329 : i32 to index
        %get3A_777 = tpu.vector_load %arg5[%get3A_775, %get3A_776] {strides = array<i32>} : memref<64x512xf32, #tpu.memory_space<vmem>>, vector<16xf32>,
        %gt3A_778 = arith.cmpf ogt, %get3A_777, %select_n3A_770 : vector<16xf32>
        %select_n3A_779 = arith.select %gt3A_778, %get3A_777, %select_n3A_770 : vector<16xi1>, vector<16xf32>
        %jit3A_780 = arith.constant 52 : i32
        %broadcast_in_dim3A_781 = vector.broadcast %jit3A_780 : i32 to vector<16xi32>
        %select_n3A_782 = arith.select %gt3A_778, %broadcast_in_dim3A_781, %select_n3A_773 : vector<16xi1>, vector<16xi32>
        %get3A_783 = arith.constant 53 : i32
        %get3A_784 = arith.index_cast %get3A_783 : i32 to index
        %get3A_785 = arith.index_cast %mul3A_329 : i32 to index
        %get3A_786 = tpu.vector_load %arg5[%get3A_784, %get3A_785] {strides = array<i32>} : memref<64x512xf32, #tpu.memory_space<vmem>>, vector<16xf32>,
        %gt3A_787 = arith.cmpf ogt, %get3A_786, %select_n3A_779 : vector<16xf32>
        %select_n3A_788 = arith.select %gt3A_787, %get3A_786, %select_n3A_779 : vector<16xi1>, vector<16xf32>
        %jit3A_789 = arith.constant 53 : i32
        %broadcast_in_dim3A_790 = vector.broadcast %jit3A_789 : i32 to vector<16xi32>
        %select_n3A_791 = arith.select %gt3A_787, %broadcast_in_dim3A_790, %select_n3A_782 : vector<16xi1>, vector<16xi32>
        %get3A_792 = arith.constant 54 : i32
        %get3A_793 = arith.index_cast %get3A_792 : i32 to index
        %get3A_794 = arith.index_cast %mul3A_329 : i32 to index
        %get3A_795 = tpu.vector_load %arg5[%get3A_793, %get3A_794] {strides = array<i32>} : memref<64x512xf32, #tpu.memory_space<vmem>>, vector<16xf32>,
        %gt3A_796 = arith.cmpf ogt, %get3A_795, %select_n3A_788 : vector<16xf32>
        %select_n3A_797 = arith.select %gt3A_796, %get3A_795, %select_n3A_788 : vector<16xi1>, vector<16xf32>
        %jit3A_798 = arith.constant 54 : i32
        %broadcast_in_dim3A_799 = vector.broadcast %jit3A_798 : i32 to vector<16xi32>
        %select_n3A_800 = arith.select %gt3A_796, %broadcast_in_dim3A_799, %select_n3A_791 : vector<16xi1>, vector<16xi32>
        %get3A_801 = arith.constant 55 : i32
        %get3A_802 = arith.index_cast %get3A_801 : i32 to index
        %get3A_803 = arith.index_cast %mul3A_329 : i32 to index
        %get3A_804 = tpu.vector_load %arg5[%get3A_802, %get3A_803] {strides = array<i32>} : memref<64x512xf32, #tpu.memory_space<vmem>>, vector<16xf32>,
        %gt3A_805 = arith.cmpf ogt, %get3A_804, %select_n3A_797 : vector<16xf32>
        %select_n3A_806 = arith.select %gt3A_805, %get3A_804, %select_n3A_797 : vector<16xi1>, vector<16xf32>
        %jit3A_807 = arith.constant 55 : i32
        %broadcast_in_dim3A_808 = vector.broadcast %jit3A_807 : i32 to vector<16xi32>
        %select_n3A_809 = arith.select %gt3A_805, %broadcast_in_dim3A_808, %select_n3A_800 : vector<16xi1>, vector<16xi32>
        %get3A_810 = arith.constant 56 : i32
        %get3A_811 = arith.index_cast %get3A_810 : i32 to index
        %get3A_812 = arith.index_cast %mul3A_329 : i32 to index
        %get3A_813 = tpu.vector_load %arg5[%get3A_811, %get3A_812] {strides = array<i32>} : memref<64x512xf32, #tpu.memory_space<vmem>>, vector<16xf32>,
        %broadcast_in_dim3A_814 = arith.constant 56 : i32
        %broadcast_in_dim3A_815 = vector.broadcast %broadcast_in_dim3A_814 : i32 to vector<16xi32>
        %get3A_816 = arith.constant 57 : i32
        %get3A_817 = arith.index_cast %get3A_816 : i32 to index
        %get3A_818 = arith.index_cast %mul3A_329 : i32 to index
        %get3A_819 = tpu.vector_load %arg5[%get3A_817, %get3A_818] {strides = array<i32>} : memref<64x512xf32, #tpu.memory_space<vmem>>, vector<16xf32>,
        %gt3A_820 = arith.cmpf ogt, %get3A_819, %get3A_813 : vector<16xf32>
        %select_n3A_821 = arith.select %gt3A_820, %get3A_819, %get3A_813 : vector<16xi1>, vector<16xf32>
        %jit3A_822 = arith.constant 57 : i32
        %broadcast_in_dim3A_823 = vector.broadcast %jit3A_822 : i32 to vector<16xi32>
        %select_n3A_824 = arith.select %gt3A_820, %broadcast_in_dim3A_823, %broadcast_in_dim3A_815 : vector<16xi1>, vector<16xi32>
        %get3A_825 = arith.constant 58 : i32
        %get3A_826 = arith.index_cast %get3A_825 : i32 to index
        %get3A_827 = arith.index_cast %mul3A_329 : i32 to index
        %get3A_828 = tpu.vector_load %arg5[%get3A_826, %get3A_827] {strides = array<i32>} : memref<64x512xf32, #tpu.memory_space<vmem>>, vector<16xf32>,
        %gt3A_829 = arith.cmpf ogt, %get3A_828, %select_n3A_821 : vector<16xf32>
        %select_n3A_830 = arith.select %gt3A_829, %get3A_828, %select_n3A_821 : vector<16xi1>, vector<16xf32>
        %jit3A_831 = arith.constant 58 : i32
        %broadcast_in_dim3A_832 = vector.broadcast %jit3A_831 : i32 to vector<16xi32>
        %select_n3A_833 = arith.select %gt3A_829, %broadcast_in_dim3A_832, %select_n3A_824 : vector<16xi1>, vector<16xi32>
        %get3A_834 = arith.constant 59 : i32
        %get3A_835 = arith.index_cast %get3A_834 : i32 to index
        %get3A_836 = arith.index_cast %mul3A_329 : i32 to index
        %get3A_837 = tpu.vector_load %arg5[%get3A_835, %get3A_836] {strides = array<i32>} : memref<64x512xf32, #tpu.memory_space<vmem>>, vector<16xf32>,
        %gt3A_838 = arith.cmpf ogt, %get3A_837, %select_n3A_830 : vector<16xf32>
        %select_n3A_839 = arith.select %gt3A_838, %get3A_837, %select_n3A_830 : vector<16xi1>, vector<16xf32>
        %jit3A_840 = arith.constant 59 : i32
        %broadcast_in_dim3A_841 = vector.broadcast %jit3A_840 : i32 to vector<16xi32>
        %select_n3A_842 = arith.select %gt3A_838, %broadcast_in_dim3A_841, %select_n3A_833 : vector<16xi1>, vector<16xi32>
        %get3A_843 = arith.constant 60 : i32
        %get3A_844 = arith.index_cast %get3A_843 : i32 to index
        %get3A_845 = arith.index_cast %mul3A_329 : i32 to index
        %get3A_846 = tpu.vector_load %arg5[%get3A_844, %get3A_845] {strides = array<i32>} : memref<64x512xf32, #tpu.memory_space<vmem>>, vector<16xf32>,
        %gt3A_847 = arith.cmpf ogt, %get3A_846, %select_n3A_839 : vector<16xf32>
        %select_n3A_848 = arith.select %gt3A_847, %get3A_846, %select_n3A_839 : vector<16xi1>, vector<16xf32>
        %jit3A_849 = arith.constant 60 : i32
        %broadcast_in_dim3A_850 = vector.broadcast %jit3A_849 : i32 to vector<16xi32>
        %select_n3A_851 = arith.select %gt3A_847, %broadcast_in_dim3A_850, %select_n3A_842 : vector<16xi1>, vector<16xi32>
        %get3A_852 = arith.constant 61 : i32
        %get3A_853 = arith.index_cast %get3A_852 : i32 to index
        %get3A_854 = arith.index_cast %mul3A_329 : i32 to index
        %get3A_855 = tpu.vector_load %arg5[%get3A_853, %get3A_854] {strides = array<i32>} : memref<64x512xf32, #tpu.memory_space<vmem>>, vector<16xf32>,
        %gt3A_856 = arith.cmpf ogt, %get3A_855, %select_n3A_848 : vector<16xf32>
        %select_n3A_857 = arith.select %gt3A_856, %get3A_855, %select_n3A_848 : vector<16xi1>, vector<16xf32>
        %jit3A_858 = arith.constant 61 : i32
        %broadcast_in_dim3A_859 = vector.broadcast %jit3A_858 : i32 to vector<16xi32>
        %select_n3A_860 = arith.select %gt3A_856, %broadcast_in_dim3A_859, %select_n3A_851 : vector<16xi1>, vector<16xi32>
        %get3A_861 = arith.constant 62 : i32
        %get3A_862 = arith.index_cast %get3A_861 : i32 to index
        %get3A_863 = arith.index_cast %mul3A_329 : i32 to index
        %get3A_864 = tpu.vector_load %arg5[%get3A_862, %get3A_863] {strides = array<i32>} : memref<64x512xf32, #tpu.memory_space<vmem>>, vector<16xf32>,
        %gt3A_865 = arith.cmpf ogt, %get3A_864, %select_n3A_857 : vector<16xf32>
        %select_n3A_866 = arith.select %gt3A_865, %get3A_864, %select_n3A_857 : vector<16xi1>, vector<16xf32>
        %jit3A_867 = arith.constant 62 : i32
        %broadcast_in_dim3A_868 = vector.broadcast %jit3A_867 : i32 to vector<16xi32>
        %select_n3A_869 = arith.select %gt3A_865, %broadcast_in_dim3A_868, %select_n3A_860 : vector<16xi1>, vector<16xi32>
        %get3A_870 = arith.constant 63 : i32
        %get3A_871 = arith.index_cast %get3A_870 : i32 to index
        %get3A_872 = arith.index_cast %mul3A_329 : i32 to index
        %get3A_873 = tpu.vector_load %arg5[%get3A_871, %get3A_872] {strides = array<i32>} : memref<64x512xf32, #tpu.memory_space<vmem>>, vector<16xf32>,
        %gt3A_874 = arith.cmpf ogt, %get3A_873, %select_n3A_866 : vector<16xf32>
        %select_n3A_875 = arith.select %gt3A_874, %get3A_873, %select_n3A_866 : vector<16xi1>, vector<16xf32>
        %jit3A_876 = arith.constant 63 : i32
        %broadcast_in_dim3A_877 = vector.broadcast %jit3A_876 : i32 to vector<16xi32>
        %select_n3A_878 = arith.select %gt3A_874, %broadcast_in_dim3A_877, %select_n3A_869 : vector<16xi1>, vector<16xi32>
        %gt3A_879 = arith.cmpf ogt, %select_n3A_461, %select_n3A_392 : vector<16xf32>
        %select_n3A_880 = arith.select %gt3A_879, %select_n3A_461, %select_n3A_392 : vector<16xi1>, vector<16xf32>
        %select_n3A_881 = arith.select %gt3A_879, %select_n3A_464, %select_n3A_395 : vector<16xi1>, vector<16xi32>
        %gt3A_882 = arith.cmpf ogt, %select_n3A_599, %select_n3A_530 : vector<16xf32>
        %select_n3A_883 = arith.select %gt3A_882, %select_n3A_599, %select_n3A_530 : vector<16xi1>, vector<16xf32>
        %select_n3A_884 = arith.select %gt3A_882, %select_n3A_602, %select_n3A_533 : vector<16xi1>, vector<16xi32>
        %gt3A_885 = arith.cmpf ogt, %select_n3A_737, %select_n3A_668 : vector<16xf32>
        %select_n3A_886 = arith.select %gt3A_885, %select_n3A_737, %select_n3A_668 : vector<16xi1>, vector<16xf32>
        %select_n3A_887 = arith.select %gt3A_885, %select_n3A_740, %select_n3A_671 : vector<16xi1>, vector<16xi32>
        %gt3A_888 = arith.cmpf ogt, %select_n3A_875, %select_n3A_806 : vector<16xf32>
        %select_n3A_889 = arith.select %gt3A_888, %select_n3A_875, %select_n3A_806 : vector<16xi1>, vector<16xf32>
        %select_n3A_890 = arith.select %gt3A_888, %select_n3A_878, %select_n3A_809 : vector<16xi1>, vector<16xi32>
        %gt3A_891 = arith.cmpf ogt, %select_n3A_883, %select_n3A_880 : vector<16xf32>
        %select_n3A_892 = arith.select %gt3A_891, %select_n3A_883, %select_n3A_880 : vector<16xi1>, vector<16xf32>
        %select_n3A_893 = arith.select %gt3A_891, %select_n3A_884, %select_n3A_881 : vector<16xi1>, vector<16xi32>
        %gt3A_894 = arith.cmpf ogt, %select_n3A_889, %select_n3A_886 : vector<16xf32>
        %select_n3A_895 = arith.select %gt3A_894, %select_n3A_889, %select_n3A_886 : vector<16xi1>, vector<16xf32>
        %select_n3A_896 = arith.select %gt3A_894, %select_n3A_890, %select_n3A_887 : vector<16xi1>, vector<16xi32>
        %gt3A_897 = arith.cmpf ogt, %select_n3A_895, %select_n3A_892 : vector<16xf32>
        %select_n3A_898 = arith.select %gt3A_897, %select_n3A_895, %select_n3A_892 : vector<16xi1>, vector<16xf32>
        %select_n3A_899 = arith.select %gt3A_897, %select_n3A_896, %select_n3A_893 : vector<16xi1>, vector<16xi32>
        %gather3A = tpu.vector_load_idx %arg8[%select_n3A_899] : memref<64xi32, #tpu.memory_space<vmem>>[vector<16xi32>], vector<16xi32>,
        %swap3A = arith.index_cast %mul3A_329 : i32 to index
        %swap3A_900 = tpu.vector_load %arg7[%swap3A] {strides = array<i32>} : memref<512xi32, #tpu.memory_space<vmem>>, vector<16xi32>,
        tpu.vector_store %arg7[%swap3A], %gather3A {strides = array<i32>} : memref<512xi32, #tpu.memory_space<vmem>>, vector<16xi32>,
      }
      %scan3A_155 = arith.constant 32 : i32
      %jit3A_156 = arith.constant 8 : i32
      %div3A_157 = arith.divsi %add3A_102, %jit3A_156 : i32
      %sign3A_158 = arith.constant 0 : i32
      %sign3A_159 = arith.cmpi sgt, %add3A_102, %sign3A_158 : i32
      %sign3A_160 = arith.extui %sign3A_159 : i1 to i32
      %sign3A_161 = arith.constant 0 : i32
      %sign3A_162 = arith.cmpi slt, %add3A_102, %sign3A_161 : i32
      %sign3A_163 = arith.extui %sign3A_162 : i1 to i32
      %sign3A_164 = arith.subi %sign3A_160, %sign3A_163 : i32
      %sign3A_165 = arith.constant 0 : i32
      %sign3A_166 = arith.cmpi sgt, %jit3A_156, %sign3A_165 : i32
      %sign3A_167 = arith.extui %sign3A_166 : i1 to i32
      %sign3A_168 = arith.constant 0 : i32
      %sign3A_169 = arith.cmpi slt, %jit3A_156, %sign3A_168 : i32
      %sign3A_170 = arith.extui %sign3A_169 : i1 to i32
      %sign3A_171 = arith.subi %sign3A_167, %sign3A_170 : i32
      %ne3A_172 = arith.cmpi ne, %sign3A_164, %sign3A_171 : i32
      %rem3A_173 = arith.remsi %add3A_102, %jit3A_156 : i32
      %ne3A_174 = arith.constant 0 : i32
      %ne3A_175 = arith.cmpi ne, %rem3A_173, %ne3A_174 : i32
      %and3A_176 = arith.andi %ne3A_172, %ne3A_175 : i1
      %sub3A_177 = arith.constant 1 : i32
      %sub3A_178 = arith.subi %div3A_157, %sub3A_177 : i32
      %select_n3A_179 = arith.select %and3A_176, %sub3A_178, %div3A_157 : i32
      %add3A_180 = arith.constant 64 : i32
      %add3A_181 = arith.addi %add3A_180, %select_n3A_179 : i32
      %jit3A_182 = arith.constant 8 : i32
      %eq3A_183 = arith.constant 0 : i32
      %eq3A_184 = arith.cmpi eq, %jit3A_182, %eq3A_183 : i32
      %jit3A_185 = arith.constant 1 : i32
      %select_n3A_186 = arith.select %eq3A_184, %jit3A_185, %jit3A_182 : i32
      %rem3A_187 = arith.remsi %add3A_102, %select_n3A_186 : i32
      %ne3A_188 = arith.constant 0 : i32
      %ne3A_189 = arith.cmpi ne, %rem3A_187, %ne3A_188 : i32
      %lt3A_190 = arith.constant 0 : i32
      %lt3A_191 = arith.cmpi slt, %rem3A_187, %lt3A_190 : i32
      %lt3A_192 = arith.constant 0 : i32
      %lt3A_193 = arith.cmpi slt, %select_n3A_186, %lt3A_192 : i32
      %ne3A_194 = arith.xori %lt3A_191, %lt3A_193 : i1
      %and3A_195 = arith.andi %ne3A_194, %ne3A_189 : i1
      %add3A_196 = arith.addi %rem3A_187, %select_n3A_186 : i32
      %select_n3A_197 = arith.select %and3A_195, %add3A_196, %rem3A_187 : i32
      %mul3A_198 = arith.constant 512 : i32
      %mul3A_199 = arith.muli %select_n3A_197, %mul3A_198 : i32
      %sub3A_200 = arith.constant 64 : i32
      %sub3A_201 = arith.subi %add3A_181, %sub3A_200 : i32
      %mul3A_202 = arith.constant 4096 : i32
      %mul3A_203 = arith.muli %sub3A_201, %mul3A_202 : i32
      %add3A_204 = arith.addi %mul3A_203, %mul3A_199 : i32
      "tpu.region"() ({
        %run_scoped3A = tpu.sem_alloc : memref<!tpu.dma_semaphore, #tpu.memory_space<semaphore_mem>>
        %dma_start3A_327 = tpu.memref_slice %arg4[%add3A_204] : memref<557056xi32, #tpu.memory_space<hbm>> -> memref<512xi32, #tpu.memory_space<hbm>>
        %dma_start3A_328 = tpu.memref_slice %arg4[%add3A_204] : memref<557056xi32, #tpu.memory_space<hbm>> -> memref<512xi32, #tpu.memory_space<hbm>>
        tpu.enqueue_dma source(%arg7 : memref<512xi32, #tpu.memory_space<vmem>>) target(%dma_start3A_328 : memref<512xi32, #tpu.memory_space<hbm>>) target_semaphore(%run_scoped3A : memref<!tpu.dma_semaphore, #tpu.memory_space<semaphore_mem>>)
        %dma_wait3A_329 = tpu.memref_slice %arg4[%add3A_204] : memref<557056xi32, #tpu.memory_space<hbm>> -> memref<512xi32, #tpu.memory_space<hbm>>
        %dma_wait3A_330 = tpu.memref_slice %arg4[%add3A_204] : memref<557056xi32, #tpu.memory_space<hbm>> -> memref<512xi32, #tpu.memory_space<hbm>>
        tpu.wait_dma2 semaphore(%run_scoped3A : memref<!tpu.dma_semaphore, #tpu.memory_space<semaphore_mem>>) src(%arg7 : memref<512xi32, #tpu.memory_space<vmem>>) dst(%dma_wait3A_330 : memref<512xi32, #tpu.memory_space<hbm>>)
        tpu.yield
      }) : () -> ()
      %add3A_205 = arith.constant 2 : i32
      %add3A_206 = arith.addi %add3A_102, %add3A_205 : i32
      %add3A_207 = arith.constant 34 : i32
      %add3A_208 = arith.addi %mul3A_2, %add3A_207 : i32
      %lt3A_209 = arith.cmpi slt, %add3A_206, %add3A_208 : i32
      %convert_element_type3A = arith.extui %lt3A_209 : i1 to i32
      %cond3A = arith.constant 0 : i32
      %cond3A_210 = arith.cmpi ne, %convert_element_type3A, %cond3A : i32
      scf.if %cond3A_210 {
        %jit3A_327 = arith.constant 8 : i32
        %div3A_328 = arith.divsi %add3A_206, %jit3A_327 : i32
        %sign3A_329 = arith.constant 0 : i32
        %sign3A_330 = arith.cmpi sgt, %add3A_206, %sign3A_329 : i32
        %sign3A_331 = arith.extui %sign3A_330 : i1 to i32
        %sign3A_332 = arith.constant 0 : i32
        %sign3A_333 = arith.cmpi slt, %add3A_206, %sign3A_332 : i32
        %sign3A_334 = arith.extui %sign3A_333 : i1 to i32
        %sign3A_335 = arith.subi %sign3A_331, %sign3A_334 : i32
        %sign3A_336 = arith.constant 0 : i32
        %sign3A_337 = arith.cmpi sgt, %jit3A_327, %sign3A_336 : i32
        %sign3A_338 = arith.extui %sign3A_337 : i1 to i32
        %sign3A_339 = arith.constant 0 : i32
        %sign3A_340 = arith.cmpi slt, %jit3A_327, %sign3A_339 : i32
        %sign3A_341 = arith.extui %sign3A_340 : i1 to i32
        %sign3A_342 = arith.subi %sign3A_338, %sign3A_341 : i32
        %ne3A_343 = arith.cmpi ne, %sign3A_335, %sign3A_342 : i32
        %rem3A_344 = arith.remsi %add3A_206, %jit3A_327 : i32
        %ne3A_345 = arith.constant 0 : i32
        %ne3A_346 = arith.cmpi ne, %rem3A_344, %ne3A_345 : i32
        %and3A_347 = arith.andi %ne3A_343, %ne3A_346 : i1
        %sub3A_348 = arith.constant 1 : i32
        %sub3A_349 = arith.subi %div3A_328, %sub3A_348 : i32
        %select_n3A_350 = arith.select %and3A_347, %sub3A_349, %div3A_328 : i32
        %add3A_351 = arith.constant 64 : i32
        %add3A_352 = arith.addi %add3A_351, %select_n3A_350 : i32
        %jit3A_353 = arith.constant 8 : i32
        %eq3A_354 = arith.constant 0 : i32
        %eq3A_355 = arith.cmpi eq, %jit3A_353, %eq3A_354 : i32
        %jit3A_356 = arith.constant 1 : i32
        %select_n3A_357 = arith.select %eq3A_355, %jit3A_356, %jit3A_353 : i32
        %rem3A_358 = arith.remsi %add3A_206, %select_n3A_357 : i32
        %ne3A_359 = arith.constant 0 : i32
        %ne3A_360 = arith.cmpi ne, %rem3A_358, %ne3A_359 : i32
        %lt3A_361 = arith.constant 0 : i32
        %lt3A_362 = arith.cmpi slt, %rem3A_358, %lt3A_361 : i32
        %lt3A_363 = arith.constant 0 : i32
        %lt3A_364 = arith.cmpi slt, %select_n3A_357, %lt3A_363 : i32
        %ne3A_365 = arith.xori %lt3A_362, %lt3A_364 : i1
        %and3A_366 = arith.andi %ne3A_365, %ne3A_360 : i1
        %add3A_367 = arith.addi %rem3A_358, %select_n3A_357 : i32
        %select_n3A_368 = arith.select %and3A_366, %add3A_367, %rem3A_358 : i32
        %mul3A_369 = arith.constant 512 : i32
        %mul3A_370 = arith.muli %select_n3A_368, %mul3A_369 : i32
        %mul3A_371 = arith.constant 64 : i32
        %mul3A_372 = arith.muli %add3A_352, %mul3A_371 : i32
        %dma_start3A_373 = tpu.memref_slice %arg2[%mul3A_372, %mul3A_370] : memref<12800x4096xf32, #tpu.memory_space<hbm>> -> memref<64x512xf32, #tpu.memory_space<hbm>>
        %dma_start3A_374 = tpu.memref_slice %arg2[%mul3A_372, %mul3A_370] : memref<12800x4096xf32, #tpu.memory_space<hbm>> -> memref<64x512xf32, #tpu.memory_space<hbm>>
        tpu.enqueue_dma source(%dma_start3A_374 : memref<64x512xf32, #tpu.memory_space<hbm>>) target(%arg5 : memref<64x512xf32, #tpu.memory_space<vmem>>) target_semaphore(%arg9 : memref<!tpu.dma_semaphore, #tpu.memory_space<semaphore_mem>>)
      } else {
      }
      %mul3A_211 = arith.constant 2 : i32
      %mul3A_212 = arith.muli %scan3A_97, %mul3A_211 : i32
      %add3A_213 = arith.addi %mul3A_2, %mul3A_212 : i32
      %add3A_214 = arith.constant 1 : i32
      %add3A_215 = arith.addi %add3A_213, %add3A_214 : i32
      %jit3A_216 = arith.constant 8 : i32
      %div3A_217 = arith.divsi %add3A_215, %jit3A_216 : i32
      %sign3A_218 = arith.constant 0 : i32
      %sign3A_219 = arith.cmpi sgt, %add3A_215, %sign3A_218 : i32
      %sign3A_220 = arith.extui %sign3A_219 : i1 to i32
      %sign3A_221 = arith.constant 0 : i32
      %sign3A_222 = arith.cmpi slt, %add3A_215, %sign3A_221 : i32
      %sign3A_223 = arith.extui %sign3A_222 : i1 to i32
      %sign3A_224 = arith.subi %sign3A_220, %sign3A_223 : i32
      %sign3A_225 = arith.constant 0 : i32
      %sign3A_226 = arith.cmpi sgt, %jit3A_216, %sign3A_225 : i32
      %sign3A_227 = arith.extui %sign3A_226 : i1 to i32
      %sign3A_228 = arith.constant 0 : i32
      %sign3A_229 = arith.cmpi slt, %jit3A_216, %sign3A_228 : i32
      %sign3A_230 = arith.extui %sign3A_229 : i1 to i32
      %sign3A_231 = arith.subi %sign3A_227, %sign3A_230 : i32
      %ne3A_232 = arith.cmpi ne, %sign3A_224, %sign3A_231 : i32
      %rem3A_233 = arith.remsi %add3A_215, %jit3A_216 : i32
      %ne3A_234 = arith.constant 0 : i32
      %ne3A_235 = arith.cmpi ne, %rem3A_233, %ne3A_234 : i32
      %and3A_236 = arith.andi %ne3A_232, %ne3A_235 : i1
      %sub3A_237 = arith.constant 1 : i32
      %sub3A_238 = arith.subi %div3A_217, %sub3A_237 : i32
      %select_n3A_239 = arith.select %and3A_236, %sub3A_238, %div3A_217 : i32
      %add3A_240 = arith.constant 64 : i32
      %add3A_241 = arith.addi %add3A_240, %select_n3A_239 : i32
      %jit3A_242 = arith.constant 8 : i32
      %eq3A_243 = arith.constant 0 : i32
      %eq3A_244 = arith.cmpi eq, %jit3A_242, %eq3A_243 : i32
      %jit3A_245 = arith.constant 1 : i32
      %select_n3A_246 = arith.select %eq3A_244, %jit3A_245, %jit3A_242 : i32
      %rem3A_247 = arith.remsi %add3A_215, %select_n3A_246 : i32
      %ne3A_248 = arith.constant 0 : i32
      %ne3A_249 = arith.cmpi ne, %rem3A_247, %ne3A_248 : i32
      %lt3A_250 = arith.constant 0 : i32
      %lt3A_251 = arith.cmpi slt, %rem3A_247, %lt3A_250 : i32
      %lt3A_252 = arith.constant 0 : i32
      %lt3A_253 = arith.cmpi slt, %select_n3A_246, %lt3A_252 : i32
      %ne3A_254 = arith.xori %lt3A_251, %lt3A_253 : i1
      %and3A_255 = arith.andi %ne3A_254, %ne3A_249 : i1
      %add3A_256 = arith.addi %rem3A_247, %select_n3A_246 : i32
      %select_n3A_257 = arith.select %and3A_255, %add3A_256, %rem3A_247 : i32
      %mul3A_258 = arith.constant 512 : i32
      %mul3A_259 = arith.muli %select_n3A_257, %mul3A_258 : i32
      %mul3A_260 = arith.constant 64 : i32
      %mul3A_261 = arith.muli %add3A_241, %mul3A_260 : i32
      %dma_wait3A_262 = tpu.memref_slice %arg2[%mul3A_261, %mul3A_259] : memref<12800x4096xf32, #tpu.memory_space<hbm>> -> memref<64x512xf32, #tpu.memory_space<hbm>>
      %dma_wait3A_263 = tpu.memref_slice %arg2[%mul3A_261, %mul3A_259] : memref<12800x4096xf32, #tpu.memory_space<hbm>> -> memref<64x512xf32, #tpu.memory_space<hbm>>
      tpu.wait_dma2 semaphore(%arg10 : memref<!tpu.dma_semaphore, #tpu.memory_space<semaphore_mem>>) src(%dma_wait3A_263 : memref<64x512xf32, #tpu.memory_space<hbm>>) dst(%arg6 : memref<64x512xf32, #tpu.memory_space<vmem>>)
      %scan3A_264 = arith.constant 0 : i32
      %scan3A_265 = arith.constant 0 : i32
      %scan3A_266 = arith.constant 32 : i32
      %scan3A_267 = arith.addi %scan3A_265, %scan3A_266 : i32
      %scan3A_268 = arith.constant 1 : i32
      scf.for %scan3A_327 = %scan3A_265 to %scan3A_267 step %scan3A_268  : i32 {
        %mul3A_328 = arith.constant 16 : i32
        %mul3A_329 = arith.muli %scan3A_327, %mul3A_328 : i32
        %get3A = arith.constant 0 : i32
        %get3A_330 = arith.index_cast %get3A : i32 to index
        %get3A_331 = arith.index_cast %mul3A_329 : i32 to index
        %get3A_332 = tpu.vector_load %arg6[%get3A_330, %get3A_331] {strides = array<i32>} : memref<64x512xf32, #tpu.memory_space<vmem>>, vector<16xf32>,
        %broadcast_in_dim3A = arith.constant 0 : i32
        %broadcast_in_dim3A_333 = vector.broadcast %broadcast_in_dim3A : i32 to vector<16xi32>
        %get3A_334 = arith.constant 1 : i32
        %get3A_335 = arith.index_cast %get3A_334 : i32 to index
        %get3A_336 = arith.index_cast %mul3A_329 : i32 to index
        %get3A_337 = tpu.vector_load %arg6[%get3A_335, %get3A_336] {strides = array<i32>} : memref<64x512xf32, #tpu.memory_space<vmem>>, vector<16xf32>,
        %gt3A = arith.cmpf ogt, %get3A_337, %get3A_332 : vector<16xf32>
        %select_n3A_338 = arith.select %gt3A, %get3A_337, %get3A_332 : vector<16xi1>, vector<16xf32>
        %jit3A_339 = arith.constant 1 : i32
        %broadcast_in_dim3A_340 = vector.broadcast %jit3A_339 : i32 to vector<16xi32>
        %select_n3A_341 = arith.select %gt3A, %broadcast_in_dim3A_340, %broadcast_in_dim3A_333 : vector<16xi1>, vector<16xi32>
        %get3A_342 = arith.constant 2 : i32
        %get3A_343 = arith.index_cast %get3A_342 : i32 to index
        %get3A_344 = arith.index_cast %mul3A_329 : i32 to index
        %get3A_345 = tpu.vector_load %arg6[%get3A_343, %get3A_344] {strides = array<i32>} : memref<64x512xf32, #tpu.memory_space<vmem>>, vector<16xf32>,
        %gt3A_346 = arith.cmpf ogt, %get3A_345, %select_n3A_338 : vector<16xf32>
        %select_n3A_347 = arith.select %gt3A_346, %get3A_345, %select_n3A_338 : vector<16xi1>, vector<16xf32>
        %jit3A_348 = arith.constant 2 : i32
        %broadcast_in_dim3A_349 = vector.broadcast %jit3A_348 : i32 to vector<16xi32>
        %select_n3A_350 = arith.select %gt3A_346, %broadcast_in_dim3A_349, %select_n3A_341 : vector<16xi1>, vector<16xi32>
        %get3A_351 = arith.constant 3 : i32
        %get3A_352 = arith.index_cast %get3A_351 : i32 to index
        %get3A_353 = arith.index_cast %mul3A_329 : i32 to index
        %get3A_354 = tpu.vector_load %arg6[%get3A_352, %get3A_353] {strides = array<i32>} : memref<64x512xf32, #tpu.memory_space<vmem>>, vector<16xf32>,
        %gt3A_355 = arith.cmpf ogt, %get3A_354, %select_n3A_347 : vector<16xf32>
        %select_n3A_356 = arith.select %gt3A_355, %get3A_354, %select_n3A_347 : vector<16xi1>, vector<16xf32>
        %jit3A_357 = arith.constant 3 : i32
        %broadcast_in_dim3A_358 = vector.broadcast %jit3A_357 : i32 to vector<16xi32>
        %select_n3A_359 = arith.select %gt3A_355, %broadcast_in_dim3A_358, %select_n3A_350 : vector<16xi1>, vector<16xi32>
        %get3A_360 = arith.constant 4 : i32
        %get3A_361 = arith.index_cast %get3A_360 : i32 to index
        %get3A_362 = arith.index_cast %mul3A_329 : i32 to index
        %get3A_363 = tpu.vector_load %arg6[%get3A_361, %get3A_362] {strides = array<i32>} : memref<64x512xf32, #tpu.memory_space<vmem>>, vector<16xf32>,
        %gt3A_364 = arith.cmpf ogt, %get3A_363, %select_n3A_356 : vector<16xf32>
        %select_n3A_365 = arith.select %gt3A_364, %get3A_363, %select_n3A_356 : vector<16xi1>, vector<16xf32>
        %jit3A_366 = arith.constant 4 : i32
        %broadcast_in_dim3A_367 = vector.broadcast %jit3A_366 : i32 to vector<16xi32>
        %select_n3A_368 = arith.select %gt3A_364, %broadcast_in_dim3A_367, %select_n3A_359 : vector<16xi1>, vector<16xi32>
        %get3A_369 = arith.constant 5 : i32
        %get3A_370 = arith.index_cast %get3A_369 : i32 to index
        %get3A_371 = arith.index_cast %mul3A_329 : i32 to index
        %get3A_372 = tpu.vector_load %arg6[%get3A_370, %get3A_371] {strides = array<i32>} : memref<64x512xf32, #tpu.memory_space<vmem>>, vector<16xf32>,
        %gt3A_373 = arith.cmpf ogt, %get3A_372, %select_n3A_365 : vector<16xf32>
        %select_n3A_374 = arith.select %gt3A_373, %get3A_372, %select_n3A_365 : vector<16xi1>, vector<16xf32>
        %jit3A_375 = arith.constant 5 : i32
        %broadcast_in_dim3A_376 = vector.broadcast %jit3A_375 : i32 to vector<16xi32>
        %select_n3A_377 = arith.select %gt3A_373, %broadcast_in_dim3A_376, %select_n3A_368 : vector<16xi1>, vector<16xi32>
        %get3A_378 = arith.constant 6 : i32
        %get3A_379 = arith.index_cast %get3A_378 : i32 to index
        %get3A_380 = arith.index_cast %mul3A_329 : i32 to index
        %get3A_381 = tpu.vector_load %arg6[%get3A_379, %get3A_380] {strides = array<i32>} : memref<64x512xf32, #tpu.memory_space<vmem>>, vector<16xf32>,
        %gt3A_382 = arith.cmpf ogt, %get3A_381, %select_n3A_374 : vector<16xf32>
        %select_n3A_383 = arith.select %gt3A_382, %get3A_381, %select_n3A_374 : vector<16xi1>, vector<16xf32>
        %jit3A_384 = arith.constant 6 : i32
        %broadcast_in_dim3A_385 = vector.broadcast %jit3A_384 : i32 to vector<16xi32>
        %select_n3A_386 = arith.select %gt3A_382, %broadcast_in_dim3A_385, %select_n3A_377 : vector<16xi1>, vector<16xi32>
        %get3A_387 = arith.constant 7 : i32
        %get3A_388 = arith.index_cast %get3A_387 : i32 to index
        %get3A_389 = arith.index_cast %mul3A_329 : i32 to index
        %get3A_390 = tpu.vector_load %arg6[%get3A_388, %get3A_389] {strides = array<i32>} : memref<64x512xf32, #tpu.memory_space<vmem>>, vector<16xf32>,
        %gt3A_391 = arith.cmpf ogt, %get3A_390, %select_n3A_383 : vector<16xf32>
        %select_n3A_392 = arith.select %gt3A_391, %get3A_390, %select_n3A_383 : vector<16xi1>, vector<16xf32>
        %jit3A_393 = arith.constant 7 : i32
        %broadcast_in_dim3A_394 = vector.broadcast %jit3A_393 : i32 to vector<16xi32>
        %select_n3A_395 = arith.select %gt3A_391, %broadcast_in_dim3A_394, %select_n3A_386 : vector<16xi1>, vector<16xi32>
        %get3A_396 = arith.constant 8 : i32
        %get3A_397 = arith.index_cast %get3A_396 : i32 to index
        %get3A_398 = arith.index_cast %mul3A_329 : i32 to index
        %get3A_399 = tpu.vector_load %arg6[%get3A_397, %get3A_398] {strides = array<i32>} : memref<64x512xf32, #tpu.memory_space<vmem>>, vector<16xf32>,
        %broadcast_in_dim3A_400 = arith.constant 8 : i32
        %broadcast_in_dim3A_401 = vector.broadcast %broadcast_in_dim3A_400 : i32 to vector<16xi32>
        %get3A_402 = arith.constant 9 : i32
        %get3A_403 = arith.index_cast %get3A_402 : i32 to index
        %get3A_404 = arith.index_cast %mul3A_329 : i32 to index
        %get3A_405 = tpu.vector_load %arg6[%get3A_403, %get3A_404] {strides = array<i32>} : memref<64x512xf32, #tpu.memory_space<vmem>>, vector<16xf32>,
        %gt3A_406 = arith.cmpf ogt, %get3A_405, %get3A_399 : vector<16xf32>
        %select_n3A_407 = arith.select %gt3A_406, %get3A_405, %get3A_399 : vector<16xi1>, vector<16xf32>
        %jit3A_408 = arith.constant 9 : i32
        %broadcast_in_dim3A_409 = vector.broadcast %jit3A_408 : i32 to vector<16xi32>
        %select_n3A_410 = arith.select %gt3A_406, %broadcast_in_dim3A_409, %broadcast_in_dim3A_401 : vector<16xi1>, vector<16xi32>
        %get3A_411 = arith.constant 10 : i32
        %get3A_412 = arith.index_cast %get3A_411 : i32 to index
        %get3A_413 = arith.index_cast %mul3A_329 : i32 to index
        %get3A_414 = tpu.vector_load %arg6[%get3A_412, %get3A_413] {strides = array<i32>} : memref<64x512xf32, #tpu.memory_space<vmem>>, vector<16xf32>,
        %gt3A_415 = arith.cmpf ogt, %get3A_414, %select_n3A_407 : vector<16xf32>
        %select_n3A_416 = arith.select %gt3A_415, %get3A_414, %select_n3A_407 : vector<16xi1>, vector<16xf32>
        %jit3A_417 = arith.constant 10 : i32
        %broadcast_in_dim3A_418 = vector.broadcast %jit3A_417 : i32 to vector<16xi32>
        %select_n3A_419 = arith.select %gt3A_415, %broadcast_in_dim3A_418, %select_n3A_410 : vector<16xi1>, vector<16xi32>
        %get3A_420 = arith.constant 11 : i32
        %get3A_421 = arith.index_cast %get3A_420 : i32 to index
        %get3A_422 = arith.index_cast %mul3A_329 : i32 to index
        %get3A_423 = tpu.vector_load %arg6[%get3A_421, %get3A_422] {strides = array<i32>} : memref<64x512xf32, #tpu.memory_space<vmem>>, vector<16xf32>,
        %gt3A_424 = arith.cmpf ogt, %get3A_423, %select_n3A_416 : vector<16xf32>
        %select_n3A_425 = arith.select %gt3A_424, %get3A_423, %select_n3A_416 : vector<16xi1>, vector<16xf32>
        %jit3A_426 = arith.constant 11 : i32
        %broadcast_in_dim3A_427 = vector.broadcast %jit3A_426 : i32 to vector<16xi32>
        %select_n3A_428 = arith.select %gt3A_424, %broadcast_in_dim3A_427, %select_n3A_419 : vector<16xi1>, vector<16xi32>
        %get3A_429 = arith.constant 12 : i32
        %get3A_430 = arith.index_cast %get3A_429 : i32 to index
        %get3A_431 = arith.index_cast %mul3A_329 : i32 to index
        %get3A_432 = tpu.vector_load %arg6[%get3A_430, %get3A_431] {strides = array<i32>} : memref<64x512xf32, #tpu.memory_space<vmem>>, vector<16xf32>,
        %gt3A_433 = arith.cmpf ogt, %get3A_432, %select_n3A_425 : vector<16xf32>
        %select_n3A_434 = arith.select %gt3A_433, %get3A_432, %select_n3A_425 : vector<16xi1>, vector<16xf32>
        %jit3A_435 = arith.constant 12 : i32
        %broadcast_in_dim3A_436 = vector.broadcast %jit3A_435 : i32 to vector<16xi32>
        %select_n3A_437 = arith.select %gt3A_433, %broadcast_in_dim3A_436, %select_n3A_428 : vector<16xi1>, vector<16xi32>
        %get3A_438 = arith.constant 13 : i32
        %get3A_439 = arith.index_cast %get3A_438 : i32 to index
        %get3A_440 = arith.index_cast %mul3A_329 : i32 to index
        %get3A_441 = tpu.vector_load %arg6[%get3A_439, %get3A_440] {strides = array<i32>} : memref<64x512xf32, #tpu.memory_space<vmem>>, vector<16xf32>,
        %gt3A_442 = arith.cmpf ogt, %get3A_441, %select_n3A_434 : vector<16xf32>
        %select_n3A_443 = arith.select %gt3A_442, %get3A_441, %select_n3A_434 : vector<16xi1>, vector<16xf32>
        %jit3A_444 = arith.constant 13 : i32
        %broadcast_in_dim3A_445 = vector.broadcast %jit3A_444 : i32 to vector<16xi32>
        %select_n3A_446 = arith.select %gt3A_442, %broadcast_in_dim3A_445, %select_n3A_437 : vector<16xi1>, vector<16xi32>
        %get3A_447 = arith.constant 14 : i32
        %get3A_448 = arith.index_cast %get3A_447 : i32 to index
        %get3A_449 = arith.index_cast %mul3A_329 : i32 to index
        %get3A_450 = tpu.vector_load %arg6[%get3A_448, %get3A_449] {strides = array<i32>} : memref<64x512xf32, #tpu.memory_space<vmem>>, vector<16xf32>,
        %gt3A_451 = arith.cmpf ogt, %get3A_450, %select_n3A_443 : vector<16xf32>
        %select_n3A_452 = arith.select %gt3A_451, %get3A_450, %select_n3A_443 : vector<16xi1>, vector<16xf32>
        %jit3A_453 = arith.constant 14 : i32
        %broadcast_in_dim3A_454 = vector.broadcast %jit3A_453 : i32 to vector<16xi32>
        %select_n3A_455 = arith.select %gt3A_451, %broadcast_in_dim3A_454, %select_n3A_446 : vector<16xi1>, vector<16xi32>
        %get3A_456 = arith.constant 15 : i32
        %get3A_457 = arith.index_cast %get3A_456 : i32 to index
        %get3A_458 = arith.index_cast %mul3A_329 : i32 to index
        %get3A_459 = tpu.vector_load %arg6[%get3A_457, %get3A_458] {strides = array<i32>} : memref<64x512xf32, #tpu.memory_space<vmem>>, vector<16xf32>,
        %gt3A_460 = arith.cmpf ogt, %get3A_459, %select_n3A_452 : vector<16xf32>
        %select_n3A_461 = arith.select %gt3A_460, %get3A_459, %select_n3A_452 : vector<16xi1>, vector<16xf32>
        %jit3A_462 = arith.constant 15 : i32
        %broadcast_in_dim3A_463 = vector.broadcast %jit3A_462 : i32 to vector<16xi32>
        %select_n3A_464 = arith.select %gt3A_460, %broadcast_in_dim3A_463, %select_n3A_455 : vector<16xi1>, vector<16xi32>
        %get3A_465 = arith.constant 16 : i32
        %get3A_466 = arith.index_cast %get3A_465 : i32 to index
        %get3A_467 = arith.index_cast %mul3A_329 : i32 to index
        %get3A_468 = tpu.vector_load %arg6[%get3A_466, %get3A_467] {strides = array<i32>} : memref<64x512xf32, #tpu.memory_space<vmem>>, vector<16xf32>,
        %broadcast_in_dim3A_469 = arith.constant 16 : i32
        %broadcast_in_dim3A_470 = vector.broadcast %broadcast_in_dim3A_469 : i32 to vector<16xi32>
        %get3A_471 = arith.constant 17 : i32
        %get3A_472 = arith.index_cast %get3A_471 : i32 to index
        %get3A_473 = arith.index_cast %mul3A_329 : i32 to index
        %get3A_474 = tpu.vector_load %arg6[%get3A_472, %get3A_473] {strides = array<i32>} : memref<64x512xf32, #tpu.memory_space<vmem>>, vector<16xf32>,
        %gt3A_475 = arith.cmpf ogt, %get3A_474, %get3A_468 : vector<16xf32>
        %select_n3A_476 = arith.select %gt3A_475, %get3A_474, %get3A_468 : vector<16xi1>, vector<16xf32>
        %jit3A_477 = arith.constant 17 : i32
        %broadcast_in_dim3A_478 = vector.broadcast %jit3A_477 : i32 to vector<16xi32>
        %select_n3A_479 = arith.select %gt3A_475, %broadcast_in_dim3A_478, %broadcast_in_dim3A_470 : vector<16xi1>, vector<16xi32>
        %get3A_480 = arith.constant 18 : i32
        %get3A_481 = arith.index_cast %get3A_480 : i32 to index
        %get3A_482 = arith.index_cast %mul3A_329 : i32 to index
        %get3A_483 = tpu.vector_load %arg6[%get3A_481, %get3A_482] {strides = array<i32>} : memref<64x512xf32, #tpu.memory_space<vmem>>, vector<16xf32>,
        %gt3A_484 = arith.cmpf ogt, %get3A_483, %select_n3A_476 : vector<16xf32>
        %select_n3A_485 = arith.select %gt3A_484, %get3A_483, %select_n3A_476 : vector<16xi1>, vector<16xf32>
        %jit3A_486 = arith.constant 18 : i32
        %broadcast_in_dim3A_487 = vector.broadcast %jit3A_486 : i32 to vector<16xi32>
        %select_n3A_488 = arith.select %gt3A_484, %broadcast_in_dim3A_487, %select_n3A_479 : vector<16xi1>, vector<16xi32>
        %get3A_489 = arith.constant 19 : i32
        %get3A_490 = arith.index_cast %get3A_489 : i32 to index
        %get3A_491 = arith.index_cast %mul3A_329 : i32 to index
        %get3A_492 = tpu.vector_load %arg6[%get3A_490, %get3A_491] {strides = array<i32>} : memref<64x512xf32, #tpu.memory_space<vmem>>, vector<16xf32>,
        %gt3A_493 = arith.cmpf ogt, %get3A_492, %select_n3A_485 : vector<16xf32>
        %select_n3A_494 = arith.select %gt3A_493, %get3A_492, %select_n3A_485 : vector<16xi1>, vector<16xf32>
        %jit3A_495 = arith.constant 19 : i32
        %broadcast_in_dim3A_496 = vector.broadcast %jit3A_495 : i32 to vector<16xi32>
        %select_n3A_497 = arith.select %gt3A_493, %broadcast_in_dim3A_496, %select_n3A_488 : vector<16xi1>, vector<16xi32>
        %get3A_498 = arith.constant 20 : i32
        %get3A_499 = arith.index_cast %get3A_498 : i32 to index
        %get3A_500 = arith.index_cast %mul3A_329 : i32 to index
        %get3A_501 = tpu.vector_load %arg6[%get3A_499, %get3A_500] {strides = array<i32>} : memref<64x512xf32, #tpu.memory_space<vmem>>, vector<16xf32>,
        %gt3A_502 = arith.cmpf ogt, %get3A_501, %select_n3A_494 : vector<16xf32>
        %select_n3A_503 = arith.select %gt3A_502, %get3A_501, %select_n3A_494 : vector<16xi1>, vector<16xf32>
        %jit3A_504 = arith.constant 20 : i32
        %broadcast_in_dim3A_505 = vector.broadcast %jit3A_504 : i32 to vector<16xi32>
        %select_n3A_506 = arith.select %gt3A_502, %broadcast_in_dim3A_505, %select_n3A_497 : vector<16xi1>, vector<16xi32>
        %get3A_507 = arith.constant 21 : i32
        %get3A_508 = arith.index_cast %get3A_507 : i32 to index
        %get3A_509 = arith.index_cast %mul3A_329 : i32 to index
        %get3A_510 = tpu.vector_load %arg6[%get3A_508, %get3A_509] {strides = array<i32>} : memref<64x512xf32, #tpu.memory_space<vmem>>, vector<16xf32>,
        %gt3A_511 = arith.cmpf ogt, %get3A_510, %select_n3A_503 : vector<16xf32>
        %select_n3A_512 = arith.select %gt3A_511, %get3A_510, %select_n3A_503 : vector<16xi1>, vector<16xf32>
        %jit3A_513 = arith.constant 21 : i32
        %broadcast_in_dim3A_514 = vector.broadcast %jit3A_513 : i32 to vector<16xi32>
        %select_n3A_515 = arith.select %gt3A_511, %broadcast_in_dim3A_514, %select_n3A_506 : vector<16xi1>, vector<16xi32>
        %get3A_516 = arith.constant 22 : i32
        %get3A_517 = arith.index_cast %get3A_516 : i32 to index
        %get3A_518 = arith.index_cast %mul3A_329 : i32 to index
        %get3A_519 = tpu.vector_load %arg6[%get3A_517, %get3A_518] {strides = array<i32>} : memref<64x512xf32, #tpu.memory_space<vmem>>, vector<16xf32>,
        %gt3A_520 = arith.cmpf ogt, %get3A_519, %select_n3A_512 : vector<16xf32>
        %select_n3A_521 = arith.select %gt3A_520, %get3A_519, %select_n3A_512 : vector<16xi1>, vector<16xf32>
        %jit3A_522 = arith.constant 22 : i32
        %broadcast_in_dim3A_523 = vector.broadcast %jit3A_522 : i32 to vector<16xi32>
        %select_n3A_524 = arith.select %gt3A_520, %broadcast_in_dim3A_523, %select_n3A_515 : vector<16xi1>, vector<16xi32>
        %get3A_525 = arith.constant 23 : i32
        %get3A_526 = arith.index_cast %get3A_525 : i32 to index
        %get3A_527 = arith.index_cast %mul3A_329 : i32 to index
        %get3A_528 = tpu.vector_load %arg6[%get3A_526, %get3A_527] {strides = array<i32>} : memref<64x512xf32, #tpu.memory_space<vmem>>, vector<16xf32>,
        %gt3A_529 = arith.cmpf ogt, %get3A_528, %select_n3A_521 : vector<16xf32>
        %select_n3A_530 = arith.select %gt3A_529, %get3A_528, %select_n3A_521 : vector<16xi1>, vector<16xf32>
        %jit3A_531 = arith.constant 23 : i32
        %broadcast_in_dim3A_532 = vector.broadcast %jit3A_531 : i32 to vector<16xi32>
        %select_n3A_533 = arith.select %gt3A_529, %broadcast_in_dim3A_532, %select_n3A_524 : vector<16xi1>, vector<16xi32>
        %get3A_534 = arith.constant 24 : i32
        %get3A_535 = arith.index_cast %get3A_534 : i32 to index
        %get3A_536 = arith.index_cast %mul3A_329 : i32 to index
        %get3A_537 = tpu.vector_load %arg6[%get3A_535, %get3A_536] {strides = array<i32>} : memref<64x512xf32, #tpu.memory_space<vmem>>, vector<16xf32>,
        %broadcast_in_dim3A_538 = arith.constant 24 : i32
        %broadcast_in_dim3A_539 = vector.broadcast %broadcast_in_dim3A_538 : i32 to vector<16xi32>
        %get3A_540 = arith.constant 25 : i32
        %get3A_541 = arith.index_cast %get3A_540 : i32 to index
        %get3A_542 = arith.index_cast %mul3A_329 : i32 to index
        %get3A_543 = tpu.vector_load %arg6[%get3A_541, %get3A_542] {strides = array<i32>} : memref<64x512xf32, #tpu.memory_space<vmem>>, vector<16xf32>,
        %gt3A_544 = arith.cmpf ogt, %get3A_543, %get3A_537 : vector<16xf32>
        %select_n3A_545 = arith.select %gt3A_544, %get3A_543, %get3A_537 : vector<16xi1>, vector<16xf32>
        %jit3A_546 = arith.constant 25 : i32
        %broadcast_in_dim3A_547 = vector.broadcast %jit3A_546 : i32 to vector<16xi32>
        %select_n3A_548 = arith.select %gt3A_544, %broadcast_in_dim3A_547, %broadcast_in_dim3A_539 : vector<16xi1>, vector<16xi32>
        %get3A_549 = arith.constant 26 : i32
        %get3A_550 = arith.index_cast %get3A_549 : i32 to index
        %get3A_551 = arith.index_cast %mul3A_329 : i32 to index
        %get3A_552 = tpu.vector_load %arg6[%get3A_550, %get3A_551] {strides = array<i32>} : memref<64x512xf32, #tpu.memory_space<vmem>>, vector<16xf32>,
        %gt3A_553 = arith.cmpf ogt, %get3A_552, %select_n3A_545 : vector<16xf32>
        %select_n3A_554 = arith.select %gt3A_553, %get3A_552, %select_n3A_545 : vector<16xi1>, vector<16xf32>
        %jit3A_555 = arith.constant 26 : i32
        %broadcast_in_dim3A_556 = vector.broadcast %jit3A_555 : i32 to vector<16xi32>
        %select_n3A_557 = arith.select %gt3A_553, %broadcast_in_dim3A_556, %select_n3A_548 : vector<16xi1>, vector<16xi32>
        %get3A_558 = arith.constant 27 : i32
        %get3A_559 = arith.index_cast %get3A_558 : i32 to index
        %get3A_560 = arith.index_cast %mul3A_329 : i32 to index
        %get3A_561 = tpu.vector_load %arg6[%get3A_559, %get3A_560] {strides = array<i32>} : memref<64x512xf32, #tpu.memory_space<vmem>>, vector<16xf32>,
        %gt3A_562 = arith.cmpf ogt, %get3A_561, %select_n3A_554 : vector<16xf32>
        %select_n3A_563 = arith.select %gt3A_562, %get3A_561, %select_n3A_554 : vector<16xi1>, vector<16xf32>
        %jit3A_564 = arith.constant 27 : i32
        %broadcast_in_dim3A_565 = vector.broadcast %jit3A_564 : i32 to vector<16xi32>
        %select_n3A_566 = arith.select %gt3A_562, %broadcast_in_dim3A_565, %select_n3A_557 : vector<16xi1>, vector<16xi32>
        %get3A_567 = arith.constant 28 : i32
        %get3A_568 = arith.index_cast %get3A_567 : i32 to index
        %get3A_569 = arith.index_cast %mul3A_329 : i32 to index
        %get3A_570 = tpu.vector_load %arg6[%get3A_568, %get3A_569] {strides = array<i32>} : memref<64x512xf32, #tpu.memory_space<vmem>>, vector<16xf32>,
        %gt3A_571 = arith.cmpf ogt, %get3A_570, %select_n3A_563 : vector<16xf32>
        %select_n3A_572 = arith.select %gt3A_571, %get3A_570, %select_n3A_563 : vector<16xi1>, vector<16xf32>
        %jit3A_573 = arith.constant 28 : i32
        %broadcast_in_dim3A_574 = vector.broadcast %jit3A_573 : i32 to vector<16xi32>
        %select_n3A_575 = arith.select %gt3A_571, %broadcast_in_dim3A_574, %select_n3A_566 : vector<16xi1>, vector<16xi32>
        %get3A_576 = arith.constant 29 : i32
        %get3A_577 = arith.index_cast %get3A_576 : i32 to index
        %get3A_578 = arith.index_cast %mul3A_329 : i32 to index
        %get3A_579 = tpu.vector_load %arg6[%get3A_577, %get3A_578] {strides = array<i32>} : memref<64x512xf32, #tpu.memory_space<vmem>>, vector<16xf32>,
        %gt3A_580 = arith.cmpf ogt, %get3A_579, %select_n3A_572 : vector<16xf32>
        %select_n3A_581 = arith.select %gt3A_580, %get3A_579, %select_n3A_572 : vector<16xi1>, vector<16xf32>
        %jit3A_582 = arith.constant 29 : i32
        %broadcast_in_dim3A_583 = vector.broadcast %jit3A_582 : i32 to vector<16xi32>
        %select_n3A_584 = arith.select %gt3A_580, %broadcast_in_dim3A_583, %select_n3A_575 : vector<16xi1>, vector<16xi32>
        %get3A_585 = arith.constant 30 : i32
        %get3A_586 = arith.index_cast %get3A_585 : i32 to index
        %get3A_587 = arith.index_cast %mul3A_329 : i32 to index
        %get3A_588 = tpu.vector_load %arg6[%get3A_586, %get3A_587] {strides = array<i32>} : memref<64x512xf32, #tpu.memory_space<vmem>>, vector<16xf32>,
        %gt3A_589 = arith.cmpf ogt, %get3A_588, %select_n3A_581 : vector<16xf32>
        %select_n3A_590 = arith.select %gt3A_589, %get3A_588, %select_n3A_581 : vector<16xi1>, vector<16xf32>
        %jit3A_591 = arith.constant 30 : i32
        %broadcast_in_dim3A_592 = vector.broadcast %jit3A_591 : i32 to vector<16xi32>
        %select_n3A_593 = arith.select %gt3A_589, %broadcast_in_dim3A_592, %select_n3A_584 : vector<16xi1>, vector<16xi32>
        %get3A_594 = arith.constant 31 : i32
        %get3A_595 = arith.index_cast %get3A_594 : i32 to index
        %get3A_596 = arith.index_cast %mul3A_329 : i32 to index
        %get3A_597 = tpu.vector_load %arg6[%get3A_595, %get3A_596] {strides = array<i32>} : memref<64x512xf32, #tpu.memory_space<vmem>>, vector<16xf32>,
        %gt3A_598 = arith.cmpf ogt, %get3A_597, %select_n3A_590 : vector<16xf32>
        %select_n3A_599 = arith.select %gt3A_598, %get3A_597, %select_n3A_590 : vector<16xi1>, vector<16xf32>
        %jit3A_600 = arith.constant 31 : i32
        %broadcast_in_dim3A_601 = vector.broadcast %jit3A_600 : i32 to vector<16xi32>
        %select_n3A_602 = arith.select %gt3A_598, %broadcast_in_dim3A_601, %select_n3A_593 : vector<16xi1>, vector<16xi32>
        %get3A_603 = arith.constant 32 : i32
        %get3A_604 = arith.index_cast %get3A_603 : i32 to index
        %get3A_605 = arith.index_cast %mul3A_329 : i32 to index
        %get3A_606 = tpu.vector_load %arg6[%get3A_604, %get3A_605] {strides = array<i32>} : memref<64x512xf32, #tpu.memory_space<vmem>>, vector<16xf32>,
        %broadcast_in_dim3A_607 = arith.constant 32 : i32
        %broadcast_in_dim3A_608 = vector.broadcast %broadcast_in_dim3A_607 : i32 to vector<16xi32>
        %get3A_609 = arith.constant 33 : i32
        %get3A_610 = arith.index_cast %get3A_609 : i32 to index
        %get3A_611 = arith.index_cast %mul3A_329 : i32 to index
        %get3A_612 = tpu.vector_load %arg6[%get3A_610, %get3A_611] {strides = array<i32>} : memref<64x512xf32, #tpu.memory_space<vmem>>, vector<16xf32>,
        %gt3A_613 = arith.cmpf ogt, %get3A_612, %get3A_606 : vector<16xf32>
        %select_n3A_614 = arith.select %gt3A_613, %get3A_612, %get3A_606 : vector<16xi1>, vector<16xf32>
        %jit3A_615 = arith.constant 33 : i32
        %broadcast_in_dim3A_616 = vector.broadcast %jit3A_615 : i32 to vector<16xi32>
        %select_n3A_617 = arith.select %gt3A_613, %broadcast_in_dim3A_616, %broadcast_in_dim3A_608 : vector<16xi1>, vector<16xi32>
        %get3A_618 = arith.constant 34 : i32
        %get3A_619 = arith.index_cast %get3A_618 : i32 to index
        %get3A_620 = arith.index_cast %mul3A_329 : i32 to index
        %get3A_621 = tpu.vector_load %arg6[%get3A_619, %get3A_620] {strides = array<i32>} : memref<64x512xf32, #tpu.memory_space<vmem>>, vector<16xf32>,
        %gt3A_622 = arith.cmpf ogt, %get3A_621, %select_n3A_614 : vector<16xf32>
        %select_n3A_623 = arith.select %gt3A_622, %get3A_621, %select_n3A_614 : vector<16xi1>, vector<16xf32>
        %jit3A_624 = arith.constant 34 : i32
        %broadcast_in_dim3A_625 = vector.broadcast %jit3A_624 : i32 to vector<16xi32>
        %select_n3A_626 = arith.select %gt3A_622, %broadcast_in_dim3A_625, %select_n3A_617 : vector<16xi1>, vector<16xi32>
        %get3A_627 = arith.constant 35 : i32
        %get3A_628 = arith.index_cast %get3A_627 : i32 to index
        %get3A_629 = arith.index_cast %mul3A_329 : i32 to index
        %get3A_630 = tpu.vector_load %arg6[%get3A_628, %get3A_629] {strides = array<i32>} : memref<64x512xf32, #tpu.memory_space<vmem>>, vector<16xf32>,
        %gt3A_631 = arith.cmpf ogt, %get3A_630, %select_n3A_623 : vector<16xf32>
        %select_n3A_632 = arith.select %gt3A_631, %get3A_630, %select_n3A_623 : vector<16xi1>, vector<16xf32>
        %jit3A_633 = arith.constant 35 : i32
        %broadcast_in_dim3A_634 = vector.broadcast %jit3A_633 : i32 to vector<16xi32>
        %select_n3A_635 = arith.select %gt3A_631, %broadcast_in_dim3A_634, %select_n3A_626 : vector<16xi1>, vector<16xi32>
        %get3A_636 = arith.constant 36 : i32
        %get3A_637 = arith.index_cast %get3A_636 : i32 to index
        %get3A_638 = arith.index_cast %mul3A_329 : i32 to index
        %get3A_639 = tpu.vector_load %arg6[%get3A_637, %get3A_638] {strides = array<i32>} : memref<64x512xf32, #tpu.memory_space<vmem>>, vector<16xf32>,
        %gt3A_640 = arith.cmpf ogt, %get3A_639, %select_n3A_632 : vector<16xf32>
        %select_n3A_641 = arith.select %gt3A_640, %get3A_639, %select_n3A_632 : vector<16xi1>, vector<16xf32>
        %jit3A_642 = arith.constant 36 : i32
        %broadcast_in_dim3A_643 = vector.broadcast %jit3A_642 : i32 to vector<16xi32>
        %select_n3A_644 = arith.select %gt3A_640, %broadcast_in_dim3A_643, %select_n3A_635 : vector<16xi1>, vector<16xi32>
        %get3A_645 = arith.constant 37 : i32
        %get3A_646 = arith.index_cast %get3A_645 : i32 to index
        %get3A_647 = arith.index_cast %mul3A_329 : i32 to index
        %get3A_648 = tpu.vector_load %arg6[%get3A_646, %get3A_647] {strides = array<i32>} : memref<64x512xf32, #tpu.memory_space<vmem>>, vector<16xf32>,
        %gt3A_649 = arith.cmpf ogt, %get3A_648, %select_n3A_641 : vector<16xf32>
        %select_n3A_650 = arith.select %gt3A_649, %get3A_648, %select_n3A_641 : vector<16xi1>, vector<16xf32>
        %jit3A_651 = arith.constant 37 : i32
        %broadcast_in_dim3A_652 = vector.broadcast %jit3A_651 : i32 to vector<16xi32>
        %select_n3A_653 = arith.select %gt3A_649, %broadcast_in_dim3A_652, %select_n3A_644 : vector<16xi1>, vector<16xi32>
        %get3A_654 = arith.constant 38 : i32
        %get3A_655 = arith.index_cast %get3A_654 : i32 to index
        %get3A_656 = arith.index_cast %mul3A_329 : i32 to index
        %get3A_657 = tpu.vector_load %arg6[%get3A_655, %get3A_656] {strides = array<i32>} : memref<64x512xf32, #tpu.memory_space<vmem>>, vector<16xf32>,
        %gt3A_658 = arith.cmpf ogt, %get3A_657, %select_n3A_650 : vector<16xf32>
        %select_n3A_659 = arith.select %gt3A_658, %get3A_657, %select_n3A_650 : vector<16xi1>, vector<16xf32>
        %jit3A_660 = arith.constant 38 : i32
        %broadcast_in_dim3A_661 = vector.broadcast %jit3A_660 : i32 to vector<16xi32>
        %select_n3A_662 = arith.select %gt3A_658, %broadcast_in_dim3A_661, %select_n3A_653 : vector<16xi1>, vector<16xi32>
        %get3A_663 = arith.constant 39 : i32
        %get3A_664 = arith.index_cast %get3A_663 : i32 to index
        %get3A_665 = arith.index_cast %mul3A_329 : i32 to index
        %get3A_666 = tpu.vector_load %arg6[%get3A_664, %get3A_665] {strides = array<i32>} : memref<64x512xf32, #tpu.memory_space<vmem>>, vector<16xf32>,
        %gt3A_667 = arith.cmpf ogt, %get3A_666, %select_n3A_659 : vector<16xf32>
        %select_n3A_668 = arith.select %gt3A_667, %get3A_666, %select_n3A_659 : vector<16xi1>, vector<16xf32>
        %jit3A_669 = arith.constant 39 : i32
        %broadcast_in_dim3A_670 = vector.broadcast %jit3A_669 : i32 to vector<16xi32>
        %select_n3A_671 = arith.select %gt3A_667, %broadcast_in_dim3A_670, %select_n3A_662 : vector<16xi1>, vector<16xi32>
        %get3A_672 = arith.constant 40 : i32
        %get3A_673 = arith.index_cast %get3A_672 : i32 to index
        %get3A_674 = arith.index_cast %mul3A_329 : i32 to index
        %get3A_675 = tpu.vector_load %arg6[%get3A_673, %get3A_674] {strides = array<i32>} : memref<64x512xf32, #tpu.memory_space<vmem>>, vector<16xf32>,
        %broadcast_in_dim3A_676 = arith.constant 40 : i32
        %broadcast_in_dim3A_677 = vector.broadcast %broadcast_in_dim3A_676 : i32 to vector<16xi32>
        %get3A_678 = arith.constant 41 : i32
        %get3A_679 = arith.index_cast %get3A_678 : i32 to index
        %get3A_680 = arith.index_cast %mul3A_329 : i32 to index
        %get3A_681 = tpu.vector_load %arg6[%get3A_679, %get3A_680] {strides = array<i32>} : memref<64x512xf32, #tpu.memory_space<vmem>>, vector<16xf32>,
        %gt3A_682 = arith.cmpf ogt, %get3A_681, %get3A_675 : vector<16xf32>
        %select_n3A_683 = arith.select %gt3A_682, %get3A_681, %get3A_675 : vector<16xi1>, vector<16xf32>
        %jit3A_684 = arith.constant 41 : i32
        %broadcast_in_dim3A_685 = vector.broadcast %jit3A_684 : i32 to vector<16xi32>
        %select_n3A_686 = arith.select %gt3A_682, %broadcast_in_dim3A_685, %broadcast_in_dim3A_677 : vector<16xi1>, vector<16xi32>
        %get3A_687 = arith.constant 42 : i32
        %get3A_688 = arith.index_cast %get3A_687 : i32 to index
        %get3A_689 = arith.index_cast %mul3A_329 : i32 to index
        %get3A_690 = tpu.vector_load %arg6[%get3A_688, %get3A_689] {strides = array<i32>} : memref<64x512xf32, #tpu.memory_space<vmem>>, vector<16xf32>,
        %gt3A_691 = arith.cmpf ogt, %get3A_690, %select_n3A_683 : vector<16xf32>
        %select_n3A_692 = arith.select %gt3A_691, %get3A_690, %select_n3A_683 : vector<16xi1>, vector<16xf32>
        %jit3A_693 = arith.constant 42 : i32
        %broadcast_in_dim3A_694 = vector.broadcast %jit3A_693 : i32 to vector<16xi32>
        %select_n3A_695 = arith.select %gt3A_691, %broadcast_in_dim3A_694, %select_n3A_686 : vector<16xi1>, vector<16xi32>
        %get3A_696 = arith.constant 43 : i32
        %get3A_697 = arith.index_cast %get3A_696 : i32 to index
        %get3A_698 = arith.index_cast %mul3A_329 : i32 to index
        %get3A_699 = tpu.vector_load %arg6[%get3A_697, %get3A_698] {strides = array<i32>} : memref<64x512xf32, #tpu.memory_space<vmem>>, vector<16xf32>,
        %gt3A_700 = arith.cmpf ogt, %get3A_699, %select_n3A_692 : vector<16xf32>
        %select_n3A_701 = arith.select %gt3A_700, %get3A_699, %select_n3A_692 : vector<16xi1>, vector<16xf32>
        %jit3A_702 = arith.constant 43 : i32
        %broadcast_in_dim3A_703 = vector.broadcast %jit3A_702 : i32 to vector<16xi32>
        %select_n3A_704 = arith.select %gt3A_700, %broadcast_in_dim3A_703, %select_n3A_695 : vector<16xi1>, vector<16xi32>
        %get3A_705 = arith.constant 44 : i32
        %get3A_706 = arith.index_cast %get3A_705 : i32 to index
        %get3A_707 = arith.index_cast %mul3A_329 : i32 to index
        %get3A_708 = tpu.vector_load %arg6[%get3A_706, %get3A_707] {strides = array<i32>} : memref<64x512xf32, #tpu.memory_space<vmem>>, vector<16xf32>,
        %gt3A_709 = arith.cmpf ogt, %get3A_708, %select_n3A_701 : vector<16xf32>
        %select_n3A_710 = arith.select %gt3A_709, %get3A_708, %select_n3A_701 : vector<16xi1>, vector<16xf32>
        %jit3A_711 = arith.constant 44 : i32
        %broadcast_in_dim3A_712 = vector.broadcast %jit3A_711 : i32 to vector<16xi32>
        %select_n3A_713 = arith.select %gt3A_709, %broadcast_in_dim3A_712, %select_n3A_704 : vector<16xi1>, vector<16xi32>
        %get3A_714 = arith.constant 45 : i32
        %get3A_715 = arith.index_cast %get3A_714 : i32 to index
        %get3A_716 = arith.index_cast %mul3A_329 : i32 to index
        %get3A_717 = tpu.vector_load %arg6[%get3A_715, %get3A_716] {strides = array<i32>} : memref<64x512xf32, #tpu.memory_space<vmem>>, vector<16xf32>,
        %gt3A_718 = arith.cmpf ogt, %get3A_717, %select_n3A_710 : vector<16xf32>
        %select_n3A_719 = arith.select %gt3A_718, %get3A_717, %select_n3A_710 : vector<16xi1>, vector<16xf32>
        %jit3A_720 = arith.constant 45 : i32
        %broadcast_in_dim3A_721 = vector.broadcast %jit3A_720 : i32 to vector<16xi32>
        %select_n3A_722 = arith.select %gt3A_718, %broadcast_in_dim3A_721, %select_n3A_713 : vector<16xi1>, vector<16xi32>
        %get3A_723 = arith.constant 46 : i32
        %get3A_724 = arith.index_cast %get3A_723 : i32 to index
        %get3A_725 = arith.index_cast %mul3A_329 : i32 to index
        %get3A_726 = tpu.vector_load %arg6[%get3A_724, %get3A_725] {strides = array<i32>} : memref<64x512xf32, #tpu.memory_space<vmem>>, vector<16xf32>,
        %gt3A_727 = arith.cmpf ogt, %get3A_726, %select_n3A_719 : vector<16xf32>
        %select_n3A_728 = arith.select %gt3A_727, %get3A_726, %select_n3A_719 : vector<16xi1>, vector<16xf32>
        %jit3A_729 = arith.constant 46 : i32
        %broadcast_in_dim3A_730 = vector.broadcast %jit3A_729 : i32 to vector<16xi32>
        %select_n3A_731 = arith.select %gt3A_727, %broadcast_in_dim3A_730, %select_n3A_722 : vector<16xi1>, vector<16xi32>
        %get3A_732 = arith.constant 47 : i32
        %get3A_733 = arith.index_cast %get3A_732 : i32 to index
        %get3A_734 = arith.index_cast %mul3A_329 : i32 to index
        %get3A_735 = tpu.vector_load %arg6[%get3A_733, %get3A_734] {strides = array<i32>} : memref<64x512xf32, #tpu.memory_space<vmem>>, vector<16xf32>,
        %gt3A_736 = arith.cmpf ogt, %get3A_735, %select_n3A_728 : vector<16xf32>
        %select_n3A_737 = arith.select %gt3A_736, %get3A_735, %select_n3A_728 : vector<16xi1>, vector<16xf32>
        %jit3A_738 = arith.constant 47 : i32
        %broadcast_in_dim3A_739 = vector.broadcast %jit3A_738 : i32 to vector<16xi32>
        %select_n3A_740 = arith.select %gt3A_736, %broadcast_in_dim3A_739, %select_n3A_731 : vector<16xi1>, vector<16xi32>
        %get3A_741 = arith.constant 48 : i32
        %get3A_742 = arith.index_cast %get3A_741 : i32 to index
        %get3A_743 = arith.index_cast %mul3A_329 : i32 to index
        %get3A_744 = tpu.vector_load %arg6[%get3A_742, %get3A_743] {strides = array<i32>} : memref<64x512xf32, #tpu.memory_space<vmem>>, vector<16xf32>,
        %broadcast_in_dim3A_745 = arith.constant 48 : i32
        %broadcast_in_dim3A_746 = vector.broadcast %broadcast_in_dim3A_745 : i32 to vector<16xi32>
        %get3A_747 = arith.constant 49 : i32
        %get3A_748 = arith.index_cast %get3A_747 : i32 to index
        %get3A_749 = arith.index_cast %mul3A_329 : i32 to index
        %get3A_750 = tpu.vector_load %arg6[%get3A_748, %get3A_749] {strides = array<i32>} : memref<64x512xf32, #tpu.memory_space<vmem>>, vector<16xf32>,
        %gt3A_751 = arith.cmpf ogt, %get3A_750, %get3A_744 : vector<16xf32>
        %select_n3A_752 = arith.select %gt3A_751, %get3A_750, %get3A_744 : vector<16xi1>, vector<16xf32>
        %jit3A_753 = arith.constant 49 : i32
        %broadcast_in_dim3A_754 = vector.broadcast %jit3A_753 : i32 to vector<16xi32>
        %select_n3A_755 = arith.select %gt3A_751, %broadcast_in_dim3A_754, %broadcast_in_dim3A_746 : vector<16xi1>, vector<16xi32>
        %get3A_756 = arith.constant 50 : i32
        %get3A_757 = arith.index_cast %get3A_756 : i32 to index
        %get3A_758 = arith.index_cast %mul3A_329 : i32 to index
        %get3A_759 = tpu.vector_load %arg6[%get3A_757, %get3A_758] {strides = array<i32>} : memref<64x512xf32, #tpu.memory_space<vmem>>, vector<16xf32>,
        %gt3A_760 = arith.cmpf ogt, %get3A_759, %select_n3A_752 : vector<16xf32>
        %select_n3A_761 = arith.select %gt3A_760, %get3A_759, %select_n3A_752 : vector<16xi1>, vector<16xf32>
        %jit3A_762 = arith.constant 50 : i32
        %broadcast_in_dim3A_763 = vector.broadcast %jit3A_762 : i32 to vector<16xi32>
        %select_n3A_764 = arith.select %gt3A_760, %broadcast_in_dim3A_763, %select_n3A_755 : vector<16xi1>, vector<16xi32>
        %get3A_765 = arith.constant 51 : i32
        %get3A_766 = arith.index_cast %get3A_765 : i32 to index
        %get3A_767 = arith.index_cast %mul3A_329 : i32 to index
        %get3A_768 = tpu.vector_load %arg6[%get3A_766, %get3A_767] {strides = array<i32>} : memref<64x512xf32, #tpu.memory_space<vmem>>, vector<16xf32>,
        %gt3A_769 = arith.cmpf ogt, %get3A_768, %select_n3A_761 : vector<16xf32>
        %select_n3A_770 = arith.select %gt3A_769, %get3A_768, %select_n3A_761 : vector<16xi1>, vector<16xf32>
        %jit3A_771 = arith.constant 51 : i32
        %broadcast_in_dim3A_772 = vector.broadcast %jit3A_771 : i32 to vector<16xi32>
        %select_n3A_773 = arith.select %gt3A_769, %broadcast_in_dim3A_772, %select_n3A_764 : vector<16xi1>, vector<16xi32>
        %get3A_774 = arith.constant 52 : i32
        %get3A_775 = arith.index_cast %get3A_774 : i32 to index
        %get3A_776 = arith.index_cast %mul3A_329 : i32 to index
        %get3A_777 = tpu.vector_load %arg6[%get3A_775, %get3A_776] {strides = array<i32>} : memref<64x512xf32, #tpu.memory_space<vmem>>, vector<16xf32>,
        %gt3A_778 = arith.cmpf ogt, %get3A_777, %select_n3A_770 : vector<16xf32>
        %select_n3A_779 = arith.select %gt3A_778, %get3A_777, %select_n3A_770 : vector<16xi1>, vector<16xf32>
        %jit3A_780 = arith.constant 52 : i32
        %broadcast_in_dim3A_781 = vector.broadcast %jit3A_780 : i32 to vector<16xi32>
        %select_n3A_782 = arith.select %gt3A_778, %broadcast_in_dim3A_781, %select_n3A_773 : vector<16xi1>, vector<16xi32>
        %get3A_783 = arith.constant 53 : i32
        %get3A_784 = arith.index_cast %get3A_783 : i32 to index
        %get3A_785 = arith.index_cast %mul3A_329 : i32 to index
        %get3A_786 = tpu.vector_load %arg6[%get3A_784, %get3A_785] {strides = array<i32>} : memref<64x512xf32, #tpu.memory_space<vmem>>, vector<16xf32>,
        %gt3A_787 = arith.cmpf ogt, %get3A_786, %select_n3A_779 : vector<16xf32>
        %select_n3A_788 = arith.select %gt3A_787, %get3A_786, %select_n3A_779 : vector<16xi1>, vector<16xf32>
        %jit3A_789 = arith.constant 53 : i32
        %broadcast_in_dim3A_790 = vector.broadcast %jit3A_789 : i32 to vector<16xi32>
        %select_n3A_791 = arith.select %gt3A_787, %broadcast_in_dim3A_790, %select_n3A_782 : vector<16xi1>, vector<16xi32>
        %get3A_792 = arith.constant 54 : i32
        %get3A_793 = arith.index_cast %get3A_792 : i32 to index
        %get3A_794 = arith.index_cast %mul3A_329 : i32 to index
        %get3A_795 = tpu.vector_load %arg6[%get3A_793, %get3A_794] {strides = array<i32>} : memref<64x512xf32, #tpu.memory_space<vmem>>, vector<16xf32>,
        %gt3A_796 = arith.cmpf ogt, %get3A_795, %select_n3A_788 : vector<16xf32>
        %select_n3A_797 = arith.select %gt3A_796, %get3A_795, %select_n3A_788 : vector<16xi1>, vector<16xf32>
        %jit3A_798 = arith.constant 54 : i32
        %broadcast_in_dim3A_799 = vector.broadcast %jit3A_798 : i32 to vector<16xi32>
        %select_n3A_800 = arith.select %gt3A_796, %broadcast_in_dim3A_799, %select_n3A_791 : vector<16xi1>, vector<16xi32>
        %get3A_801 = arith.constant 55 : i32
        %get3A_802 = arith.index_cast %get3A_801 : i32 to index
        %get3A_803 = arith.index_cast %mul3A_329 : i32 to index
        %get3A_804 = tpu.vector_load %arg6[%get3A_802, %get3A_803] {strides = array<i32>} : memref<64x512xf32, #tpu.memory_space<vmem>>, vector<16xf32>,
        %gt3A_805 = arith.cmpf ogt, %get3A_804, %select_n3A_797 : vector<16xf32>
        %select_n3A_806 = arith.select %gt3A_805, %get3A_804, %select_n3A_797 : vector<16xi1>, vector<16xf32>
        %jit3A_807 = arith.constant 55 : i32
        %broadcast_in_dim3A_808 = vector.broadcast %jit3A_807 : i32 to vector<16xi32>
        %select_n3A_809 = arith.select %gt3A_805, %broadcast_in_dim3A_808, %select_n3A_800 : vector<16xi1>, vector<16xi32>
        %get3A_810 = arith.constant 56 : i32
        %get3A_811 = arith.index_cast %get3A_810 : i32 to index
        %get3A_812 = arith.index_cast %mul3A_329 : i32 to index
        %get3A_813 = tpu.vector_load %arg6[%get3A_811, %get3A_812] {strides = array<i32>} : memref<64x512xf32, #tpu.memory_space<vmem>>, vector<16xf32>,
        %broadcast_in_dim3A_814 = arith.constant 56 : i32
        %broadcast_in_dim3A_815 = vector.broadcast %broadcast_in_dim3A_814 : i32 to vector<16xi32>
        %get3A_816 = arith.constant 57 : i32
        %get3A_817 = arith.index_cast %get3A_816 : i32 to index
        %get3A_818 = arith.index_cast %mul3A_329 : i32 to index
        %get3A_819 = tpu.vector_load %arg6[%get3A_817, %get3A_818] {strides = array<i32>} : memref<64x512xf32, #tpu.memory_space<vmem>>, vector<16xf32>,
        %gt3A_820 = arith.cmpf ogt, %get3A_819, %get3A_813 : vector<16xf32>
        %select_n3A_821 = arith.select %gt3A_820, %get3A_819, %get3A_813 : vector<16xi1>, vector<16xf32>
        %jit3A_822 = arith.constant 57 : i32
        %broadcast_in_dim3A_823 = vector.broadcast %jit3A_822 : i32 to vector<16xi32>
        %select_n3A_824 = arith.select %gt3A_820, %broadcast_in_dim3A_823, %broadcast_in_dim3A_815 : vector<16xi1>, vector<16xi32>
        %get3A_825 = arith.constant 58 : i32
        %get3A_826 = arith.index_cast %get3A_825 : i32 to index
        %get3A_827 = arith.index_cast %mul3A_329 : i32 to index
        %get3A_828 = tpu.vector_load %arg6[%get3A_826, %get3A_827] {strides = array<i32>} : memref<64x512xf32, #tpu.memory_space<vmem>>, vector<16xf32>,
        %gt3A_829 = arith.cmpf ogt, %get3A_828, %select_n3A_821 : vector<16xf32>
        %select_n3A_830 = arith.select %gt3A_829, %get3A_828, %select_n3A_821 : vector<16xi1>, vector<16xf32>
        %jit3A_831 = arith.constant 58 : i32
        %broadcast_in_dim3A_832 = vector.broadcast %jit3A_831 : i32 to vector<16xi32>
        %select_n3A_833 = arith.select %gt3A_829, %broadcast_in_dim3A_832, %select_n3A_824 : vector<16xi1>, vector<16xi32>
        %get3A_834 = arith.constant 59 : i32
        %get3A_835 = arith.index_cast %get3A_834 : i32 to index
        %get3A_836 = arith.index_cast %mul3A_329 : i32 to index
        %get3A_837 = tpu.vector_load %arg6[%get3A_835, %get3A_836] {strides = array<i32>} : memref<64x512xf32, #tpu.memory_space<vmem>>, vector<16xf32>,
        %gt3A_838 = arith.cmpf ogt, %get3A_837, %select_n3A_830 : vector<16xf32>
        %select_n3A_839 = arith.select %gt3A_838, %get3A_837, %select_n3A_830 : vector<16xi1>, vector<16xf32>
        %jit3A_840 = arith.constant 59 : i32
        %broadcast_in_dim3A_841 = vector.broadcast %jit3A_840 : i32 to vector<16xi32>
        %select_n3A_842 = arith.select %gt3A_838, %broadcast_in_dim3A_841, %select_n3A_833 : vector<16xi1>, vector<16xi32>
        %get3A_843 = arith.constant 60 : i32
        %get3A_844 = arith.index_cast %get3A_843 : i32 to index
        %get3A_845 = arith.index_cast %mul3A_329 : i32 to index
        %get3A_846 = tpu.vector_load %arg6[%get3A_844, %get3A_845] {strides = array<i32>} : memref<64x512xf32, #tpu.memory_space<vmem>>, vector<16xf32>,
        %gt3A_847 = arith.cmpf ogt, %get3A_846, %select_n3A_839 : vector<16xf32>
        %select_n3A_848 = arith.select %gt3A_847, %get3A_846, %select_n3A_839 : vector<16xi1>, vector<16xf32>
        %jit3A_849 = arith.constant 60 : i32
        %broadcast_in_dim3A_850 = vector.broadcast %jit3A_849 : i32 to vector<16xi32>
        %select_n3A_851 = arith.select %gt3A_847, %broadcast_in_dim3A_850, %select_n3A_842 : vector<16xi1>, vector<16xi32>
        %get3A_852 = arith.constant 61 : i32
        %get3A_853 = arith.index_cast %get3A_852 : i32 to index
        %get3A_854 = arith.index_cast %mul3A_329 : i32 to index
        %get3A_855 = tpu.vector_load %arg6[%get3A_853, %get3A_854] {strides = array<i32>} : memref<64x512xf32, #tpu.memory_space<vmem>>, vector<16xf32>,
        %gt3A_856 = arith.cmpf ogt, %get3A_855, %select_n3A_848 : vector<16xf32>
        %select_n3A_857 = arith.select %gt3A_856, %get3A_855, %select_n3A_848 : vector<16xi1>, vector<16xf32>
        %jit3A_858 = arith.constant 61 : i32
        %broadcast_in_dim3A_859 = vector.broadcast %jit3A_858 : i32 to vector<16xi32>
        %select_n3A_860 = arith.select %gt3A_856, %broadcast_in_dim3A_859, %select_n3A_851 : vector<16xi1>, vector<16xi32>
        %get3A_861 = arith.constant 62 : i32
        %get3A_862 = arith.index_cast %get3A_861 : i32 to index
        %get3A_863 = arith.index_cast %mul3A_329 : i32 to index
        %get3A_864 = tpu.vector_load %arg6[%get3A_862, %get3A_863] {strides = array<i32>} : memref<64x512xf32, #tpu.memory_space<vmem>>, vector<16xf32>,
        %gt3A_865 = arith.cmpf ogt, %get3A_864, %select_n3A_857 : vector<16xf32>
        %select_n3A_866 = arith.select %gt3A_865, %get3A_864, %select_n3A_857 : vector<16xi1>, vector<16xf32>
        %jit3A_867 = arith.constant 62 : i32
        %broadcast_in_dim3A_868 = vector.broadcast %jit3A_867 : i32 to vector<16xi32>
        %select_n3A_869 = arith.select %gt3A_865, %broadcast_in_dim3A_868, %select_n3A_860 : vector<16xi1>, vector<16xi32>
        %get3A_870 = arith.constant 63 : i32
        %get3A_871 = arith.index_cast %get3A_870 : i32 to index
        %get3A_872 = arith.index_cast %mul3A_329 : i32 to index
        %get3A_873 = tpu.vector_load %arg6[%get3A_871, %get3A_872] {strides = array<i32>} : memref<64x512xf32, #tpu.memory_space<vmem>>, vector<16xf32>,
        %gt3A_874 = arith.cmpf ogt, %get3A_873, %select_n3A_866 : vector<16xf32>
        %select_n3A_875 = arith.select %gt3A_874, %get3A_873, %select_n3A_866 : vector<16xi1>, vector<16xf32>
        %jit3A_876 = arith.constant 63 : i32
        %broadcast_in_dim3A_877 = vector.broadcast %jit3A_876 : i32 to vector<16xi32>
        %select_n3A_878 = arith.select %gt3A_874, %broadcast_in_dim3A_877, %select_n3A_869 : vector<16xi1>, vector<16xi32>
        %gt3A_879 = arith.cmpf ogt, %select_n3A_461, %select_n3A_392 : vector<16xf32>
        %select_n3A_880 = arith.select %gt3A_879, %select_n3A_461, %select_n3A_392 : vector<16xi1>, vector<16xf32>
        %select_n3A_881 = arith.select %gt3A_879, %select_n3A_464, %select_n3A_395 : vector<16xi1>, vector<16xi32>
        %gt3A_882 = arith.cmpf ogt, %select_n3A_599, %select_n3A_530 : vector<16xf32>
        %select_n3A_883 = arith.select %gt3A_882, %select_n3A_599, %select_n3A_530 : vector<16xi1>, vector<16xf32>
        %select_n3A_884 = arith.select %gt3A_882, %select_n3A_602, %select_n3A_533 : vector<16xi1>, vector<16xi32>
        %gt3A_885 = arith.cmpf ogt, %select_n3A_737, %select_n3A_668 : vector<16xf32>
        %select_n3A_886 = arith.select %gt3A_885, %select_n3A_737, %select_n3A_668 : vector<16xi1>, vector<16xf32>
        %select_n3A_887 = arith.select %gt3A_885, %select_n3A_740, %select_n3A_671 : vector<16xi1>, vector<16xi32>
        %gt3A_888 = arith.cmpf ogt, %select_n3A_875, %select_n3A_806 : vector<16xf32>
        %select_n3A_889 = arith.select %gt3A_888, %select_n3A_875, %select_n3A_806 : vector<16xi1>, vector<16xf32>
        %select_n3A_890 = arith.select %gt3A_888, %select_n3A_878, %select_n3A_809 : vector<16xi1>, vector<16xi32>
        %gt3A_891 = arith.cmpf ogt, %select_n3A_883, %select_n3A_880 : vector<16xf32>
        %select_n3A_892 = arith.select %gt3A_891, %select_n3A_883, %select_n3A_880 : vector<16xi1>, vector<16xf32>
        %select_n3A_893 = arith.select %gt3A_891, %select_n3A_884, %select_n3A_881 : vector<16xi1>, vector<16xi32>
        %gt3A_894 = arith.cmpf ogt, %select_n3A_889, %select_n3A_886 : vector<16xf32>
        %select_n3A_895 = arith.select %gt3A_894, %select_n3A_889, %select_n3A_886 : vector<16xi1>, vector<16xf32>
        %select_n3A_896 = arith.select %gt3A_894, %select_n3A_890, %select_n3A_887 : vector<16xi1>, vector<16xi32>
        %gt3A_897 = arith.cmpf ogt, %select_n3A_895, %select_n3A_892 : vector<16xf32>
        %select_n3A_898 = arith.select %gt3A_897, %select_n3A_895, %select_n3A_892 : vector<16xi1>, vector<16xf32>
        %select_n3A_899 = arith.select %gt3A_897, %select_n3A_896, %select_n3A_893 : vector<16xi1>, vector<16xi32>
        %gather3A = tpu.vector_load_idx %arg8[%select_n3A_899] : memref<64xi32, #tpu.memory_space<vmem>>[vector<16xi32>], vector<16xi32>,
        %swap3A = arith.index_cast %mul3A_329 : i32 to index
        %swap3A_900 = tpu.vector_load %arg7[%swap3A] {strides = array<i32>} : memref<512xi32, #tpu.memory_space<vmem>>, vector<16xi32>,
        tpu.vector_store %arg7[%swap3A], %gather3A {strides = array<i32>} : memref<512xi32, #tpu.memory_space<vmem>>, vector<16xi32>,
      }
      %scan3A_269 = arith.constant 32 : i32
      %jit3A_270 = arith.constant 8 : i32
      %div3A_271 = arith.divsi %add3A_215, %jit3A_270 : i32
      %sign3A_272 = arith.constant 0 : i32
      %sign3A_273 = arith.cmpi sgt, %add3A_215, %sign3A_272 : i32
      %sign3A_274 = arith.extui %sign3A_273 : i1 to i32
      %sign3A_275 = arith.constant 0 : i32
      %sign3A_276 = arith.cmpi slt, %add3A_215, %sign3A_275 : i32
      %sign3A_277 = arith.extui %sign3A_276 : i1 to i32
      %sign3A_278 = arith.subi %sign3A_274, %sign3A_277 : i32
      %sign3A_279 = arith.constant 0 : i32
      %sign3A_280 = arith.cmpi sgt, %jit3A_270, %sign3A_279 : i32
      %sign3A_281 = arith.extui %sign3A_280 : i1 to i32
      %sign3A_282 = arith.constant 0 : i32
      %sign3A_283 = arith.cmpi slt, %jit3A_270, %sign3A_282 : i32
      %sign3A_284 = arith.extui %sign3A_283 : i1 to i32
      %sign3A_285 = arith.subi %sign3A_281, %sign3A_284 : i32
      %ne3A_286 = arith.cmpi ne, %sign3A_278, %sign3A_285 : i32
      %rem3A_287 = arith.remsi %add3A_215, %jit3A_270 : i32
      %ne3A_288 = arith.constant 0 : i32
      %ne3A_289 = arith.cmpi ne, %rem3A_287, %ne3A_288 : i32
      %and3A_290 = arith.andi %ne3A_286, %ne3A_289 : i1
      %sub3A_291 = arith.constant 1 : i32
      %sub3A_292 = arith.subi %div3A_271, %sub3A_291 : i32
      %select_n3A_293 = arith.select %and3A_290, %sub3A_292, %div3A_271 : i32
      %add3A_294 = arith.constant 64 : i32
      %add3A_295 = arith.addi %add3A_294, %select_n3A_293 : i32
      %jit3A_296 = arith.constant 8 : i32
      %eq3A_297 = arith.constant 0 : i32
      %eq3A_298 = arith.cmpi eq, %jit3A_296, %eq3A_297 : i32
      %jit3A_299 = arith.constant 1 : i32
      %select_n3A_300 = arith.select %eq3A_298, %jit3A_299, %jit3A_296 : i32
      %rem3A_301 = arith.remsi %add3A_215, %select_n3A_300 : i32
      %ne3A_302 = arith.constant 0 : i32
      %ne3A_303 = arith.cmpi ne, %rem3A_301, %ne3A_302 : i32
      %lt3A_304 = arith.constant 0 : i32
      %lt3A_305 = arith.cmpi slt, %rem3A_301, %lt3A_304 : i32
      %lt3A_306 = arith.constant 0 : i32
      %lt3A_307 = arith.cmpi slt, %select_n3A_300, %lt3A_306 : i32
      %ne3A_308 = arith.xori %lt3A_305, %lt3A_307 : i1
      %and3A_309 = arith.andi %ne3A_308, %ne3A_303 : i1
      %add3A_310 = arith.addi %rem3A_301, %select_n3A_300 : i32
      %select_n3A_311 = arith.select %and3A_309, %add3A_310, %rem3A_301 : i32
      %mul3A_312 = arith.constant 512 : i32
      %mul3A_313 = arith.muli %select_n3A_311, %mul3A_312 : i32
      %sub3A_314 = arith.constant 64 : i32
      %sub3A_315 = arith.subi %add3A_295, %sub3A_314 : i32
      %mul3A_316 = arith.constant 4096 : i32
      %mul3A_317 = arith.muli %sub3A_315, %mul3A_316 : i32
      %add3A_318 = arith.addi %mul3A_317, %mul3A_313 : i32
      "tpu.region"() ({
        %run_scoped3A = tpu.sem_alloc : memref<!tpu.dma_semaphore, #tpu.memory_space<semaphore_mem>>
        %dma_start3A_327 = tpu.memref_slice %arg4[%add3A_318] : memref<557056xi32, #tpu.memory_space<hbm>> -> memref<512xi32, #tpu.memory_space<hbm>>
        %dma_start3A_328 = tpu.memref_slice %arg4[%add3A_318] : memref<557056xi32, #tpu.memory_space<hbm>> -> memref<512xi32, #tpu.memory_space<hbm>>
        tpu.enqueue_dma source(%arg7 : memref<512xi32, #tpu.memory_space<vmem>>) target(%dma_start3A_328 : memref<512xi32, #tpu.memory_space<hbm>>) target_semaphore(%run_scoped3A : memref<!tpu.dma_semaphore, #tpu.memory_space<semaphore_mem>>)
        %dma_wait3A_329 = tpu.memref_slice %arg4[%add3A_318] : memref<557056xi32, #tpu.memory_space<hbm>> -> memref<512xi32, #tpu.memory_space<hbm>>
        %dma_wait3A_330 = tpu.memref_slice %arg4[%add3A_318] : memref<557056xi32, #tpu.memory_space<hbm>> -> memref<512xi32, #tpu.memory_space<hbm>>
        tpu.wait_dma2 semaphore(%run_scoped3A : memref<!tpu.dma_semaphore, #tpu.memory_space<semaphore_mem>>) src(%arg7 : memref<512xi32, #tpu.memory_space<vmem>>) dst(%dma_wait3A_330 : memref<512xi32, #tpu.memory_space<hbm>>)
        tpu.yield
      }) : () -> ()
      %add3A_319 = arith.constant 2 : i32
      %add3A_320 = arith.addi %add3A_215, %add3A_319 : i32
      %add3A_321 = arith.constant 34 : i32
      %add3A_322 = arith.addi %mul3A_2, %add3A_321 : i32
      %lt3A_323 = arith.cmpi slt, %add3A_320, %add3A_322 : i32
      %convert_element_type3A_324 = arith.extui %lt3A_323 : i1 to i32
      %cond3A_325 = arith.constant 0 : i32
      %cond3A_326 = arith.cmpi ne, %convert_element_type3A_324, %cond3A_325 : i32
      scf.if %cond3A_326 {
        %jit3A_327 = arith.constant 8 : i32
        %div3A_328 = arith.divsi %add3A_320, %jit3A_327 : i32
        %sign3A_329 = arith.constant 0 : i32
        %sign3A_330 = arith.cmpi sgt, %add3A_320, %sign3A_329 : i32
        %sign3A_331 = arith.extui %sign3A_330 : i1 to i32
        %sign3A_332 = arith.constant 0 : i32
        %sign3A_333 = arith.cmpi slt, %add3A_320, %sign3A_332 : i32
        %sign3A_334 = arith.extui %sign3A_333 : i1 to i32
        %sign3A_335 = arith.subi %sign3A_331, %sign3A_334 : i32
        %sign3A_336 = arith.constant 0 : i32
        %sign3A_337 = arith.cmpi sgt, %jit3A_327, %sign3A_336 : i32
        %sign3A_338 = arith.extui %sign3A_337 : i1 to i32
        %sign3A_339 = arith.constant 0 : i32
        %sign3A_340 = arith.cmpi slt, %jit3A_327, %sign3A_339 : i32
        %sign3A_341 = arith.extui %sign3A_340 : i1 to i32
        %sign3A_342 = arith.subi %sign3A_338, %sign3A_341 : i32
        %ne3A_343 = arith.cmpi ne, %sign3A_335, %sign3A_342 : i32
        %rem3A_344 = arith.remsi %add3A_320, %jit3A_327 : i32
        %ne3A_345 = arith.constant 0 : i32
        %ne3A_346 = arith.cmpi ne, %rem3A_344, %ne3A_345 : i32
        %and3A_347 = arith.andi %ne3A_343, %ne3A_346 : i1
        %sub3A_348 = arith.constant 1 : i32
        %sub3A_349 = arith.subi %div3A_328, %sub3A_348 : i32
        %select_n3A_350 = arith.select %and3A_347, %sub3A_349, %div3A_328 : i32
        %add3A_351 = arith.constant 64 : i32
        %add3A_352 = arith.addi %add3A_351, %select_n3A_350 : i32
        %jit3A_353 = arith.constant 8 : i32
        %eq3A_354 = arith.constant 0 : i32
        %eq3A_355 = arith.cmpi eq, %jit3A_353, %eq3A_354 : i32
        %jit3A_356 = arith.constant 1 : i32
        %select_n3A_357 = arith.select %eq3A_355, %jit3A_356, %jit3A_353 : i32
        %rem3A_358 = arith.remsi %add3A_320, %select_n3A_357 : i32
        %ne3A_359 = arith.constant 0 : i32
        %ne3A_360 = arith.cmpi ne, %rem3A_358, %ne3A_359 : i32
        %lt3A_361 = arith.constant 0 : i32
        %lt3A_362 = arith.cmpi slt, %rem3A_358, %lt3A_361 : i32
        %lt3A_363 = arith.constant 0 : i32
        %lt3A_364 = arith.cmpi slt, %select_n3A_357, %lt3A_363 : i32
        %ne3A_365 = arith.xori %lt3A_362, %lt3A_364 : i1
        %and3A_366 = arith.andi %ne3A_365, %ne3A_360 : i1
        %add3A_367 = arith.addi %rem3A_358, %select_n3A_357 : i32
        %select_n3A_368 = arith.select %and3A_366, %add3A_367, %rem3A_358 : i32
        %mul3A_369 = arith.constant 512 : i32
        %mul3A_370 = arith.muli %select_n3A_368, %mul3A_369 : i32
        %mul3A_371 = arith.constant 64 : i32
        %mul3A_372 = arith.muli %add3A_352, %mul3A_371 : i32
        %dma_start3A_373 = tpu.memref_slice %arg2[%mul3A_372, %mul3A_370] : memref<12800x4096xf32, #tpu.memory_space<hbm>> -> memref<64x512xf32, #tpu.memory_space<hbm>>
        %dma_start3A_374 = tpu.memref_slice %arg2[%mul3A_372, %mul3A_370] : memref<12800x4096xf32, #tpu.memory_space<hbm>> -> memref<64x512xf32, #tpu.memory_space<hbm>>
        tpu.enqueue_dma source(%dma_start3A_374 : memref<64x512xf32, #tpu.memory_space<hbm>>) target(%arg6 : memref<64x512xf32, #tpu.memory_space<vmem>>) target_semaphore(%arg10 : memref<!tpu.dma_semaphore, #tpu.memory_space<semaphore_mem>>)
      } else {
      }
    }
    %scan3A_96 = arith.constant 17 : i32
    return
  }
}

module attributes {stable_mosaic.version = 14 : i64} {
  func.func @tc_kernel(%arg0: i32, %arg1: i32, %arg2: memref<64x1xf32, #tpu.memory_space<vmem>>, %arg3: memref<8x64x512xf32, #tpu.memory_space<vmem>>, %arg4: memref<8x512xi32, #tpu.memory_space<vmem>>) attributes {dimension_semantics = [#tpu.dimension_semantics<parallel>, #tpu.dimension_semantics<parallel>], iteration_bounds = array<i64: 8, 8>, scalar_prefetch = 0 : i64, scratch_operands = 0 : i64, tpu.core_type = #tpu.core_type<tc>, window_params = [{pipeline_mode = #tpu.pipeline_mode<synchronous>, transform_indices = @transform_0, window_bounds = array<i64: 64, 1>}, {transform_indices = @transform_1, window_bounds = array<i64: 8, 64, 512>}, {transform_indices = @transform_2, window_bounds = array<i64: 8, 512>}]} {
    %get3A = arith.constant 0 : index
    %get3A_0 = arith.constant 0 : index
    %get3A_1 = arith.constant 0 : index
    %get3A_2 = vector.load %arg3[%get3A, %get3A_0, %get3A_1] : memref<8x64x512xf32, #tpu.memory_space<vmem>>, vector<8x64x512xf32>
    %reduce_max3A = arith.constant dense<0xFF800000> : vector<8x512xf32>
    %reduce_max3A_3 = vector.multi_reduction <maximumf>, %get3A_2, %reduce_max3A [1] : vector<8x64x512xf32> to vector<8x512xf32>
    %broadcast_in_dim3A = vector.shape_cast %reduce_max3A_3 : vector<8x512xf32> to vector<8x1x512xf32>
    %eq3A = vector.broadcast %broadcast_in_dim3A : vector<8x1x512xf32> to vector<8x64x512xf32>
    %eq3A_4 = arith.cmpf oeq, %get3A_2, %eq3A : vector<8x64x512xf32>
    %get3A_5 = arith.constant 0 : index
    %get3A_6 = arith.constant 0 : index
    %get3A_7 = vector.load %arg2[%get3A_5, %get3A_6] : memref<64x1xf32, #tpu.memory_space<vmem>>, vector<64x1xf32>
    %broadcast_in_dim3A_8 = vector.shape_cast %get3A_7 : vector<64x1xf32> to vector<1x64x1xf32>
    %jit3A = arith.constant 0xFF800000 : f32
    %broadcast_in_dim3A_9 = vector.shape_cast %broadcast_in_dim3A_8 : vector<1x64x1xf32> to vector<1x64x1xf32>
    %broadcast_in_dim3A_10 = vector.broadcast %broadcast_in_dim3A_9 : vector<1x64x1xf32> to vector<8x64x512xf32>
    %broadcast_in_dim3A_11 = vector.broadcast %jit3A : f32 to vector<8x64x512xf32>
    %select_n3A = arith.select %eq3A_4, %broadcast_in_dim3A_10, %broadcast_in_dim3A_11 : vector<8x64x512xi1>, vector<8x64x512xf32>
    %reduce_max3A_12 = arith.constant dense<0xFF800000> : vector<8x512xf32>
    %reduce_max3A_13 = vector.multi_reduction <maximumf>, %select_n3A, %reduce_max3A_12 [1] : vector<8x64x512xf32> to vector<8x512xf32>
    %neg3A = arith.constant 0.000000e+00 : f32
    %neg3A_14 = vector.broadcast %neg3A : f32 to vector<8x512xf32>
    %neg3A_15 = arith.subf %neg3A_14, %reduce_max3A_13 : vector<8x512xf32>
    %convert_element_type3A = arith.fptosi %neg3A_15 : vector<8x512xf32> to vector<8x512xi32>
    %and3A = arith.constant 255 : i32
    %and3A_16 = vector.broadcast %and3A : i32 to vector<8x512xi32>
    %and3A_17 = arith.andi %convert_element_type3A, %and3A_16 : vector<8x512xi32>
    %swap3A = arith.constant 0 : index
    %swap3A_18 = arith.constant 0 : index
    %swap3A_19 = vector.load %arg4[%swap3A, %swap3A_18] : memref<8x512xi32, #tpu.memory_space<vmem>>, vector<8x512xi32>
    tpu.vector_store %arg4[%swap3A, %swap3A_18], %and3A_17 {strides = array<i32>} : memref<8x512xi32, #tpu.memory_space<vmem>>, vector<8x512xi32>,
    return
  }
  func.func @transform_0(%arg0: i32, %arg1: i32) -> (i32, i32) {
    %c0_i32 = arith.constant 0 : i32
    %c0_i32_0 = arith.constant 0 : i32
    %c0_i32_1 = arith.constant 0 : i32
    return %c0_i32, %c0_i32_0 : i32, i32
  }
  func.func @transform_1(%arg0: i32, %arg1: i32) -> (i32, i32, i32) {
    %c0_i32 = arith.constant 0 : i32
    %c0_i32_0 = arith.constant 0 : i32
    return %arg0, %c0_i32, %arg1 : i32, i32, i32
  }
  func.func @transform_2(%arg0: i32, %arg1: i32) -> (i32, i32) {
    %c0_i32 = arith.constant 0 : i32
    return %arg0, %arg1 : i32, i32
  }
}

</mosaic_0001>

<sc_bundles>
// kernel: kernel.4.cloned.1.call-start
scs
__scs_entry_jumppad:
0x0: {  	(pc) =	sbr.rel $0x88, $3  }
0x1: {  	(tag) =	ssettag $0x0;
	lr =	simm.s32 $0x1  }
0x2: {  	[smem:$0x3F9F] =	sst lr;
	_ =	strace $0xD0000000  }
0x3: {  	_ = 	snop  }
0x4: {  	_ = 	snop  }
0x5: {  	_ = 	snop  }
0x6: {  	_ = 	snop  }
0x7: {  	_ = 	snop  }
__scs_overlays_trampoline_lowered:
0x8: {  	[smem:$0x3FAE] =	sst s0  }
0x9: {  	[smem:$0x3FAF] =	sst s1  }
0xa: {  	[smem:$0x3FB0] =	sst s2  }
0xb: {  	[smem:$0x3FB1] =	sst s3  }
0xc: {  	[smem:$0x3FB2] =	sst s4  }
0xd: {  	[smem:$0x3FB3] =	sst s5  }
0xe: {  	[smem:$0x3FB4] =	sst s6  }
0xf: {  	[smem:$0x3FB5] =	sst s7  }
0x10: {  	[smem:$0x3FB6] =	sst s8  }
0x11: {  	[smem:$0x3FB7] =	sst s9;
	s0 =	simm.s32 @!p0 $0x0  }
0x12: {  	s1 =	sld [smem:$0x3F9D];
	s0 =	simm.s32 @p0 $0x1  }
0x13: {  	[smem:$0x3FB8] =	sst s0;
	s0 =	simm.s32 @!p1 $0x0  }
0x14: {  	s2 =	sld [smem:$0x3F9C];
	s0 =	simm.s32 @p1 $0x1  }
0x15: {  	[smem:$0x3FB9] =	sst s0;
	s0 =	simm.s32 @!p2 $0x0  }
0x16: {  	s3 =	sld [smem:$0x3FDB];
	s0 =	simm.s32 @p2 $0x1  }
0x17: {  	s4 =	simm.s32 $0x1BF5;
	[smem:$0x3FBB] =	sst s0  }
0x18: {  	s0 =	sld [smem:$0x3F9E];
	_ =	swait.ge [sflag:s4], $0x0  }
0x19: {  	s7 =	sld [smem:$0x3F9F]  }
0x1a: {  	s8 =	sadd.s32 $0xFFFFE003, lr  }
0x1b: {  	s9 =	sadd.s32 $0xFFFFFEF7, lr;
	s5 =	simm.s32 $0xFFFFFFFF;
	p2 =	slt.u32 s8, $0xFFFFF086  }
0x1c: {  	p1 =	slt.u32 s9, $0xF7A;
	s5 =	simm.s32 @!p2 $0x0  }
0x1d: {  	s5 =	simm.s32 @p1 $0x1;
	p0 =	seq.s32 s7, s2  }
0x1e: {  	s7 =	smul.u32 @!p0 $0xF7A, s2;
	p2 =	seq.s32 @!p0 s5, $0x0  }
0x1f: {  	s9 =	smul.u32 $0xF7A, s1;
	s8 =	simm.s32 @!p0 $0x1BF5;
	p2 =	por !p2, p0  }
0x20: {  	[sflag:s8] =	ssyncset.s32 @!p0 $0xFFFFF086;
	s6 =	sadd.s32 @!p0 s3, s7;
	s7 =	simm.s32 @!p0 $0x108  }
0x21: {  	s3 =	sadd.s32 s3, s9;
	s6 =	sadd.s32 @!p0 $0x88, s6;
	s7 =	simm.s32 @p2 $0x1082  }
0x22: {  	[simem:s7], [sflag:s8] =	dma.local @!p0 [hbm:s6], $0xF7A  }
0x23: {  	s9 =	sor.u32 $0xD0000000, s2;
	s6 =	simm.s32 $0x108;
	_ =	swait.ge @!p0 [sflag:s8], $0x0  }
0x24: {  	s3 =	sadd.s32 $0x88, s3;
	s6 =	simm.s32 @!p1 $0x1082;
	[sflag:s4] =	ssyncset.s32 $0xFFFFF086  }
0x25: {  	[simem:s6], [sflag:s4] =	dma.local [hbm:s3], $0xF7A  }
0x26: {  	[smem:$0x3F9F] =	sst s1;
	(tag) =	ssettag s2;
	_ =	strace s9  }
0x27: {  	s1 =	sld [smem:$0x3FAF]  }
0x28: {  	s2 =	sld [smem:$0x3FB0]  }
0x29: {  	s4 =	sld [smem:$0x3FB2]  }
0x2a: {  	p0 =	seq.s32 s5, $0x0;
	s5 =	sld [smem:$0x3FB3]  }
0x2b: {  	s6 =	sld [smem:$0x3FB4]  }
0x2c: {  	s7 =	sld [smem:$0x3FB5]  }
0x2d: {  	s3 =	simm.s32 $0x108;
	s8 =	sld [smem:$0x3FB6]  }
0x2e: {  	s3 =	simm.s32 @!p0 $0x1082;
	s9 =	sld [smem:$0x3FB7]  }
0x2f: {  	lr =	sadd.s32 s0, s3;
	s0 =	sld [smem:$0x3FAE]  }
0x30: {  	s3 =	sld [smem:$0x3FB1]  }
0x31: {  	[smem:$0x3FBA] =	sst s10  }
0x32: {  	s10 =	sld [smem:$0x3FB8];
	_ =	sdelay $0x3  }
0x33: {  	p0 =	seq.s32 s10, $0x1;
	s10 =	sld [smem:$0x3FBA];
	_ =	sdelay $0x3  }
0x34: {  	[smem:$0x3FBA] =	sst s10  }
0x35: {  	s10 =	sld [smem:$0x3FB9];
	_ =	sdelay $0x3  }
0x36: {  	p1 =	seq.s32 s10, $0x1;
	s10 =	sld [smem:$0x3FBA];
	_ =	sdelay $0x3  }
0x37: {  	[smem:$0x3FBA] =	sst s10  }
0x38: {  	s10 =	sld [smem:$0x3FBB]  }
0x39: {  	_ = 	snop;
	(pc) =	sbr.ind lr, $3  }
0x3a: {  	_ = 	snop  }
0x3b: {  	_ = 	snop  }
0x3c: {  	p2 =	seq.s32 s10, $0x1;
	s10 =	sld [smem:$0x3FBA]  }
0x3d: {  	_ =	shalt  }
0x3e: {  	_ =	shalt  }
0x3f: {  	_ =	shalt  }
0x40: {  	_ =	shalt  }
0x41: {  	_ =	shalt  }
0x42: {  	_ =	shalt  }
0x43: {  	_ =	shalt  }
0x44: {  	_ =	shalt  }
0x45: {  	_ =	shalt  }
0x46: {  	_ =	shalt  }
0x47: {  	_ =	shalt  }
0x48: {  	_ =	shalt  }
0x49: {  	_ =	shalt  }
0x4a: {  	_ =	shalt  }
0x4b: {  	_ =	shalt  }
0x4c: {  	_ =	shalt  }
0x4d: {  	_ =	shalt  }
0x4e: {  	_ =	shalt  }
0x4f: {  	_ =	shalt  }
0x50: {  	_ =	shalt  }
0x51: {  	_ =	shalt  }
0x52: {  	_ =	shalt  }
0x53: {  	_ =	shalt  }
0x54: {  	_ =	shalt  }
0x55: {  	_ =	shalt  }
0x56: {  	_ =	shalt  }
0x57: {  	_ =	shalt  }
0x58: {  	_ =	shalt  }
0x59: {  	_ =	shalt  }
0x5a: {  	_ =	shalt  }
0x5b: {  	_ =	shalt  }
0x5c: {  	_ =	shalt  }
0x5d: {  	_ =	shalt  }
0x5e: {  	_ =	shalt  }
0x5f: {  	_ =	shalt  }
0x60: {  	_ =	shalt  }
0x61: {  	_ =	shalt  }
0x62: {  	_ =	shalt  }
0x63: {  	_ =	shalt  }
0x64: {  	_ =	shalt  }
0x65: {  	_ =	shalt  }
0x66: {  	_ =	shalt  }
0x67: {  	_ =	shalt  }
0x68: {  	_ =	shalt  }
0x69: {  	_ =	shalt  }
0x6a: {  	_ =	shalt  }
0x6b: {  	_ =	shalt  }
0x6c: {  	_ =	shalt  }
0x6d: {  	_ =	shalt  }
0x6e: {  	_ =	shalt  }
0x6f: {  	_ =	shalt  }
0x70: {  	_ =	shalt  }
0x71: {  	_ =	shalt  }
0x72: {  	_ =	shalt  }
0x73: {  	_ =	shalt  }
0x74: {  	_ =	shalt  }
0x75: {  	_ =	shalt  }
0x76: {  	_ =	shalt  }
0x77: {  	_ =	shalt  }
0x78: {  	_ =	shalt  }
0x79: {  	_ =	shalt  }
0x7a: {  	_ =	shalt  }
0x7b: {  	_ =	shalt  }
0x7c: {  	_ =	shalt  }
0x7d: {  	_ =	shalt  }
0x7e: {  	_ =	shalt  }
0x7f: {  	_ =	shalt  }
0x80: {  	_ =	shalt  }
0x81: {  	_ =	shalt  }
0x82: {  	_ =	shalt  }
0x83: {  	_ =	shalt  }
0x84: {  	_ =	shalt  }
0x85: {  	_ =	shalt  }
0x86: {  	_ =	shalt  }
0x87: {  	_ =	shalt  }
.Lfunc_end0:
.L_simem_size_0:
called_computation_lowered:
.L_overlay_start_0:
0x88: {  	s2 =	sld [smem:$0x3FD9]  }
0x89: {  	s3 =	sld [smem:$0x3FFE];
	_ =	sdelay $0x1  }
0x8a: {  	s1 =	srdreg.scid  }
0x8b: {  	s0 =	sand.u32 $0x1, s1  }
0x8c: {  	s18 =	sshll.u32 s0, $0xA;
	s2 =	sadd.s32 s3, s2  }
0x8d: {  	s2 =	sadd.s32 s2, s18  }
0x8e: {  	[smem:$0x3FC6] =	sst s2  }
0x8f: {  	_ = 	snop  }
0x90: {  	s2 =	sld [smem:$0x3FC9]  }
0x91: {  	s19 =	sld [smem:$0x3FC8]  }
0x92: {  	s4 =	sld [smem:$0x3FD0];
	(tm) =	ssettm $0x1  }
0x93: {  	s5 =	sld [smem:$0x3FFB];
	_ =	sdelay $0x3  }
0x94: {  	_ =	strace s5  }
0x95: {  	s5 =	sld [smem:$0x3FFC];
	_ =	sdelay $0x3  }
0x96: {  	_ =	strace s5  }
0x97: {  	s5 =	sld [smem:$0x3FFD];
	_ =	sdelay $0x3  }
0x98: {  	_ =	strace s5  }
0x99: {  	_ =	strace $0x8FFFFFFF  }
0x9a: {  	s20 =	sld [smem:$0x3FDB];
	_ =	sdelay $0x1  }
0x9b: {  	s6 =	simm.s32 $_scs_section_size  }
0x9c: {  	s7 =	simm.s32 $_size__tile_overlayer_lowered;
	s8 =	simm.s32 $_tile_overlayer_lowered  }
0x9d: {  	s23 =	simm.s32 $0x1BFF;
	s22 =	sshll.u32 s8, $0x1;
	s5 =	sadd.s32 s6, s20  }
0x9e: {  	s9 =	simm.s32 $0x0;
	s21 =	sshll.u32 s7, $0x1;
	s7 =	sadd.s32 s22, s5  }
0x9f: {  	[timem:s9], [sflag:s23] =	dma.local [hbm:s7], s21  }
0xa0: {  	_ =	swait.ge [sflag:s23], s21  }
0xa1: {  	s6 =	ssub.s32 $0x0, s21;
	[sflag:s23] =	ssyncset.done $0x0  }
0xa2: {  	[sflag:s23] =	ssyncadd.s32 s6;
	_ =	sdelay $0x1  }
0xa3: {  	s24 =	simm.s32 $0x1B8B  }
0xa4: {  	_ =	swait.ge [sflag:s24], $0x1  }
0xa5: {  	[sflag:s24] =	ssyncset.done $0x0  }
0xa6: {  	s25 =	simm.s32 $0x1B8E;
	[sflag:s24] =	ssyncadd.s32 $0xFFFFFFFF  }
0xa7: {  	s26 =	simm.s32 $execute0_lowered;
	[smem:$0x3FD2] =	sst s25  }
0xa8: {  	s6 =	sshll.u32 s26, $0x1;
	_ =	strace $0x80000046;
	[dreg:$0x1] =	wrdreg $0xFFFFFFFF  }
0xa9: {  	s28 =	simm.s32 $_size_execute0_lowered;
	s5 =	sadd.s32 s5, s6;
	[dreg:$0x0] =	wrdreg $0x0  }
0xaa: {  	s6 =	sshll.u32 s28, $0x1;
	[dreg:$0x2] =	wrdreg s5  }
0xab: {  	[dreg:$0x3] =	wrdreg s6  }
0xac: {  	[dreg:$0x4] =	wrdreg $0xC0  }
0xad: {  	_ =	task [dreg:s9], $0x5FFFF  }
0xae: {  	[dreg:$0x1] =	wrdreg $0xFFFFFFFF  }
0xaf: {  	[dreg:$0x0] =	wrdreg $0x60  }
0xb0: {  	[dreg:$0x2] =	wrdreg s2  }
0xb1: {  	[dreg:$0x3] =	wrdreg s19  }
0xb2: {  	[dreg:$0x4] =	wrdreg s4  }
0xb3: {  	[dreg:$0x5] =	wrdreg $0x9  }
0xb4: {  	_ =	task.clear_ibuf [dreg:s9], $0x6FFFF;
	_ =	strace $0x90000046  }
0xb5: {  	s29 =	simm.s32 $0x9;
	_ =	strace $0x80000048  }
0xb6: {  	_ =	swait.ge [sflag:s29], $0x1  }
0xb7: {  	[sflag:s29] =	ssyncadd.s32 $0xFFFFFFFF  }
0xb8: {  	_ =	strace $0x90000048  }
0xb9: {  	_ =	sfence  }
0xba: {  	s30 =	sld [smem:$0x0];
	_ =	sdelay $0x2  }
0xbb: {  	s31 =	sshll.u32 s1, $0xD;
	s1 =	sshrl.u32 s1, $0x2  }
0xbc: {  	s3 =	sand.u32 $0x4000, s31;
	s1 =	sadd.s32 s1, s30  }
0xbd: {  	s0 =	sor.u32 s3, s0;
	s1 =	sshll.u32 s1, $0x11  }
0xbe: {  	s0 =	sor.u32 s1, s0  }
0xbf: {  	s0 =	sadd.s32 $0x8F2B, s0  }
0xc0: {  	[sflag:s0] =	ssyncadd.remote.s32 $0x1  }
0xc1: {  	_ =	sfence.sel $0xFFFF  }
0xc2: {  	[dreg:$0x0] =	wrdreg $0xFFFFFFFF;
	(pc) =	sbr.abs _section_cstart, $3  }
0xc3: {  	[dreg:$0x1] =	wrdreg $0xFFFFFFFF  }
0xc4: {  	_ =	task.clear_ibuf [dreg:s9], $0x2FFFF;
	_ =	strace $0x9FFFFFFF  }
0xc5: {  	(tm) =	ssettm $0x7FFFFFFF  }
tec
execute0_lowered:
.L_overlay_start_1:
0x0: {  	(tag) =	ssettag $0x1  }
0x1: {  	s1 =	srdreg.scid  }
0x2: {  	s0 =	stileid.u32;
	s9 =	rddreg [dreg:$0x0]  }
0x3: {  	s2 =	rddreg [dreg:$0x1];
	s4 =	simm.s32 $0x0;
	s12 =	simm.s32 $0x10200  }
0x4: {  	s13 =	simm.s32 $0x3;
	s5 =	sand.u32 $0x1, s1;
	s31 =	sshll.u32 s0, $0x1  }
0x5: {  	s14 =	simm.s32 $0x1000;
	s15 =	simm.s32 $0x8000;
	s6 =	sor.u32 s5, s31  }
0x6: {  	s16 =	simm.s32 $0x1;
	s17 =	simm.s32 $0x10000;
	s1 =	smul.u32 $0x110000, s6  }
0x7: {  	s18 =	simm.s32 $0x2;
	s19 =	simm.s32 $0x0;
	s3 =	sshll.u32 s6, $0xD  }
0x8: {  	[smem:$0x7FF] =	sst s4;
	s8 =	ssub.s32 $0x2, s5;
	s1 =	sor.u32 s3, s1  }
0x9: {  	s10 =	sshrl.u32 s8, $0x1;
	s5 =	smul.u32 $0x22, s6;
	s7 =	sand.u32 $0x3FC6000, s1  }
0xa: {  	s11 =	ssub.s32 s8, s10;
	s3 =	rddreg [dreg:$0x2];
	s7 =	sadd.s32 $0x1000000, s7  }
0xb: {  	v0 =	vimm.s32 $0x0;
	v1 =	vimm.s32 $0x8;
	s8 =	sadd.s32 $0x22, s5;
	s11 =	smax.u32 s11, $0x1;
	s7 =	sshrl.u32 s7, $0x3  }
0xc: {  	v2 =	vimm.s32 $0x10;
	v3 =	vimm.s32 $0x18;
	v4 =	vimm.s32 $0x20;
	s1 =	rddreg [dreg:$0x3];
	_ =	strace $0x80000047;
	s6 =	sadd.s32 s9, s7  }
0xd: {  	v5 =	vimm.s32 $0x28;
	v6 =	vimm.s32 $0x30;
	v7 =	vimm.s32 $0x38;
	s10 =	sadd.s32 $0x40, s3;
	s9 =	sadd.s32 $0x200000, s9;
	s7 =	sadd.s32 $0x200, s6  }
.LBB2_1:
0xe: {  	[tilespmem:s12], [sflag:$0x3] =	stream.linear.gather [hbm4b:s2+s4], $0x80, $0x38;
	[tilespmem:$0x10280] =	vst v63  }
0xf: {  	_ =	swait.ge [sflag:s13], $0x80  }
0x10: {  	[sflag:s13] =	ssyncset.done $0x0  }
0x11: {  	[sflag:s13] =	ssyncadd.s32 $0xFFFFFF80  }
0x12: {  	[tilespmem:s4], [sflag:$0x1] =	stream.strided.gather [hbm4b:s6+s14], $0x8000, s15, s14, $0x38;
	[tilespmem:$0x10280] =	vst v63  }
0x13: {  	s20 =	simm.s32 $0x0  }
0x14: {  	[tilespmem:s15], [sflag:$0x2] =	stream.strided.gather [hbm4b:s7+s14], $0x8000, s15, s14, $0x38;
	[tilespmem:$0x10280] =	vst v63  }
.LBB2_2:
0x15: {  	_ =	swait.ge [sflag:s16], $0x8000;
	s21 =	simm.s32 $0x0  }
0x16: {  	[sflag:s16] =	ssyncset.done $0x0;
	s22 =	sand.u32 $0x70, s21;
	s21 =	sand.u32 $0xC00, s21  }
0x17: {  	[sflag:s16] =	ssyncadd.s32 $0xFFFF8000;
	s21 =	sor.u32 s22, s21  }
0x18: {  	v8 =	vld [tilespmem:s21+$0x380]  }
0x19: {  	v9 =	vld [tilespmem:s21+$0x1380]  }
0x1a: {  	v10 =	vld [tilespmem:s21+$0x2380]  }
0x1b: {  	v11 =	vld [tilespmem:s21+$0x80]  }
0x1c: {  	v12 =	vld [tilespmem:s21+$0x0]  }
0x1d: {  	v14 =	vld [tilespmem:s21+$0x100]  }
0x1e: {  	v15 =	vld [tilespmem:s21+$0x180]  }
0x1f: {  	v16 =	vld [tilespmem:s21+$0x1080]  }
0x20: {  	v17 =	vld [tilespmem:s21+$0x1000]  }
0x21: {  	v18 =	vld [tilespmem:s21+$0x1100];
	vm0 =	vgt.f32 v11, v12  }
0x22: {  	v11 =	vsel vm0, v11, v12;
	v12 =	vld [tilespmem:s21+$0x200]  }
0x23: {  	v19 =	vld [tilespmem:s21+$0x1180];
	vm1 =	vgt.f32 v14, v11  }
0x24: {  	v11 =	vsel vm1, v14, v11;
	v14 =	vld [tilespmem:s21+$0x280]  }
0x25: {  	v13 =	vld [tilespmem:s21+$0x3380];
	vm3 =	vgt.f32 v16, v17;
	vm2 =	vgt.f32 v15, v11  }
0x26: {  	v20 =	vsel vm0, $0x1, v0;
	v16 =	vsel vm3, v16, v17;
	v11 =	vsel vm2, v15, v11;
	v15 =	vld [tilespmem:s21+$0x300]  }
0x27: {  	v17 =	vld [tilespmem:s21+$0x1200];
	v20 =	vsel vm1, $0x2, v20;
	vm1 =	vgt.f32 v18, v16;
	vm0 =	vgt.f32 v12, v11  }
0x28: {  	v16 =	vsel vm1, v18, v16;
	v18 =	vld [tilespmem:s21+$0x1280];
	v20 =	vsel vm2, $0x3, v20;
	v11 =	vsel vm0, v12, v11  }
0x29: {  	v12 =	vld [tilespmem:s21+$0x1300];
	v20 =	vsel vm0, $0x4, v20;
	vm0 =	vgt.f32 v19, v16;
	vm2 =	vgt.f32 v14, v11  }
0x2a: {  	v16 =	vsel vm0, v19, v16;
	v19 =	vld [tilespmem:s21+$0x2000];
	v11 =	vsel vm2, v14, v11  }
0x2b: {  	v14 =	vld [tilespmem:s21+$0x2080];
	v20 =	vsel vm2, $0x5, v20;
	vm2 =	vgt.f32 v15, v11  }
0x2c: {  	v22 =	vld [tilespmem:s21+$0x3080];
	v11 =	vsel vm2, v15, v11;
	v15 =	vsel vm2, $0x6, v20;
	vm2 =	vgt.f32 v17, v16  }
0x2d: {  	v21 =	vsel vm3, $0x9, v1;
	vm4 =	vgt.f32 v8, v11;
	v16 =	vsel vm2, v17, v16;
	v17 =	vld [tilespmem:s21+$0x2100]  }
0x2e: {  	v21 =	vsel vm1, $0xA, v21;
	v20 =	vld [tilespmem:s21+$0x2180];
	v15 =	vsel vm4, $0x7, v15;
	vm1 =	vgt.f32 v18, v16  }
0x2f: {  	v11 =	vsel vm4, v8, v11;
	v8 =	vsel vm0, $0xB, v21;
	v16 =	vsel vm1, v18, v16;
	v18 =	vld [tilespmem:s21+$0x3000]  }
0x30: {  	v21 =	vld [tilespmem:s21+$0x2200];
	v8 =	vsel vm2, $0xC, v8;
	vm2 =	vgt.f32 v14, v19;
	vm0 =	vgt.f32 v12, v16  }
0x31: {  	v8 =	vsel vm1, $0xD, v8;
	v14 =	vsel vm2, v14, v19;
	v12 =	vsel vm0, v12, v16;
	v16 =	vld [tilespmem:s21+$0x3100]  }
0x32: {  	v19 =	vld [tilespmem:s21+$0x2280];
	v8 =	vsel vm0, $0xE, v8;
	vm0 =	vgt.f32 v9, v12;
	vm1 =	vgt.f32 v17, v14  }
0x33: {  	v9 =	vsel vm0, v9, v12;
	v8 =	vsel vm0, $0xF, v8;
	v12 =	vsel vm1, v17, v14;
	v14 =	vld [tilespmem:s21+$0x3180]  }
0x34: {  	v17 =	vld [tilespmem:s21+$0x2300];
	vm0 =	vgt.f32 v20, v12;
	vm3 =	vgt.f32 v22, v18;
	vm4 =	vgt.f32 v9, v11  }
0x35: {  	v12 =	vsel vm0, v20, v12;
	v18 =	vsel vm3, v22, v18;
	v20 =	vld [tilespmem:s21+$0x3200];
	v8 =	vsel vm4, v8, v15  }
0x36: {  	v23 =	vld [tilespmem:s21+$0x5080];
	v15 =	vsel vm2, $0x11, v2;
	vm2 =	vgt.f32 v21, v12;
	vm5 =	vgt.f32 v16, v18  }
0x37: {  	v15 =	vsel vm1, $0x12, v15;
	v12 =	vsel vm2, v21, v12;
	v16 =	vsel vm5, v16, v18;
	v18 =	vld [tilespmem:s21+$0x3280]  }
0x38: {  	v24 =	vld [tilespmem:s21+$0x6100];
	v15 =	vsel vm0, $0x13, v15;
	vm0 =	vgt.f32 v19, v12;
	vm1 =	vgt.f32 v14, v16  }
0x39: {  	v15 =	vsel vm2, $0x14, v15;
	v12 =	vsel vm0, v19, v12;
	v14 =	vsel vm1, v14, v16;
	v16 =	vld [tilespmem:s21+$0x3300]  }
0x3a: {  	v15 =	vsel vm0, $0x15, v15;
	v19 =	vld [tilespmem:s21+$0x4080];
	vm0 =	vgt.f32 v17, v12;
	vm2 =	vgt.f32 v20, v14  }
0x3b: {  	v9 =	vsel vm4, v9, v11;
	v15 =	vsel vm0, $0x16, v15;
	v14 =	vsel vm2, v20, v14;
	v20 =	vld [tilespmem:s21+$0x4000]  }
0x3c: {  	v22 =	vld [tilespmem:s21+$0x4380];
	v11 =	vsel vm0, v17, v12;
	v12 =	vsel vm3, $0x19, v3;
	vm0 =	vgt.f32 v18, v14  }
0x3d: {  	vm3 =	vgt.f32 v10, v11;
	v12 =	vsel vm5, $0x1A, v12;
	v14 =	vsel vm0, v18, v14;
	v18 =	vld [tilespmem:s21+$0x4100]  }
0x3e: {  	v17 =	vld [tilespmem:s21+$0x4180];
	v15 =	vsel vm3, $0x17, v15;
	v12 =	vsel vm1, $0x1B, v12;
	vm1 =	vgt.f32 v16, v14  }
0x3f: {  	v10 =	vsel vm3, v10, v11;
	v11 =	vsel vm2, $0x1C, v12;
	v12 =	vsel vm1, v16, v14;
	v14 =	vld [tilespmem:s21+$0x5000]  }
0x40: {  	v11 =	vsel vm0, $0x1D, v11;
	v16 =	vld [tilespmem:s21+$0x4200];
	vm0 =	vgt.f32 v13, v12;
	vm2 =	vgt.f32 v19, v20  }
0x41: {  	v11 =	vsel vm1, $0x1E, v11;
	v12 =	vsel vm0, v13, v12;
	v13 =	vsel vm2, v19, v20;
	v19 =	vld [tilespmem:s21+$0x5100]  }
0x42: {  	v11 =	vsel vm0, $0x1F, v11;
	v20 =	vld [tilespmem:s21+$0x4280];
	vm1 =	vgt.f32 v18, v13;
	vm0 =	vgt.f32 v12, v10  }
0x43: {  	v13 =	vsel vm1, v18, v13;
	v18 =	vld [tilespmem:s21+$0x5180];
	v10 =	vsel vm0, v12, v10;
	v11 =	vsel vm0, v11, v15  }
0x44: {  	v12 =	vld [tilespmem:s21+$0x4300];
	v15 =	vsel vm2, $0x21, v4;
	vm3 =	vgt.f32 v17, v13;
	vm4 =	vgt.f32 v23, v14  }
0x45: {  	vm0 =	vgt.f32 v10, v9;
	v13 =	vsel vm3, v17, v13;
	v14 =	vsel vm4, v23, v14;
	v17 =	vld [tilespmem:s21+$0x5200]  }
0x46: {  	v15 =	vsel vm1, $0x22, v15;
	v23 =	vld [tilespmem:s21+$0x5300];
	vm1 =	vgt.f32 v16, v13;
	vm2 =	vgt.f32 v19, v14  }
0x47: {  	v15 =	vsel vm3, $0x23, v15;
	v13 =	vsel vm1, v16, v13;
	v14 =	vsel vm2, v19, v14;
	v16 =	vld [tilespmem:s21+$0x5280]  }
0x48: {  	v15 =	vsel vm1, $0x24, v15;
	v19 =	vld [tilespmem:s21+$0x6080];
	vm1 =	vgt.f32 v20, v13;
	vm3 =	vgt.f32 v18, v14  }
0x49: {  	v9 =	vsel vm0, v10, v9;
	v15 =	vsel vm1, $0x25, v15;
	v14 =	vsel vm3, v18, v14;
	v18 =	vld [tilespmem:s21+$0x6000]  }
0x4a: {  	v10 =	vsel vm1, v20, v13;
	v13 =	vsel vm4, $0x29, v5;
	v20 =	vld [tilespmem:s21+$0x7080];
	vm1 =	vgt.f32 v17, v14  }
0x4b: {  	vm4 =	vgt.f32 v12, v10;
	v13 =	vsel vm2, $0x2A, v13;
	v14 =	vsel vm1, v17, v14;
	v17 =	vld [tilespmem:s21+$0x7000]  }
0x4c: {  	v21 =	vld [tilespmem:s21+$0x5380];
	v13 =	vsel vm3, $0x2B, v13;
	v10 =	vsel vm4, v12, v10;
	vm2 =	vgt.f32 v16, v14  }
0x4d: {  	v12 =	vsel vm1, $0x2C, v13;
	vm1 =	vgt.f32 v22, v10;
	v13 =	vsel vm2, v16, v14;
	v14 =	vld [tilespmem:s21+$0x7100]  }
0x4e: {  	v15 =	vsel vm4, $0x26, v15;
	v12 =	vsel vm2, $0x2D, v12;
	v16 =	vld [tilespmem:s21+$0x6180];
	v10 =	vsel vm1, v22, v10  }
0x4f: {  	v15 =	vsel vm1, $0x27, v15;
	v22 =	vld [tilespmem:s21+$0x7180];
	vm2 =	vgt.f32 v23, v13;
	vm3 =	vgt.f32 v19, v18  }
0x50: {  	v12 =	vsel vm2, $0x2E, v12;
	v13 =	vsel vm2, v23, v13;
	v23 =	vld [tilespmem:s21+$0x6200];
	vm2 =	vgt.f32 v20, v17  }
0x51: {  	v18 =	vsel vm3, v19, v18;
	v19 =	vld [tilespmem:s21+$0x7200];
	vm1 =	vgt.f32 v21, v13;
	v17 =	vsel vm2, v20, v17  }
0x52: {  	vm4 =	vgt.f32 v24, v18;
	v12 =	vsel vm1, $0x2F, v12;
	v20 =	vld [tilespmem:s21+$0x6280];
	vm5 =	vgt.f32 v14, v17  }
0x53: {  	v13 =	vsel vm1, v21, v13;
	v18 =	vsel vm4, v24, v18;
	v14 =	vsel vm5, v14, v17;
	v17 =	vld [tilespmem:s21+$0x7280]  }
0x54: {  	v21 =	vld [tilespmem:s21+$0x6300];
	vm6 =	vgt.f32 v16, v18;
	vm1 =	vgt.f32 v13, v10;
	vm7 =	vgt.f32 v22, v14  }
0x55: {  	v16 =	vsel vm6, v16, v18;
	v18 =	vld [tilespmem:s21+$0x7300];
	v10 =	vsel vm1, v13, v10;
	v14 =	vsel vm7, v22, v14  }
0x56: {  	v13 =	vsel vm3, $0x31, v6;
	vm3 =	vgt.f32 v23, v16;
	v22 =	vld [tilespmem:s21+$0x6380];
	vm8 =	vgt.f32 v19, v14  }
0x57: {  	v13 =	vsel vm4, $0x32, v13;
	v16 =	vsel vm3, v23, v16;
	v14 =	vsel vm8, v19, v14;
	v19 =	vld [tilespmem:s21+$0x7380]  }
0x58: {  	v13 =	vsel vm6, $0x33, v13;
	vm4 =	vgt.f32 v20, v16;
	vm6 =	vgt.f32 v17, v14  }
0x59: {  	v13 =	vsel vm3, $0x34, v13;
	v16 =	vsel vm4, v20, v16;
	v14 =	vsel vm6, v17, v14  }
0x5a: {  	vm3 =	vgt.f32 v21, v16;
	v17 =	vsel vm2, $0x39, v7;
	vm2 =	vgt.f32 v18, v14  }
0x5b: {  	v16 =	vsel vm3, v21, v16;
	v17 =	vsel vm5, $0x3A, v17;
	v14 =	vsel vm2, v18, v14  }
0x5c: {  	vm5 =	vgt.f32 v22, v16;
	v17 =	vsel vm7, $0x3B, v17;
	vm7 =	vgt.f32 v19, v14  }
0x5d: {  	v16 =	vsel vm5, v22, v16;
	v17 =	vsel vm8, $0x3C, v17;
	v14 =	vsel vm7, v19, v14  }
0x5e: {  	v13 =	vsel vm4, $0x35, v13;
	v17 =	vsel vm6, $0x3D, v17;
	vm4 =	vgt.f32 v14, v16  }
0x5f: {  	v13 =	vsel vm3, $0x36, v13;
	v17 =	vsel vm2, $0x3E, v17;
	v14 =	vsel vm4, v14, v16  }
0x60: {  	v13 =	vsel vm5, $0x37, v13;
	v16 =	vsel vm7, $0x3F, v17;
	vm2 =	vgt.f32 v14, v10  }
0x61: {  	v12 =	vsel vm1, v12, v15;
	v13 =	vsel vm4, v16, v13;
	v10 =	vsel vm2, v14, v10  }
0x62: {  	v8 =	vsel vm0, v11, v8;
	v11 =	vsel vm2, v13, v12;
	vm0 =	vgt.f32 v10, v9  }
0x63: {  	v8 =	vsel vm0, v11, v8;
	_ =	sdelay $0x4  }
0x64: {  	v8 =	vld.idx.msk [tilespmem:v8+s12+$0x0], $0xffff;
	_ =	sdelay $0x2  }
0x65: {  	s23 =	simm.s32 $0x10;
	s21 =	simm.s32 $0x80  }
0x66: {  	s23 =	sand.u32 $0x70, s23;
	s22 =	simm.s32 $0x10000;
	s24 =	sand.u32 $0xC00, s21  }
0x67: {  	s23 =	sor.u32 s23, s24;
	[tilespmem:s22+$0x0] =	vst v8  }
0x68: {  	v8 =	vld [tilespmem:s23+$0x380]  }
0x69: {  	v9 =	vld [tilespmem:s23+$0x1380]  }
0x6a: {  	v12 =	vld [tilespmem:s23+$0x2380]  }
0x6b: {  	v10 =	vld [tilespmem:s23+$0x80]  }
0x6c: {  	v11 =	vld [tilespmem:s23+$0x0]  }
0x6d: {  	v14 =	vld [tilespmem:s23+$0x100]  }
0x6e: {  	v15 =	vld [tilespmem:s23+$0x180]  }
0x6f: {  	v16 =	vld [tilespmem:s23+$0x1080]  }
0x70: {  	v17 =	vld [tilespmem:s23+$0x1000]  }
0x71: {  	v18 =	vld [tilespmem:s23+$0x1100];
	vm0 =	vgt.f32 v10, v11  }
0x72: {  	v10 =	vsel vm0, v10, v11;
	v11 =	vld [tilespmem:s23+$0x200]  }
0x73: {  	v19 =	vld [tilespmem:s23+$0x1180];
	vm1 =	vgt.f32 v14, v10  }
0x74: {  	v10 =	vsel vm1, v14, v10;
	v14 =	vld [tilespmem:s23+$0x280]  }
0x75: {  	v13 =	vld [tilespmem:s23+$0x3380];
	vm3 =	vgt.f32 v16, v17;
	vm2 =	vgt.f32 v15, v10  }
0x76: {  	v20 =	vsel vm0, $0x1, v0;
	v16 =	vsel vm3, v16, v17;
	v10 =	vsel vm2, v15, v10;
	v15 =	vld [tilespmem:s23+$0x300]  }
0x77: {  	v17 =	vld [tilespmem:s23+$0x1200];
	v20 =	vsel vm1, $0x2, v20;
	vm1 =	vgt.f32 v18, v16;
	vm0 =	vgt.f32 v11, v10  }
0x78: {  	v16 =	vsel vm1, v18, v16;
	v18 =	vld [tilespmem:s23+$0x1280];
	v20 =	vsel vm2, $0x3, v20;
	v10 =	vsel vm0, v11, v10  }
0x79: {  	v11 =	vld [tilespmem:s23+$0x1300];
	v20 =	vsel vm0, $0x4, v20;
	vm0 =	vgt.f32 v19, v16;
	vm2 =	vgt.f32 v14, v10  }
0x7a: {  	v16 =	vsel vm0, v19, v16;
	v19 =	vld [tilespmem:s23+$0x2000];
	v10 =	vsel vm2, v14, v10  }
0x7b: {  	v14 =	vld [tilespmem:s23+$0x2080];
	v20 =	vsel vm2, $0x5, v20;
	vm2 =	vgt.f32 v15, v10  }
0x7c: {  	v22 =	vld [tilespmem:s23+$0x3080];
	v10 =	vsel vm2, v15, v10;
	v15 =	vsel vm2, $0x6, v20;
	vm2 =	vgt.f32 v17, v16  }
0x7d: {  	v21 =	vsel vm3, $0x9, v1;
	vm4 =	vgt.f32 v8, v10;
	v16 =	vsel vm2, v17, v16;
	v17 =	vld [tilespmem:s23+$0x2100]  }
0x7e: {  	v21 =	vsel vm1, $0xA, v21;
	v20 =	vld [tilespmem:s23+$0x2180];
	v15 =	vsel vm4, $0x7, v15;
	vm1 =	vgt.f32 v18, v16  }
0x7f: {  	v23 =	vsel vm4, v8, v10;
	v8 =	vsel vm0, $0xB, v21;
	v10 =	vsel vm1, v18, v16;
	v16 =	vld [tilespmem:s23+$0x3000]  }
0x80: {  	v8 =	vsel vm2, $0xC, v8;
	vm2 =	vgt.f32 v14, v19;
	v18 =	vld [tilespmem:s23+$0x2200];
	vm0 =	vgt.f32 v11, v10  }
0x81: {  	v8 =	vsel vm1, $0xD, v8;
	v10 =	vsel vm0, v11, v10;
	v11 =	vsel vm2, v14, v19;
	v14 =	vld [tilespmem:s23+$0x3100]  }
0x82: {  	v8 =	vsel vm0, $0xE, v8;
	v19 =	vld [tilespmem:s23+$0x2280];
	vm0 =	vgt.f32 v9, v10;
	vm1 =	vgt.f32 v17, v11  }
0x83: {  	v9 =	vsel vm0, v9, v10;
	v8 =	vsel vm0, $0xF, v8;
	v10 =	vsel vm1, v17, v11;
	v17 =	vld [tilespmem:s23+$0x3180]  }
0x84: {  	v21 =	vld [tilespmem:s23+$0x2300];
	vm0 =	vgt.f32 v20, v10;
	vm3 =	vgt.f32 v22, v16;
	vm4 =	vgt.f32 v9, v23  }
0x85: {  	v10 =	vsel vm0, v20, v10;
	v16 =	vsel vm3, v22, v16;
	v20 =	vld [tilespmem:s23+$0x3200];
	v8 =	vsel vm4, v8, v15  }
0x86: {  	v63 =	vld [tilespmem:s23+$0x4200];
	v15 =	vsel vm2, $0x11, v2;
	vm2 =	vgt.f32 v18, v10;
	vm5 =	vgt.f32 v14, v16  }
0x87: {  	v15 =	vsel vm1, $0x12, v15;
	v18 =	vsel vm2, v18, v10;
	v14 =	vsel vm5, v14, v16;
	v16 =	vld [tilespmem:s23+$0x3280]  }
0x88: {  	v25 =	vld [tilespmem:s23+$0x5180];
	v15 =	vsel vm0, $0x13, v15;
	vm0 =	vgt.f32 v19, v18;
	vm1 =	vgt.f32 v17, v14  }
0x89: {  	v15 =	vsel vm2, $0x14, v15;
	v18 =	vsel vm0, v19, v18;
	v14 =	vsel vm1, v17, v14;
	v17 =	vld [tilespmem:s23+$0x3300]  }
0x8a: {  	v15 =	vsel vm0, $0x15, v15;
	v19 =	vld [tilespmem:s23+$0x4080];
	vm0 =	vgt.f32 v21, v18;
	vm2 =	vgt.f32 v20, v14  }
0x8b: {  	v23 =	vsel vm4, v9, v23;
	v15 =	vsel vm0, $0x16, v15;
	v14 =	vsel vm2, v20, v14;
	v20 =	vld [tilespmem:s23+$0x4000]  }
0x8c: {  	v22 =	vld [tilespmem:s23+$0x5080];
	v9 =	vsel vm0, v21, v18;
	v18 =	vsel vm3, $0x19, v3;
	vm0 =	vgt.f32 v16, v14  }
0x8d: {  	vm3 =	vgt.f32 v12, v9;
	v18 =	vsel vm5, $0x1A, v18;
	v14 =	vsel vm0, v16, v14;
	v16 =	vld [tilespmem:s23+$0x4100]  }
0x8e: {  	v21 =	vld [tilespmem:s23+$0x4180];
	v15 =	vsel vm3, $0x17, v15;
	v18 =	vsel vm1, $0x1B, v18;
	vm1 =	vgt.f32 v17, v14  }
0x8f: {  	v9 =	vsel vm3, v12, v9;
	v12 =	vsel vm2, $0x1C, v18;
	v18 =	vld [tilespmem:s23+$0x5000];
	v14 =	vsel vm1, v17, v14  }
0x90: {  	v11 =	vld [tilespmem:s23+$0x4380];
	v12 =	vsel vm0, $0x1D, v12;
	vm0 =	vgt.f32 v13, v14;
	vm2 =	vgt.f32 v19, v20  }
0x91: {  	v12 =	vsel vm1, $0x1E, v12;
	v13 =	vsel vm0, v13, v14;
	v14 =	vsel vm2, v19, v20;
	v19 =	vld [tilespmem:s23+$0x5100]  }
0x92: {  	v10 =	vld [tilespmem:s23+$0x5380];
	v12 =	vsel vm0, $0x1F, v12;
	vm3 =	vgt.f32 v16, v14;
	vm0 =	vgt.f32 v13, v9  }
0x93: {  	v17 =	vld [tilespmem:s23+$0x4280];
	v16 =	vsel vm3, v16, v14;
	v26 =	vsel vm0, v13, v9;
	v9 =	vsel vm0, v12, v15  }
0x94: {  	v14 =	vld [tilespmem:s23+$0x4300];
	vm1 =	vgt.f32 v22, v18;
	v12 =	vsel vm2, $0x21, v4;
	vm4 =	vgt.f32 v21, v16  }
0x95: {  	vm0 =	vgt.f32 v26, v23;
	v15 =	vsel vm4, v21, v16;
	v16 =	vsel vm1, v22, v18;
	v18 =	vld [tilespmem:s23+$0x5200]  }
0x96: {  	v13 =	vld [tilespmem:s23+$0x5300];
	v12 =	vsel vm3, $0x22, v12;
	vm3 =	vgt.f32 v63, v15;
	vm2 =	vgt.f32 v19, v16  }
0x97: {  	v12 =	vsel vm4, $0x23, v12;
	v21 =	vsel vm3, v63, v15;
	v16 =	vsel vm2, v19, v16;
	v19 =	vld [tilespmem:s23+$0x5280]  }
0x98: {  	v12 =	vsel vm3, $0x24, v12;
	v15 =	vld [tilespmem:s23+$0x6080];
	vm4 =	vgt.f32 v17, v21;
	vm3 =	vgt.f32 v25, v16  }
0x99: {  	s24 =	simm.s32 $0x20;
	v20 =	vsel vm4, $0x25, v12;
	v22 =	vsel vm3, v25, v16;
	v16 =	vld [tilespmem:s23+$0x6000];
	v12 =	vsel vm0, v26, v23  }
.LBB2_3:
0x9a: {  	p0 =	sne.s32 s24, $0x1F0;
	v17 =	vsel vm4, v17, v21;
	v21 =	vsel vm1, $0x29, v5;
	vm1 =	vgt.f32 v18, v22;
	v23 =	vld [tilespmem:s23+$0x7080]  }
0x9b: {  	vm4 =	vgt.f32 v14, v17;
	v21 =	vsel vm2, $0x2A, v21;
	v18 =	vsel vm1, v18, v22;
	v22 =	vld [tilespmem:s23+$0x7000]  }
0x9c: {  	v20 =	vsel vm4, $0x26, v20;
	v21 =	vsel vm3, $0x2B, v21;
	vm2 =	vgt.f32 v19, v18;
	v24 =	vld [tilespmem:s23+$0x6100]  }
0x9d: {  	v14 =	vsel vm4, v14, v17;
	v17 =	vsel vm1, $0x2C, v21;
	v18 =	vsel vm2, v19, v18;
	v19 =	vld [tilespmem:s23+$0x7100]  }
0x9e: {  	vm1 =	vgt.f32 v11, v14;
	v17 =	vsel vm2, $0x2D, v17;
	vm2 =	vgt.f32 v13, v18;
	v21 =	vld [tilespmem:s23+$0x6180]  }
0x9f: {  	v11 =	vsel vm1, v11, v14;
	v14 =	vsel vm1, $0x27, v20;
	v17 =	vsel vm2, $0x2E, v17;
	v20 =	vld [tilespmem:s23+$0x7180]  }
0xa0: {  	vm5 =	vgt.f32 v15, v16;
	v13 =	vsel vm2, v13, v18;
	v18 =	vld [tilespmem:s23+$0x6200];
	vm2 =	vgt.f32 v23, v22  }
0xa1: {  	v15 =	vsel vm5, v15, v16;
	vm1 =	vgt.f32 v10, v13;
	v16 =	vsel vm2, v23, v22;
	v22 =	vld [tilespmem:s23+$0x7200]  }
0xa2: {  	v17 =	vsel vm1, $0x2F, v17;
	vm6 =	vgt.f32 v24, v15;
	v23 =	vld [tilespmem:s23+$0x6280];
	vm3 =	vgt.f32 v19, v16  }
0xa3: {  	v10 =	vsel vm1, v10, v13;
	v13 =	vsel vm6, v24, v15;
	v15 =	vsel vm3, v19, v16;
	v16 =	vld [tilespmem:s23+$0x7280]  }
0xa4: {  	vm1 =	vgt.f32 v10, v11;
	vm7 =	vgt.f32 v21, v13;
	v19 =	vld [tilespmem:s23+$0x6300];
	vm4 =	vgt.f32 v20, v15  }
0xa5: {  	v10 =	vsel vm1, v10, v11;
	v13 =	vsel vm7, v21, v13;
	v15 =	vsel vm4, v20, v15;
	v20 =	vld [tilespmem:s23+$0x7300]  }
0xa6: {  	v11 =	vsel vm5, $0x31, v6;
	vm5 =	vgt.f32 v18, v13;
	v21 =	vld [tilespmem:s23+$0x6380];
	vm8 =	vgt.f32 v22, v15  }
0xa7: {  	v11 =	vsel vm6, $0x32, v11;
	v13 =	vsel vm5, v18, v13;
	v15 =	vsel vm8, v22, v15;
	v18 =	vld [tilespmem:s23+$0x7380]  }
0xa8: {  	v11 =	vsel vm7, $0x33, v11;
	vm6 =	vgt.f32 v23, v13;
	vm7 =	vgt.f32 v16, v15  }
0xa9: {  	v11 =	vsel vm5, $0x34, v11;
	v13 =	vsel vm6, v23, v13;
	v15 =	vsel vm7, v16, v15  }
0xaa: {  	vm5 =	vgt.f32 v19, v13;
	v16 =	vsel vm2, $0x39, v7;
	vm2 =	vgt.f32 v20, v15  }
0xab: {  	v13 =	vsel vm5, v19, v13;
	v16 =	vsel vm3, $0x3A, v16;
	v15 =	vsel vm2, v20, v15  }
0xac: {  	vm3 =	vgt.f32 v21, v13;
	v16 =	vsel vm4, $0x3B, v16;
	vm4 =	vgt.f32 v18, v15  }
0xad: {  	v13 =	vsel vm3, v21, v13;
	v16 =	vsel vm8, $0x3C, v16;
	v15 =	vsel vm4, v18, v15  }
0xae: {  	v11 =	vsel vm6, $0x35, v11;
	v16 =	vsel vm7, $0x3D, v16;
	vm6 =	vgt.f32 v15, v13  }
0xaf: {  	v11 =	vsel vm5, $0x36, v11;
	v16 =	vsel vm2, $0x3E, v16;
	v13 =	vsel vm6, v15, v13  }
0xb0: {  	v11 =	vsel vm3, $0x37, v11;
	v15 =	vsel vm4, $0x3F, v16;
	vm2 =	vgt.f32 v13, v10  }
0xb1: {  	v14 =	vsel vm1, v17, v14;
	v11 =	vsel vm6, v15, v11;
	v10 =	vsel vm2, v13, v10  }
0xb2: {  	v8 =	vsel vm0, v9, v8;
	v9 =	vsel vm2, v11, v14;
	vm0 =	vgt.f32 v10, v12  }
0xb3: {  	v8 =	vsel vm0, v9, v8;
	_ =	sdelay $0x4  }
0xb4: {  	v8 =	vld.idx.msk [tilespmem:v8+s12+$0x0], $0xffff;
	_ =	sdelay $0x3  }
0xb5: {  	s21 =	sadd.s32 $0x80, s21  }
0xb6: {  	s22 =	sadd.s32 $0x10, s22;
	s25 =	sand.u32 $0xC00, s21;
	s23 =	sand.u32 $0x70, s24  }
0xb7: {  	s23 =	sor.u32 s23, s25;
	[tilespmem:s22+$0x0] =	vst v8  }
0xb8: {  	v8 =	vld [tilespmem:s23+$0x380]  }
0xb9: {  	v10 =	vld [tilespmem:s23+$0x1380]  }
0xba: {  	v12 =	vld [tilespmem:s23+$0x2380]  }
0xbb: {  	v11 =	vld [tilespmem:s23+$0x80]  }
0xbc: {  	v13 =	vld [tilespmem:s23+$0x0]  }
0xbd: {  	v9 =	vld [tilespmem:s23+$0x3380]  }
0xbe: {  	v14 =	vld [tilespmem:s23+$0x100]  }
0xbf: {  	v15 =	vld [tilespmem:s23+$0x180]  }
0xc0: {  	v16 =	vld [tilespmem:s23+$0x1080]  }
0xc1: {  	vm1 =	vgt.f32 v11, v13;
	v17 =	vld [tilespmem:s23+$0x1000]  }
0xc2: {  	v11 =	vsel vm1, v11, v13;
	v13 =	vld [tilespmem:s23+$0x200]  }
0xc3: {  	vm2 =	vgt.f32 v14, v11;
	v18 =	vld [tilespmem:s23+$0x1100]  }
0xc4: {  	v11 =	vsel vm2, v14, v11;
	v14 =	vld [tilespmem:s23+$0x280]  }
0xc5: {  	vm3 =	vgt.f32 v15, v11;
	v19 =	vld [tilespmem:s23+$0x1180]  }
0xc6: {  	v11 =	vsel vm3, v15, v11;
	v15 =	vld [tilespmem:s23+$0x300];
	vm0 =	vgt.f32 v16, v17  }
0xc7: {  	v20 =	vsel vm1, $0x1, v0;
	vm1 =	vgt.f32 v13, v11;
	v16 =	vsel vm0, v16, v17;
	v17 =	vld [tilespmem:s23+$0x1200]  }
0xc8: {  	v20 =	vsel vm2, $0x2, v20;
	v11 =	vsel vm1, v13, v11;
	vm2 =	vgt.f32 v18, v16;
	v13 =	vld [tilespmem:s23+$0x1300]  }
0xc9: {  	v20 =	vsel vm3, $0x3, v20;
	vm3 =	vgt.f32 v14, v11;
	v16 =	vsel vm2, v18, v16;
	v18 =	vld [tilespmem:s23+$0x1280]  }
0xca: {  	v20 =	vsel vm1, $0x4, v20;
	v11 =	vsel vm3, v14, v11;
	vm1 =	vgt.f32 v19, v16;
	v14 =	vld [tilespmem:s23+$0x2080]  }
0xcb: {  	v20 =	vsel vm3, $0x5, v20;
	vm3 =	vgt.f32 v15, v11;
	v16 =	vsel vm1, v19, v16;
	v19 =	vld [tilespmem:s23+$0x2000]  }
0xcc: {  	v11 =	vsel vm3, v15, v11;
	v15 =	vsel vm3, $0x6, v20;
	vm3 =	vgt.f32 v17, v16;
	v20 =	vld [tilespmem:s23+$0x2180]  }
0xcd: {  	v21 =	vsel vm0, $0x9, v1;
	vm4 =	vgt.f32 v8, v11;
	v16 =	vsel vm3, v17, v16;
	v17 =	vld [tilespmem:s23+$0x2100]  }
0xce: {  	v21 =	vsel vm2, $0xA, v21;
	v15 =	vsel vm4, $0x7, v15;
	vm0 =	vgt.f32 v18, v16;
	v22 =	vld [tilespmem:s23+$0x3080]  }
0xcf: {  	v23 =	vsel vm4, v8, v11;
	v8 =	vsel vm1, $0xB, v21;
	v11 =	vsel vm0, v18, v16;
	v16 =	vld [tilespmem:s23+$0x3000]  }
0xd0: {  	v8 =	vsel vm3, $0xC, v8;
	vm1 =	vgt.f32 v13, v11;
	vm2 =	vgt.f32 v14, v19;
	v18 =	vld [tilespmem:s23+$0x2200]  }
0xd1: {  	v8 =	vsel vm0, $0xD, v8;
	v11 =	vsel vm1, v13, v11;
	v13 =	vsel vm2, v14, v19;
	v14 =	vld [tilespmem:s23+$0x3100]  }
0xd2: {  	v8 =	vsel vm1, $0xE, v8;
	vm0 =	vgt.f32 v10, v11;
	vm3 =	vgt.f32 v17, v13;
	v19 =	vld [tilespmem:s23+$0x2280]  }
0xd3: {  	v21 =	vsel vm0, v10, v11;
	v8 =	vsel vm0, $0xF, v8;
	v10 =	vsel vm3, v17, v13;
	v13 =	vld [tilespmem:s23+$0x3180]  }
0xd4: {  	vm4 =	vgt.f32 v20, v10;
	v17 =	vld [tilespmem:s23+$0x2300];
	vm0 =	vgt.f32 v22, v16;
	vm1 =	vgt.f32 v21, v23  }
0xd5: {  	v10 =	vsel vm4, v20, v10;
	v16 =	vsel vm0, v22, v16;
	v20 =	vld [tilespmem:s23+$0x3200];
	v8 =	vsel vm1, v8, v15  }
0xd6: {  	v15 =	vsel vm2, $0x11, v2;
	vm5 =	vgt.f32 v18, v10;
	vm2 =	vgt.f32 v14, v16;
	v11 =	vld [tilespmem:s23+$0x4380]  }
0xd7: {  	v15 =	vsel vm3, $0x12, v15;
	v18 =	vsel vm5, v18, v10;
	v14 =	vsel vm2, v14, v16;
	v16 =	vld [tilespmem:s23+$0x3280]  }
0xd8: {  	v15 =	vsel vm4, $0x13, v15;
	vm3 =	vgt.f32 v19, v18;
	vm4 =	vgt.f32 v13, v14;
	v10 =	vld [tilespmem:s23+$0x5380]  }
0xd9: {  	v15 =	vsel vm5, $0x14, v15;
	v18 =	vsel vm3, v19, v18;
	v13 =	vsel vm4, v13, v14;
	v14 =	vld [tilespmem:s23+$0x3300]  }
0xda: {  	v15 =	vsel vm3, $0x15, v15;
	vm3 =	vgt.f32 v17, v18;
	vm5 =	vgt.f32 v20, v13;
	v19 =	vld [tilespmem:s23+$0x4080]  }
0xdb: {  	v23 =	vsel vm1, v21, v23;
	v15 =	vsel vm3, $0x16, v15;
	v13 =	vsel vm5, v20, v13;
	v20 =	vld [tilespmem:s23+$0x4000]  }
0xdc: {  	v17 =	vsel vm3, v17, v18;
	v18 =	vsel vm0, $0x19, v3;
	vm0 =	vgt.f32 v16, v13;
	v21 =	vld [tilespmem:s23+$0x4180]  }
0xdd: {  	vm1 =	vgt.f32 v12, v17;
	v18 =	vsel vm2, $0x1A, v18;
	v13 =	vsel vm0, v16, v13;
	v16 =	vld [tilespmem:s23+$0x4100]  }
0xde: {  	v15 =	vsel vm1, $0x17, v15;
	v18 =	vsel vm4, $0x1B, v18;
	vm2 =	vgt.f32 v14, v13;
	v22 =	vld [tilespmem:s23+$0x5080]  }
0xdf: {  	v12 =	vsel vm1, v12, v17;
	v17 =	vsel vm5, $0x1C, v18;
	v13 =	vsel vm2, v14, v13;
	v18 =	vld [tilespmem:s23+$0x5000]  }
0xe0: {  	v14 =	vsel vm0, $0x1D, v17;
	vm0 =	vgt.f32 v9, v13;
	vm3 =	vgt.f32 v19, v20;
	v24 =	vld [tilespmem:s23+$0x4200]  }
0xe1: {  	v14 =	vsel vm2, $0x1E, v14;
	v9 =	vsel vm0, v9, v13;
	v13 =	vsel vm3, v19, v20;
	v19 =	vld [tilespmem:s23+$0x5100]  }
0xe2: {  	v14 =	vsel vm0, $0x1F, v14;
	vm2 =	vgt.f32 v16, v13;
	v17 =	vld [tilespmem:s23+$0x4280];
	vm0 =	vgt.f32 v9, v12  }
0xe3: {  	v13 =	vsel vm2, v16, v13;
	v16 =	vld [tilespmem:s23+$0x5180];
	v12 =	vsel vm0, v9, v12;
	v9 =	vsel vm0, v14, v15  }
0xe4: {  	vm4 =	vgt.f32 v21, v13;
	v14 =	vld [tilespmem:s23+$0x4300];
	vm1 =	vgt.f32 v22, v18;
	vm0 =	vgt.f32 v12, v23  }
.Ltmp0:
0xe5: {  	v15 =	vsel vm3, $0x21, v4;
	v20 =	vsel vm4, v21, v13;
	v22 =	vsel vm1, v22, v18;
	v18 =	vld [tilespmem:s23+$0x5200];
	(pc) =	sbr.rel @p0 .LBB2_3-.Ltmp0, $4  }
0xe6: {  	v15 =	vsel vm2, $0x22, v15;
	vm3 =	vgt.f32 v24, v20;
	vm2 =	vgt.f32 v19, v22;
	v13 =	vld [tilespmem:s23+$0x5300]  }
0xe7: {  	v15 =	vsel vm4, $0x23, v15;
	v21 =	vsel vm3, v24, v20;
	v22 =	vsel vm2, v19, v22;
	v19 =	vld [tilespmem:s23+$0x5280]  }
0xe8: {  	v20 =	vsel vm3, $0x24, v15;
	vm4 =	vgt.f32 v17, v21;
	vm3 =	vgt.f32 v16, v22;
	v15 =	vld [tilespmem:s23+$0x6080]  }
0xe9: {  	s24 =	sadd.s32 $0x10, s24;
	v12 =	vsel vm0, v12, v23;
	v20 =	vsel vm4, $0x25, v20;
	v22 =	vsel vm3, v16, v22;
	v16 =	vld [tilespmem:s23+$0x6000]  }
0xea: {  	v17 =	vsel vm4, v17, v21;
	v21 =	vsel vm1, $0x29, v5;
	vm1 =	vgt.f32 v18, v22;
	v23 =	vld [tilespmem:s23+$0x7080]  }
0xeb: {  	vm4 =	vgt.f32 v14, v17;
	v21 =	vsel vm2, $0x2A, v21;
	v18 =	vsel vm1, v18, v22;
	v22 =	vld [tilespmem:s23+$0x7000]  }
0xec: {  	v24 =	vld [tilespmem:s23+$0x6100];
	v20 =	vsel vm4, $0x26, v20;
	v21 =	vsel vm3, $0x2B, v21;
	vm2 =	vgt.f32 v19, v18  }
0xed: {  	v14 =	vsel vm4, v14, v17;
	v17 =	vsel vm1, $0x2C, v21;
	v18 =	vsel vm2, v19, v18;
	v19 =	vld [tilespmem:s23+$0x7100]  }
0xee: {  	vm1 =	vgt.f32 v11, v14;
	v21 =	vld [tilespmem:s23+$0x6180];
	v17 =	vsel vm2, $0x2D, v17;
	vm2 =	vgt.f32 v13, v18  }
0xef: {  	v11 =	vsel vm1, v11, v14;
	v14 =	vsel vm1, $0x27, v20;
	v20 =	vld [tilespmem:s23+$0x7180];
	vm3 =	vgt.f32 v15, v16  }
0xf0: {  	v17 =	vsel vm2, $0x2E, v17;
	v13 =	vsel vm2, v13, v18;
	v18 =	vld [tilespmem:s23+$0x6200];
	vm2 =	vgt.f32 v23, v22  }
0xf1: {  	v15 =	vsel vm3, v15, v16;
	vm1 =	vgt.f32 v10, v13;
	v16 =	vsel vm2, v23, v22;
	v22 =	vld [tilespmem:s23+$0x7200]  }
0xf2: {  	vm4 =	vgt.f32 v24, v15;
	v17 =	vsel vm1, $0x2F, v17;
	v23 =	vld [tilespmem:s23+$0x6280];
	vm5 =	vgt.f32 v19, v16  }
0xf3: {  	v10 =	vsel vm1, v10, v13;
	v13 =	vsel vm4, v24, v15;
	v15 =	vsel vm5, v19, v16;
	v16 =	vld [tilespmem:s23+$0x7280]  }
0xf4: {  	vm6 =	vgt.f32 v21, v13;
	vm1 =	vgt.f32 v10, v11;
	v19 =	vld [tilespmem:s23+$0x6300];
	vm7 =	vgt.f32 v20, v15  }
0xf5: {  	v13 =	vsel vm6, v21, v13;
	v10 =	vsel vm1, v10, v11;
	v15 =	vsel vm7, v20, v15;
	v20 =	vld [tilespmem:s23+$0x7300]  }
0xf6: {  	v11 =	vsel vm3, $0x31, v6;
	v21 =	vld [tilespmem:s23+$0x6380];
	vm3 =	vgt.f32 v18, v13;
	vm8 =	vgt.f32 v22, v15  }
0xf7: {  	v11 =	vsel vm4, $0x32, v11;
	v13 =	vsel vm3, v18, v13;
	v18 =	vld [tilespmem:s23+$0x7380];
	v15 =	vsel vm8, v22, v15  }
0xf8: {  	v11 =	vsel vm6, $0x33, v11;
	vm4 =	vgt.f32 v23, v13;
	vm6 =	vgt.f32 v16, v15  }
0xf9: {  	v11 =	vsel vm3, $0x34, v11;
	v13 =	vsel vm4, v23, v13;
	v15 =	vsel vm6, v16, v15  }
0xfa: {  	vm3 =	vgt.f32 v19, v13;
	v16 =	vsel vm2, $0x39, v7;
	vm2 =	vgt.f32 v20, v15  }
0xfb: {  	v13 =	vsel vm3, v19, v13;
	v16 =	vsel vm5, $0x3A, v16;
	v15 =	vsel vm2, v20, v15  }
0xfc: {  	vm5 =	vgt.f32 v21, v13;
	v16 =	vsel vm7, $0x3B, v16;
	vm7 =	vgt.f32 v18, v15  }
0xfd: {  	v13 =	vsel vm5, v21, v13;
	v16 =	vsel vm8, $0x3C, v16;
	v15 =	vsel vm7, v18, v15  }
0xfe: {  	v11 =	vsel vm4, $0x35, v11;
	v16 =	vsel vm6, $0x3D, v16;
	vm4 =	vgt.f32 v15, v13  }
0xff: {  	v11 =	vsel vm3, $0x36, v11;
	v16 =	vsel vm2, $0x3E, v16;
	v13 =	vsel vm4, v15, v13  }
0x100: {  	v11 =	vsel vm5, $0x37, v11;
	v15 =	vsel vm7, $0x3F, v16;
	vm2 =	vgt.f32 v13, v10  }
0x101: {  	v14 =	vsel vm1, v17, v14;
	v11 =	vsel vm4, v15, v11;
	v10 =	vsel vm2, v13, v10  }
0x102: {  	v8 =	vsel vm0, v9, v8;
	v9 =	vsel vm2, v11, v14;
	vm0 =	vgt.f32 v10, v12  }
0x103: {  	v8 =	vsel vm0, v9, v8;
	_ =	sdelay $0x4  }
0x104: {  	s21 =	sshll.u32 s20, $0x1;
	v8 =	vld.idx.msk [tilespmem:v8+s12+$0x0], $0xffff  }
0x105: {  	s21 =	sadd.s32 s5, s21  }
0x106: {  	s23 =	sadd.s32 $0x2, s21  }
0x107: {  	p0 =	sge.u32 s23, s8  }
0x108: {  	s25 =	sadd.s32 $0x10, s22;
	s22 =	sshll.u32 s21, $0x6;
	s24 =	sshll.u32 @!p0 s23, $0xC  }
0x109: {  	s26 =	sadd.s32 s3, s22;
	s23 =	sshll.u32 @!p0 s23, $0x9;
	s24 =	sand.u32 @!p0 $0xFFF8000, s24;
	[tilespmem:s25+$0x0] =	vst v8  }
0x10a: {  	[hbm4b:s26+s4] =	stream.linear.scatter [tilespmem:s17], [sflag:$0x3], $0x200, $0x38;
	[tilespmem:$0x10280] =	vst v63  }
0x10b: {  	s23 =	sand.u32 @!p0 $0xC00, s23;
	s24 =	sadd.s32 @!p0 s24, s9;
	_ =	swait.ge [sflag:s13], $0x200  }
0x10c: {  	s23 =	sadd.s32 @!p0 s23, s24;
	s24 =	simm.s32 @!p0 $0x1000;
	[sflag:s13] =	ssyncset.done $0x0  }
0x10d: {  	s25 =	simm.s32 @!p0 $0x8000;
	s26 =	simm.s32 @!p0 $0x0;
	[sflag:s13] =	ssyncadd.s32 $0xFFFFFE00  }
0x10e: {  	[tilespmem:s26], [sflag:$0x1] =	stream.strided.gather @!p0 [hbm4b:s23+s24], $0x8000, s25, s24, $0x38;
	[tilespmem:$0x10280] =	vst v63  }
0x10f: {  	s28 =	simm.s32 $0x0;
	_ =	swait.ge [sflag:s18], $0x8000  }
0x110: {  	s29 =	sand.u32 $0x70, s28;
	s23 =	sand.u32 $0xC00, s28;
	[sflag:s18] =	ssyncset.done $0x0  }
0x111: {  	s23 =	sor.u32 s29, s23;
	[sflag:s18] =	ssyncadd.s32 $0xFFFF8000  }
0x112: {  	v8 =	vld [tilespmem:s23+$0x8380]  }
0x113: {  	v9 =	vld [tilespmem:s23+$0x9380]  }
0x114: {  	v10 =	vld [tilespmem:s23+$0xA380]  }
0x115: {  	v11 =	vld [tilespmem:s23+$0x8080]  }
0x116: {  	v12 =	vld [tilespmem:s23+$0x8000]  }
0x117: {  	v14 =	vld [tilespmem:s23+$0x8100]  }
0x118: {  	v15 =	vld [tilespmem:s23+$0x8180]  }
0x119: {  	v16 =	vld [tilespmem:s23+$0x9080]  }
0x11a: {  	v17 =	vld [tilespmem:s23+$0x9000]  }
0x11b: {  	v18 =	vld [tilespmem:s23+$0x9100];
	vm0 =	vgt.f32 v11, v12  }
0x11c: {  	v11 =	vsel vm0, v11, v12;
	v12 =	vld [tilespmem:s23+$0x8200]  }
0x11d: {  	v19 =	vld [tilespmem:s23+$0x9180];
	vm1 =	vgt.f32 v14, v11  }
0x11e: {  	v11 =	vsel vm1, v14, v11;
	v14 =	vld [tilespmem:s23+$0x8280]  }
0x11f: {  	v13 =	vld [tilespmem:s23+$0xB380];
	vm3 =	vgt.f32 v16, v17;
	vm2 =	vgt.f32 v15, v11  }
0x120: {  	v20 =	vsel vm0, $0x1, v0;
	v16 =	vsel vm3, v16, v17;
	v11 =	vsel vm2, v15, v11;
	v15 =	vld [tilespmem:s23+$0x8300]  }
0x121: {  	v17 =	vld [tilespmem:s23+$0x9200];
	v20 =	vsel vm1, $0x2, v20;
	vm1 =	vgt.f32 v18, v16;
	vm0 =	vgt.f32 v12, v11  }
0x122: {  	v16 =	vsel vm1, v18, v16;
	v18 =	vld [tilespmem:s23+$0x9280];
	v20 =	vsel vm2, $0x3, v20;
	v11 =	vsel vm0, v12, v11  }
0x123: {  	v12 =	vld [tilespmem:s23+$0x9300];
	v20 =	vsel vm0, $0x4, v20;
	vm0 =	vgt.f32 v19, v16;
	vm2 =	vgt.f32 v14, v11  }
0x124: {  	v16 =	vsel vm0, v19, v16;
	v19 =	vld [tilespmem:s23+$0xA000];
	v11 =	vsel vm2, v14, v11  }
0x125: {  	v14 =	vld [tilespmem:s23+$0xA080];
	v20 =	vsel vm2, $0x5, v20;
	vm2 =	vgt.f32 v15, v11  }
0x126: {  	v22 =	vld [tilespmem:s23+$0xB080];
	v11 =	vsel vm2, v15, v11;
	v15 =	vsel vm2, $0x6, v20;
	vm2 =	vgt.f32 v17, v16  }
0x127: {  	v21 =	vsel vm3, $0x9, v1;
	vm4 =	vgt.f32 v8, v11;
	v16 =	vsel vm2, v17, v16;
	v17 =	vld [tilespmem:s23+$0xA100]  }
0x128: {  	v21 =	vsel vm1, $0xA, v21;
	v20 =	vld [tilespmem:s23+$0xA180];
	v15 =	vsel vm4, $0x7, v15;
	vm1 =	vgt.f32 v18, v16  }
0x129: {  	v11 =	vsel vm4, v8, v11;
	v8 =	vsel vm0, $0xB, v21;
	v16 =	vsel vm1, v18, v16;
	v18 =	vld [tilespmem:s23+$0xB000]  }
0x12a: {  	v21 =	vld [tilespmem:s23+$0xA200];
	v8 =	vsel vm2, $0xC, v8;
	vm2 =	vgt.f32 v14, v19;
	vm0 =	vgt.f32 v12, v16  }
0x12b: {  	v8 =	vsel vm1, $0xD, v8;
	v14 =	vsel vm2, v14, v19;
	v12 =	vsel vm0, v12, v16;
	v16 =	vld [tilespmem:s23+$0xB100]  }
0x12c: {  	v19 =	vld [tilespmem:s23+$0xA280];
	v8 =	vsel vm0, $0xE, v8;
	vm0 =	vgt.f32 v9, v12;
	vm1 =	vgt.f32 v17, v14  }
0x12d: {  	v9 =	vsel vm0, v9, v12;
	v8 =	vsel vm0, $0xF, v8;
	v12 =	vsel vm1, v17, v14;
	v14 =	vld [tilespmem:s23+$0xB180]  }
0x12e: {  	v17 =	vld [tilespmem:s23+$0xA300];
	vm0 =	vgt.f32 v20, v12;
	vm3 =	vgt.f32 v22, v18;
	vm4 =	vgt.f32 v9, v11  }
0x12f: {  	v12 =	vsel vm0, v20, v12;
	v18 =	vsel vm3, v22, v18;
	v20 =	vld [tilespmem:s23+$0xB200];
	v8 =	vsel vm4, v8, v15  }
0x130: {  	v23 =	vld [tilespmem:s23+$0xD080];
	v15 =	vsel vm2, $0x11, v2;
	vm2 =	vgt.f32 v21, v12;
	vm5 =	vgt.f32 v16, v18  }
0x131: {  	v15 =	vsel vm1, $0x12, v15;
	v12 =	vsel vm2, v21, v12;
	v16 =	vsel vm5, v16, v18;
	v18 =	vld [tilespmem:s23+$0xB280]  }
0x132: {  	v62 =	vld [tilespmem:s23+$0xE100];
	v15 =	vsel vm0, $0x13, v15;
	vm0 =	vgt.f32 v19, v12;
	vm1 =	vgt.f32 v14, v16  }
0x133: {  	v15 =	vsel vm2, $0x14, v15;
	v12 =	vsel vm0, v19, v12;
	v14 =	vsel vm1, v14, v16;
	v16 =	vld [tilespmem:s23+$0xB300]  }
0x134: {  	v15 =	vsel vm0, $0x15, v15;
	v19 =	vld [tilespmem:s23+$0xC080];
	vm0 =	vgt.f32 v17, v12;
	vm2 =	vgt.f32 v20, v14  }
0x135: {  	v9 =	vsel vm4, v9, v11;
	v15 =	vsel vm0, $0x16, v15;
	v14 =	vsel vm2, v20, v14;
	v20 =	vld [tilespmem:s23+$0xC000]  }
0x136: {  	v22 =	vld [tilespmem:s23+$0xC380];
	v11 =	vsel vm0, v17, v12;
	v12 =	vsel vm3, $0x19, v3;
	vm0 =	vgt.f32 v18, v14  }
0x137: {  	vm3 =	vgt.f32 v10, v11;
	v12 =	vsel vm5, $0x1A, v12;
	v14 =	vsel vm0, v18, v14;
	v18 =	vld [tilespmem:s23+$0xC100]  }
0x138: {  	v17 =	vld [tilespmem:s23+$0xC180];
	v15 =	vsel vm3, $0x17, v15;
	v12 =	vsel vm1, $0x1B, v12;
	vm1 =	vgt.f32 v16, v14  }
0x139: {  	v10 =	vsel vm3, v10, v11;
	v11 =	vsel vm2, $0x1C, v12;
	v12 =	vsel vm1, v16, v14;
	v14 =	vld [tilespmem:s23+$0xD000]  }
0x13a: {  	v11 =	vsel vm0, $0x1D, v11;
	v16 =	vld [tilespmem:s23+$0xC200];
	vm0 =	vgt.f32 v13, v12;
	vm2 =	vgt.f32 v19, v20  }
0x13b: {  	v11 =	vsel vm1, $0x1E, v11;
	v12 =	vsel vm0, v13, v12;
	v13 =	vsel vm2, v19, v20;
	v19 =	vld [tilespmem:s23+$0xD100]  }
0x13c: {  	v11 =	vsel vm0, $0x1F, v11;
	v20 =	vld [tilespmem:s23+$0xC280];
	vm1 =	vgt.f32 v18, v13;
	vm0 =	vgt.f32 v12, v10  }
0x13d: {  	v13 =	vsel vm1, v18, v13;
	v18 =	vld [tilespmem:s23+$0xD180];
	v10 =	vsel vm0, v12, v10;
	v11 =	vsel vm0, v11, v15  }
0x13e: {  	v12 =	vld [tilespmem:s23+$0xC300];
	v15 =	vsel vm2, $0x21, v4;
	vm3 =	vgt.f32 v17, v13;
	vm4 =	vgt.f32 v23, v14  }
0x13f: {  	vm0 =	vgt.f32 v10, v9;
	v13 =	vsel vm3, v17, v13;
	v14 =	vsel vm4, v23, v14;
	v17 =	vld [tilespmem:s23+$0xD200]  }
0x140: {  	v15 =	vsel vm1, $0x22, v15;
	v23 =	vld [tilespmem:s23+$0xD300];
	vm1 =	vgt.f32 v16, v13;
	vm2 =	vgt.f32 v19, v14  }
0x141: {  	v15 =	vsel vm3, $0x23, v15;
	v13 =	vsel vm1, v16, v13;
	v14 =	vsel vm2, v19, v14;
	v16 =	vld [tilespmem:s23+$0xD280]  }
0x142: {  	v15 =	vsel vm1, $0x24, v15;
	v19 =	vld [tilespmem:s23+$0xE080];
	vm1 =	vgt.f32 v20, v13;
	vm3 =	vgt.f32 v18, v14  }
0x143: {  	v9 =	vsel vm0, v10, v9;
	v15 =	vsel vm1, $0x25, v15;
	v14 =	vsel vm3, v18, v14;
	v18 =	vld [tilespmem:s23+$0xE000]  }
0x144: {  	v10 =	vsel vm1, v20, v13;
	v13 =	vsel vm4, $0x29, v5;
	v20 =	vld [tilespmem:s23+$0xF080];
	vm1 =	vgt.f32 v17, v14  }
0x145: {  	vm4 =	vgt.f32 v12, v10;
	v13 =	vsel vm2, $0x2A, v13;
	v14 =	vsel vm1, v17, v14;
	v17 =	vld [tilespmem:s23+$0xF000]  }
0x146: {  	v21 =	vld [tilespmem:s23+$0xD380];
	v13 =	vsel vm3, $0x2B, v13;
	v10 =	vsel vm4, v12, v10;
	vm2 =	vgt.f32 v16, v14  }
0x147: {  	v12 =	vsel vm1, $0x2C, v13;
	vm1 =	vgt.f32 v22, v10;
	v13 =	vsel vm2, v16, v14;
	v14 =	vld [tilespmem:s23+$0xF100]  }
0x148: {  	v15 =	vsel vm4, $0x26, v15;
	v12 =	vsel vm2, $0x2D, v12;
	v16 =	vld [tilespmem:s23+$0xE180];
	v10 =	vsel vm1, v22, v10  }
0x149: {  	v15 =	vsel vm1, $0x27, v15;
	v22 =	vld [tilespmem:s23+$0xF180];
	vm2 =	vgt.f32 v23, v13;
	vm3 =	vgt.f32 v19, v18  }
0x14a: {  	v12 =	vsel vm2, $0x2E, v12;
	v13 =	vsel vm2, v23, v13;
	v23 =	vld [tilespmem:s23+$0xE200];
	vm2 =	vgt.f32 v20, v17  }
0x14b: {  	v18 =	vsel vm3, v19, v18;
	v19 =	vld [tilespmem:s23+$0xF200];
	vm1 =	vgt.f32 v21, v13;
	v17 =	vsel vm2, v20, v17  }
0x14c: {  	vm4 =	vgt.f32 v62, v18;
	v12 =	vsel vm1, $0x2F, v12;
	v20 =	vld [tilespmem:s23+$0xE280];
	vm5 =	vgt.f32 v14, v17  }
0x14d: {  	v13 =	vsel vm1, v21, v13;
	v18 =	vsel vm4, v62, v18;
	v14 =	vsel vm5, v14, v17;
	v17 =	vld [tilespmem:s23+$0xF280]  }
0x14e: {  	v21 =	vld [tilespmem:s23+$0xE300];
	vm6 =	vgt.f32 v16, v18;
	vm1 =	vgt.f32 v13, v10;
	vm7 =	vgt.f32 v22, v14  }
0x14f: {  	v16 =	vsel vm6, v16, v18;
	v18 =	vld [tilespmem:s23+$0xF300];
	v10 =	vsel vm1, v13, v10;
	v14 =	vsel vm7, v22, v14  }
0x150: {  	v13 =	vsel vm3, $0x31, v6;
	vm3 =	vgt.f32 v23, v16;
	v22 =	vld [tilespmem:s23+$0xE380];
	vm15 =	vgt.f32 v19, v14  }
0x151: {  	v13 =	vsel vm4, $0x32, v13;
	v16 =	vsel vm3, v23, v16;
	v14 =	vsel vm15, v19, v14;
	v19 =	vld [tilespmem:s23+$0xF380]  }
0x152: {  	v13 =	vsel vm6, $0x33, v13;
	vm4 =	vgt.f32 v20, v16;
	vm6 =	vgt.f32 v17, v14  }
0x153: {  	v13 =	vsel vm3, $0x34, v13;
	v16 =	vsel vm4, v20, v16;
	v14 =	vsel vm6, v17, v14  }
0x154: {  	vm3 =	vgt.f32 v21, v16;
	v17 =	vsel vm2, $0x39, v7;
	vm2 =	vgt.f32 v18, v14  }
0x155: {  	v16 =	vsel vm3, v21, v16;
	v17 =	vsel vm5, $0x3A, v17;
	v14 =	vsel vm2, v18, v14  }
0x156: {  	vm5 =	vgt.f32 v22, v16;
	v17 =	vsel vm7, $0x3B, v17;
	vm7 =	vgt.f32 v19, v14  }
0x157: {  	v16 =	vsel vm5, v22, v16;
	v17 =	vsel vm15, $0x3C, v17;
	v14 =	vsel vm7, v19, v14  }
0x158: {  	v13 =	vsel vm4, $0x35, v13;
	v17 =	vsel vm6, $0x3D, v17;
	vm4 =	vgt.f32 v14, v16  }
0x159: {  	v13 =	vsel vm3, $0x36, v13;
	v17 =	vsel vm2, $0x3E, v17;
	v14 =	vsel vm4, v14, v16  }
0x15a: {  	v13 =	vsel vm5, $0x37, v13;
	v16 =	vsel vm7, $0x3F, v17;
	vm2 =	vgt.f32 v14, v10  }
0x15b: {  	v12 =	vsel vm1, v12, v15;
	v13 =	vsel vm4, v16, v13;
	v10 =	vsel vm2, v14, v10  }
0x15c: {  	v8 =	vsel vm0, v11, v8;
	v11 =	vsel vm2, v13, v12;
	vm0 =	vgt.f32 v10, v9  }
0x15d: {  	v8 =	vsel vm0, v11, v8;
	_ =	sdelay $0x4  }
0x15e: {  	v8 =	vld.idx.msk [tilespmem:v8+s12+$0x0], $0xffff;
	_ =	sdelay $0x2  }
0x15f: {  	s30 =	simm.s32 $0x10;
	s24 =	simm.s32 $0x80  }
0x160: {  	s25 =	sand.u32 $0x70, s30;
	s31 =	sand.u32 $0xC00, s24;
	s23 =	simm.s32 $0x10000  }
0x161: {  	s25 =	sor.u32 s25, s31;
	[tilespmem:s23+$0x0] =	vst v8  }
0x162: {  	v8 =	vld [tilespmem:s25+$0x8380]  }
0x163: {  	v9 =	vld [tilespmem:s25+$0x9380]  }
0x164: {  	v12 =	vld [tilespmem:s25+$0xA380]  }
0x165: {  	v10 =	vld [tilespmem:s25+$0x8080]  }
0x166: {  	v11 =	vld [tilespmem:s25+$0x8000]  }
0x167: {  	v14 =	vld [tilespmem:s25+$0x8100]  }
0x168: {  	v15 =	vld [tilespmem:s25+$0x8180]  }
0x169: {  	v16 =	vld [tilespmem:s25+$0x9080]  }
0x16a: {  	v17 =	vld [tilespmem:s25+$0x9000]  }
0x16b: {  	v18 =	vld [tilespmem:s25+$0x9100];
	vm0 =	vgt.f32 v10, v11  }
0x16c: {  	v10 =	vsel vm0, v10, v11;
	v11 =	vld [tilespmem:s25+$0x8200]  }
0x16d: {  	v19 =	vld [tilespmem:s25+$0x9180];
	vm1 =	vgt.f32 v14, v10  }
0x16e: {  	v10 =	vsel vm1, v14, v10;
	v14 =	vld [tilespmem:s25+$0x8280]  }
0x16f: {  	v13 =	vld [tilespmem:s25+$0xB380];
	vm3 =	vgt.f32 v16, v17;
	vm2 =	vgt.f32 v15, v10  }
0x170: {  	v20 =	vsel vm0, $0x1, v0;
	v16 =	vsel vm3, v16, v17;
	v10 =	vsel vm2, v15, v10;
	v15 =	vld [tilespmem:s25+$0x8300]  }
0x171: {  	v17 =	vld [tilespmem:s25+$0x9200];
	v20 =	vsel vm1, $0x2, v20;
	vm1 =	vgt.f32 v18, v16;
	vm0 =	vgt.f32 v11, v10  }
0x172: {  	v16 =	vsel vm1, v18, v16;
	v18 =	vld [tilespmem:s25+$0x9280];
	v20 =	vsel vm2, $0x3, v20;
	v10 =	vsel vm0, v11, v10  }
0x173: {  	v11 =	vld [tilespmem:s25+$0x9300];
	v20 =	vsel vm0, $0x4, v20;
	vm0 =	vgt.f32 v19, v16;
	vm2 =	vgt.f32 v14, v10  }
0x174: {  	v16 =	vsel vm0, v19, v16;
	v19 =	vld [tilespmem:s25+$0xA000];
	v10 =	vsel vm2, v14, v10  }
0x175: {  	v14 =	vld [tilespmem:s25+$0xA080];
	v20 =	vsel vm2, $0x5, v20;
	vm2 =	vgt.f32 v15, v10  }
0x176: {  	v22 =	vld [tilespmem:s25+$0xB080];
	v10 =	vsel vm2, v15, v10;
	v15 =	vsel vm2, $0x6, v20;
	vm2 =	vgt.f32 v17, v16  }
0x177: {  	v21 =	vsel vm3, $0x9, v1;
	vm4 =	vgt.f32 v8, v10;
	v16 =	vsel vm2, v17, v16;
	v17 =	vld [tilespmem:s25+$0xA100]  }
0x178: {  	v21 =	vsel vm1, $0xA, v21;
	v20 =	vld [tilespmem:s25+$0xA180];
	v15 =	vsel vm4, $0x7, v15;
	vm1 =	vgt.f32 v18, v16  }
0x179: {  	v23 =	vsel vm4, v8, v10;
	v8 =	vsel vm0, $0xB, v21;
	v10 =	vsel vm1, v18, v16;
	v16 =	vld [tilespmem:s25+$0xB000]  }
0x17a: {  	v8 =	vsel vm2, $0xC, v8;
	vm2 =	vgt.f32 v14, v19;
	v18 =	vld [tilespmem:s25+$0xA200];
	vm0 =	vgt.f32 v11, v10  }
0x17b: {  	v8 =	vsel vm1, $0xD, v8;
	v10 =	vsel vm0, v11, v10;
	v11 =	vsel vm2, v14, v19;
	v14 =	vld [tilespmem:s25+$0xB100]  }
0x17c: {  	v8 =	vsel vm0, $0xE, v8;
	v19 =	vld [tilespmem:s25+$0xA280];
	vm0 =	vgt.f32 v9, v10;
	vm1 =	vgt.f32 v17, v11  }
0x17d: {  	v9 =	vsel vm0, v9, v10;
	v8 =	vsel vm0, $0xF, v8;
	v10 =	vsel vm1, v17, v11;
	v17 =	vld [tilespmem:s25+$0xB180]  }
0x17e: {  	v21 =	vld [tilespmem:s25+$0xA300];
	vm0 =	vgt.f32 v20, v10;
	vm3 =	vgt.f32 v22, v16;
	vm4 =	vgt.f32 v9, v23  }
0x17f: {  	v10 =	vsel vm0, v20, v10;
	v16 =	vsel vm3, v22, v16;
	v20 =	vld [tilespmem:s25+$0xB200];
	v8 =	vsel vm4, v8, v15  }
0x180: {  	v63 =	vld [tilespmem:s25+$0xC200];
	v15 =	vsel vm2, $0x11, v2;
	vm2 =	vgt.f32 v18, v10;
	vm5 =	vgt.f32 v14, v16  }
0x181: {  	v15 =	vsel vm1, $0x12, v15;
	v18 =	vsel vm2, v18, v10;
	v14 =	vsel vm5, v14, v16;
	v16 =	vld [tilespmem:s25+$0xB280]  }
0x182: {  	v25 =	vld [tilespmem:s25+$0xD180];
	v15 =	vsel vm0, $0x13, v15;
	vm0 =	vgt.f32 v19, v18;
	vm1 =	vgt.f32 v17, v14  }
0x183: {  	v15 =	vsel vm2, $0x14, v15;
	v18 =	vsel vm0, v19, v18;
	v14 =	vsel vm1, v17, v14;
	v17 =	vld [tilespmem:s25+$0xB300]  }
0x184: {  	v15 =	vsel vm0, $0x15, v15;
	v19 =	vld [tilespmem:s25+$0xC080];
	vm0 =	vgt.f32 v21, v18;
	vm2 =	vgt.f32 v20, v14  }
0x185: {  	v23 =	vsel vm4, v9, v23;
	v15 =	vsel vm0, $0x16, v15;
	v14 =	vsel vm2, v20, v14;
	v20 =	vld [tilespmem:s25+$0xC000]  }
0x186: {  	v22 =	vld [tilespmem:s25+$0xD080];
	v9 =	vsel vm0, v21, v18;
	v18 =	vsel vm3, $0x19, v3;
	vm0 =	vgt.f32 v16, v14  }
0x187: {  	vm3 =	vgt.f32 v12, v9;
	v18 =	vsel vm5, $0x1A, v18;
	v14 =	vsel vm0, v16, v14;
	v16 =	vld [tilespmem:s25+$0xC100]  }
0x188: {  	v21 =	vld [tilespmem:s25+$0xC180];
	v15 =	vsel vm3, $0x17, v15;
	v18 =	vsel vm1, $0x1B, v18;
	vm1 =	vgt.f32 v17, v14  }
0x189: {  	v9 =	vsel vm3, v12, v9;
	v12 =	vsel vm2, $0x1C, v18;
	v18 =	vld [tilespmem:s25+$0xD000];
	v14 =	vsel vm1, v17, v14  }
0x18a: {  	v11 =	vld [tilespmem:s25+$0xC380];
	v12 =	vsel vm0, $0x1D, v12;
	vm0 =	vgt.f32 v13, v14;
	vm2 =	vgt.f32 v19, v20  }
0x18b: {  	v12 =	vsel vm1, $0x1E, v12;
	v13 =	vsel vm0, v13, v14;
	v14 =	vsel vm2, v19, v20;
	v19 =	vld [tilespmem:s25+$0xD100]  }
0x18c: {  	v10 =	vld [tilespmem:s25+$0xD380];
	v12 =	vsel vm0, $0x1F, v12;
	vm3 =	vgt.f32 v16, v14;
	vm0 =	vgt.f32 v13, v9  }
0x18d: {  	v17 =	vld [tilespmem:s25+$0xC280];
	v16 =	vsel vm3, v16, v14;
	v26 =	vsel vm0, v13, v9;
	v9 =	vsel vm0, v12, v15  }
0x18e: {  	v14 =	vld [tilespmem:s25+$0xC300];
	vm1 =	vgt.f32 v22, v18;
	v12 =	vsel vm2, $0x21, v4;
	vm4 =	vgt.f32 v21, v16  }
0x18f: {  	vm0 =	vgt.f32 v26, v23;
	v15 =	vsel vm4, v21, v16;
	v16 =	vsel vm1, v22, v18;
	v18 =	vld [tilespmem:s25+$0xD200]  }
0x190: {  	v13 =	vld [tilespmem:s25+$0xD300];
	v12 =	vsel vm3, $0x22, v12;
	vm3 =	vgt.f32 v63, v15;
	vm2 =	vgt.f32 v19, v16  }
0x191: {  	v12 =	vsel vm4, $0x23, v12;
	v21 =	vsel vm3, v63, v15;
	v16 =	vsel vm2, v19, v16;
	v19 =	vld [tilespmem:s25+$0xD280]  }
0x192: {  	v12 =	vsel vm3, $0x24, v12;
	v15 =	vld [tilespmem:s25+$0xE080];
	vm4 =	vgt.f32 v17, v21;
	vm3 =	vgt.f32 v25, v16  }
0x193: {  	s26 =	simm.s32 $0x20;
	v20 =	vsel vm4, $0x25, v12;
	v22 =	vsel vm3, v25, v16;
	v16 =	vld [tilespmem:s25+$0xE000];
	v12 =	vsel vm0, v26, v23  }
.LBB2_5:
0x194: {  	p0 =	sne.s32 s26, $0x1F0;
	v17 =	vsel vm4, v17, v21;
	v21 =	vsel vm1, $0x29, v5;
	vm1 =	vgt.f32 v18, v22;
	v23 =	vld [tilespmem:s25+$0xF080]  }
0x195: {  	vm4 =	vgt.f32 v14, v17;
	v21 =	vsel vm2, $0x2A, v21;
	v18 =	vsel vm1, v18, v22;
	v22 =	vld [tilespmem:s25+$0xF000]  }
0x196: {  	v20 =	vsel vm4, $0x26, v20;
	v21 =	vsel vm3, $0x2B, v21;
	vm2 =	vgt.f32 v19, v18;
	v24 =	vld [tilespmem:s25+$0xE100]  }
0x197: {  	v14 =	vsel vm4, v14, v17;
	v17 =	vsel vm1, $0x2C, v21;
	v18 =	vsel vm2, v19, v18;
	v19 =	vld [tilespmem:s25+$0xF100]  }
0x198: {  	vm1 =	vgt.f32 v11, v14;
	v17 =	vsel vm2, $0x2D, v17;
	vm2 =	vgt.f32 v13, v18;
	v21 =	vld [tilespmem:s25+$0xE180]  }
0x199: {  	v11 =	vsel vm1, v11, v14;
	v14 =	vsel vm1, $0x27, v20;
	v17 =	vsel vm2, $0x2E, v17;
	v20 =	vld [tilespmem:s25+$0xF180]  }
0x19a: {  	vm5 =	vgt.f32 v15, v16;
	v13 =	vsel vm2, v13, v18;
	v18 =	vld [tilespmem:s25+$0xE200];
	vm2 =	vgt.f32 v23, v22  }
0x19b: {  	v15 =	vsel vm5, v15, v16;
	vm1 =	vgt.f32 v10, v13;
	v16 =	vsel vm2, v23, v22;
	v22 =	vld [tilespmem:s25+$0xF200]  }
0x19c: {  	v17 =	vsel vm1, $0x2F, v17;
	vm6 =	vgt.f32 v24, v15;
	v23 =	vld [tilespmem:s25+$0xE280];
	vm3 =	vgt.f32 v19, v16  }
0x19d: {  	v10 =	vsel vm1, v10, v13;
	v13 =	vsel vm6, v24, v15;
	v15 =	vsel vm3, v19, v16;
	v16 =	vld [tilespmem:s25+$0xF280]  }
0x19e: {  	vm1 =	vgt.f32 v10, v11;
	vm7 =	vgt.f32 v21, v13;
	v19 =	vld [tilespmem:s25+$0xE300];
	vm4 =	vgt.f32 v20, v15  }
0x19f: {  	v10 =	vsel vm1, v10, v11;
	v13 =	vsel vm7, v21, v13;
	v15 =	vsel vm4, v20, v15;
	v20 =	vld [tilespmem:s25+$0xF300]  }
0x1a0: {  	v11 =	vsel vm5, $0x31, v6;
	vm5 =	vgt.f32 v18, v13;
	v21 =	vld [tilespmem:s25+$0xE380];
	vm8 =	vgt.f32 v22, v15  }
0x1a1: {  	v11 =	vsel vm6, $0x32, v11;
	v13 =	vsel vm5, v18, v13;
	v15 =	vsel vm8, v22, v15;
	v18 =	vld [tilespmem:s25+$0xF380]  }
0x1a2: {  	v11 =	vsel vm7, $0x33, v11;
	vm6 =	vgt.f32 v23, v13;
	vm7 =	vgt.f32 v16, v15  }
0x1a3: {  	v11 =	vsel vm5, $0x34, v11;
	v13 =	vsel vm6, v23, v13;
	v15 =	vsel vm7, v16, v15  }
0x1a4: {  	vm5 =	vgt.f32 v19, v13;
	v16 =	vsel vm2, $0x39, v7;
	vm2 =	vgt.f32 v20, v15  }
0x1a5: {  	v13 =	vsel vm5, v19, v13;
	v16 =	vsel vm3, $0x3A, v16;
	v15 =	vsel vm2, v20, v15  }
0x1a6: {  	vm3 =	vgt.f32 v21, v13;
	v16 =	vsel vm4, $0x3B, v16;
	vm4 =	vgt.f32 v18, v15  }
0x1a7: {  	v13 =	vsel vm3, v21, v13;
	v16 =	vsel vm8, $0x3C, v16;
	v15 =	vsel vm4, v18, v15  }
0x1a8: {  	v11 =	vsel vm6, $0x35, v11;
	v16 =	vsel vm7, $0x3D, v16;
	vm6 =	vgt.f32 v15, v13  }
0x1a9: {  	v11 =	vsel vm5, $0x36, v11;
	v16 =	vsel vm2, $0x3E, v16;
	v13 =	vsel vm6, v15, v13  }
0x1aa: {  	v11 =	vsel vm3, $0x37, v11;
	v15 =	vsel vm4, $0x3F, v16;
	vm2 =	vgt.f32 v13, v10  }
0x1ab: {  	v14 =	vsel vm1, v17, v14;
	v11 =	vsel vm6, v15, v11;
	v10 =	vsel vm2, v13, v10  }
0x1ac: {  	v8 =	vsel vm0, v9, v8;
	v9 =	vsel vm2, v11, v14;
	vm0 =	vgt.f32 v10, v12  }
0x1ad: {  	v8 =	vsel vm0, v9, v8;
	_ =	sdelay $0x4  }
0x1ae: {  	v8 =	vld.idx.msk [tilespmem:v8+s12+$0x0], $0xffff;
	_ =	sdelay $0x3  }
0x1af: {  	s24 =	sadd.s32 $0x80, s24  }
0x1b0: {  	s23 =	sadd.s32 $0x10, s23;
	s28 =	sand.u32 $0xC00, s24;
	s25 =	sand.u32 $0x70, s26  }
0x1b1: {  	s25 =	sor.u32 s25, s28;
	[tilespmem:s23+$0x0] =	vst v8  }
0x1b2: {  	v8 =	vld [tilespmem:s25+$0x8380]  }
0x1b3: {  	v10 =	vld [tilespmem:s25+$0x9380]  }
0x1b4: {  	v12 =	vld [tilespmem:s25+$0xA380]  }
0x1b5: {  	v11 =	vld [tilespmem:s25+$0x8080]  }
0x1b6: {  	v13 =	vld [tilespmem:s25+$0x8000]  }
0x1b7: {  	v9 =	vld [tilespmem:s25+$0xB380]  }
0x1b8: {  	v14 =	vld [tilespmem:s25+$0x8100]  }
0x1b9: {  	v15 =	vld [tilespmem:s25+$0x8180]  }
0x1ba: {  	v16 =	vld [tilespmem:s25+$0x9080]  }
0x1bb: {  	vm1 =	vgt.f32 v11, v13;
	v17 =	vld [tilespmem:s25+$0x9000]  }
0x1bc: {  	v11 =	vsel vm1, v11, v13;
	v13 =	vld [tilespmem:s25+$0x8200]  }
0x1bd: {  	vm2 =	vgt.f32 v14, v11;
	v18 =	vld [tilespmem:s25+$0x9100]  }
0x1be: {  	v11 =	vsel vm2, v14, v11;
	v14 =	vld [tilespmem:s25+$0x8280]  }
0x1bf: {  	vm3 =	vgt.f32 v15, v11;
	v19 =	vld [tilespmem:s25+$0x9180]  }
0x1c0: {  	v11 =	vsel vm3, v15, v11;
	v15 =	vld [tilespmem:s25+$0x8300];
	vm0 =	vgt.f32 v16, v17  }
0x1c1: {  	v20 =	vsel vm1, $0x1, v0;
	vm1 =	vgt.f32 v13, v11;
	v16 =	vsel vm0, v16, v17;
	v17 =	vld [tilespmem:s25+$0x9200]  }
0x1c2: {  	v20 =	vsel vm2, $0x2, v20;
	v11 =	vsel vm1, v13, v11;
	vm2 =	vgt.f32 v18, v16;
	v13 =	vld [tilespmem:s25+$0x9300]  }
0x1c3: {  	v20 =	vsel vm3, $0x3, v20;
	vm3 =	vgt.f32 v14, v11;
	v16 =	vsel vm2, v18, v16;
	v18 =	vld [tilespmem:s25+$0x9280]  }
0x1c4: {  	v20 =	vsel vm1, $0x4, v20;
	v11 =	vsel vm3, v14, v11;
	vm1 =	vgt.f32 v19, v16;
	v14 =	vld [tilespmem:s25+$0xA080]  }
0x1c5: {  	v20 =	vsel vm3, $0x5, v20;
	vm3 =	vgt.f32 v15, v11;
	v16 =	vsel vm1, v19, v16;
	v19 =	vld [tilespmem:s25+$0xA000]  }
0x1c6: {  	v11 =	vsel vm3, v15, v11;
	v15 =	vsel vm3, $0x6, v20;
	vm3 =	vgt.f32 v17, v16;
	v20 =	vld [tilespmem:s25+$0xA180]  }
0x1c7: {  	v21 =	vsel vm0, $0x9, v1;
	vm4 =	vgt.f32 v8, v11;
	v16 =	vsel vm3, v17, v16;
	v17 =	vld [tilespmem:s25+$0xA100]  }
0x1c8: {  	v21 =	vsel vm2, $0xA, v21;
	v15 =	vsel vm4, $0x7, v15;
	vm0 =	vgt.f32 v18, v16;
	v22 =	vld [tilespmem:s25+$0xB080]  }
0x1c9: {  	v23 =	vsel vm4, v8, v11;
	v8 =	vsel vm1, $0xB, v21;
	v11 =	vsel vm0, v18, v16;
	v16 =	vld [tilespmem:s25+$0xB000]  }
0x1ca: {  	v8 =	vsel vm3, $0xC, v8;
	vm1 =	vgt.f32 v13, v11;
	vm2 =	vgt.f32 v14, v19;
	v18 =	vld [tilespmem:s25+$0xA200]  }
0x1cb: {  	v8 =	vsel vm0, $0xD, v8;
	v11 =	vsel vm1, v13, v11;
	v13 =	vsel vm2, v14, v19;
	v14 =	vld [tilespmem:s25+$0xB100]  }
0x1cc: {  	v8 =	vsel vm1, $0xE, v8;
	vm0 =	vgt.f32 v10, v11;
	vm3 =	vgt.f32 v17, v13;
	v19 =	vld [tilespmem:s25+$0xA280]  }
0x1cd: {  	v21 =	vsel vm0, v10, v11;
	v8 =	vsel vm0, $0xF, v8;
	v10 =	vsel vm3, v17, v13;
	v13 =	vld [tilespmem:s25+$0xB180]  }
0x1ce: {  	vm4 =	vgt.f32 v20, v10;
	v17 =	vld [tilespmem:s25+$0xA300];
	vm0 =	vgt.f32 v22, v16;
	vm1 =	vgt.f32 v21, v23  }
0x1cf: {  	v10 =	vsel vm4, v20, v10;
	v16 =	vsel vm0, v22, v16;
	v20 =	vld [tilespmem:s25+$0xB200];
	v8 =	vsel vm1, v8, v15  }
0x1d0: {  	v15 =	vsel vm2, $0x11, v2;
	vm5 =	vgt.f32 v18, v10;
	vm2 =	vgt.f32 v14, v16;
	v11 =	vld [tilespmem:s25+$0xC380]  }
0x1d1: {  	v15 =	vsel vm3, $0x12, v15;
	v18 =	vsel vm5, v18, v10;
	v14 =	vsel vm2, v14, v16;
	v16 =	vld [tilespmem:s25+$0xB280]  }
0x1d2: {  	v15 =	vsel vm4, $0x13, v15;
	vm3 =	vgt.f32 v19, v18;
	vm4 =	vgt.f32 v13, v14;
	v10 =	vld [tilespmem:s25+$0xD380]  }
0x1d3: {  	v15 =	vsel vm5, $0x14, v15;
	v18 =	vsel vm3, v19, v18;
	v13 =	vsel vm4, v13, v14;
	v14 =	vld [tilespmem:s25+$0xB300]  }
0x1d4: {  	v15 =	vsel vm3, $0x15, v15;
	vm3 =	vgt.f32 v17, v18;
	vm5 =	vgt.f32 v20, v13;
	v19 =	vld [tilespmem:s25+$0xC080]  }
0x1d5: {  	v23 =	vsel vm1, v21, v23;
	v15 =	vsel vm3, $0x16, v15;
	v13 =	vsel vm5, v20, v13;
	v20 =	vld [tilespmem:s25+$0xC000]  }
0x1d6: {  	v17 =	vsel vm3, v17, v18;
	v18 =	vsel vm0, $0x19, v3;
	vm0 =	vgt.f32 v16, v13;
	v21 =	vld [tilespmem:s25+$0xC180]  }
0x1d7: {  	vm1 =	vgt.f32 v12, v17;
	v18 =	vsel vm2, $0x1A, v18;
	v13 =	vsel vm0, v16, v13;
	v16 =	vld [tilespmem:s25+$0xC100]  }
0x1d8: {  	v15 =	vsel vm1, $0x17, v15;
	v18 =	vsel vm4, $0x1B, v18;
	vm2 =	vgt.f32 v14, v13;
	v22 =	vld [tilespmem:s25+$0xD080]  }
0x1d9: {  	v12 =	vsel vm1, v12, v17;
	v17 =	vsel vm5, $0x1C, v18;
	v13 =	vsel vm2, v14, v13;
	v18 =	vld [tilespmem:s25+$0xD000]  }
0x1da: {  	v14 =	vsel vm0, $0x1D, v17;
	vm0 =	vgt.f32 v9, v13;
	vm3 =	vgt.f32 v19, v20;
	v24 =	vld [tilespmem:s25+$0xC200]  }
0x1db: {  	v14 =	vsel vm2, $0x1E, v14;
	v9 =	vsel vm0, v9, v13;
	v13 =	vsel vm3, v19, v20;
	v19 =	vld [tilespmem:s25+$0xD100]  }
0x1dc: {  	v14 =	vsel vm0, $0x1F, v14;
	vm2 =	vgt.f32 v16, v13;
	v17 =	vld [tilespmem:s25+$0xC280];
	vm0 =	vgt.f32 v9, v12  }
0x1dd: {  	v13 =	vsel vm2, v16, v13;
	v16 =	vld [tilespmem:s25+$0xD180];
	v12 =	vsel vm0, v9, v12;
	v9 =	vsel vm0, v14, v15  }
0x1de: {  	vm4 =	vgt.f32 v21, v13;
	v14 =	vld [tilespmem:s25+$0xC300];
	vm1 =	vgt.f32 v22, v18;
	vm0 =	vgt.f32 v12, v23  }
.Ltmp1:
0x1df: {  	v15 =	vsel vm3, $0x21, v4;
	v20 =	vsel vm4, v21, v13;
	v22 =	vsel vm1, v22, v18;
	v18 =	vld [tilespmem:s25+$0xD200];
	(pc) =	sbr.rel @p0 .LBB2_5-.Ltmp1, $4  }
0x1e0: {  	v15 =	vsel vm2, $0x22, v15;
	vm3 =	vgt.f32 v24, v20;
	vm2 =	vgt.f32 v19, v22;
	v13 =	vld [tilespmem:s25+$0xD300]  }
0x1e1: {  	v15 =	vsel vm4, $0x23, v15;
	v21 =	vsel vm3, v24, v20;
	v22 =	vsel vm2, v19, v22;
	v19 =	vld [tilespmem:s25+$0xD280]  }
0x1e2: {  	v20 =	vsel vm3, $0x24, v15;
	vm4 =	vgt.f32 v17, v21;
	vm3 =	vgt.f32 v16, v22;
	v15 =	vld [tilespmem:s25+$0xE080]  }
0x1e3: {  	s26 =	sadd.s32 $0x10, s26;
	v12 =	vsel vm0, v12, v23;
	v20 =	vsel vm4, $0x25, v20;
	v22 =	vsel vm3, v16, v22;
	v16 =	vld [tilespmem:s25+$0xE000]  }
0x1e4: {  	v17 =	vsel vm4, v17, v21;
	v42 =	vsel vm1, $0x29, v5;
	vm15 =	vgt.f32 v18, v22;
	v23 =	vld [tilespmem:s25+$0xF080]  }
0x1e5: {  	v43 =	vld [tilespmem:s25+$0xF000];
	vm4 =	vgt.f32 v14, v17;
	v21 =	vsel vm2, $0x2A, v42;
	v18 =	vsel vm15, v18, v22  }
0x1e6: {  	v24 =	vld [tilespmem:s25+$0xE100];
	v20 =	vsel vm4, $0x26, v20;
	v21 =	vsel vm3, $0x2B, v21;
	vm7 =	vgt.f32 v19, v18  }
0x1e7: {  	v45 =	vld [tilespmem:s25+$0xF100];
	v14 =	vsel vm4, v14, v17;
	v44 =	vsel vm15, $0x2C, v21;
	v18 =	vsel vm7, v19, v18  }
0x1e8: {  	v46 =	vld [tilespmem:s25+$0xE180];
	vm8 =	vgt.f32 v11, v14;
	v17 =	vsel vm7, $0x2D, v44;
	vm9 =	vgt.f32 v13, v18  }
0x1e9: {  	v48 =	vld [tilespmem:s25+$0xF180];
	v11 =	vsel vm8, v11, v14;
	v47 =	vsel vm8, $0x27, v20;
	vm10 =	vgt.f32 v15, v16  }
0x1ea: {  	v49 =	vld [tilespmem:s25+$0xE200];
	v17 =	vsel vm9, $0x2E, v17;
	v13 =	vsel vm9, v13, v18;
	vm2 =	vgt.f32 v23, v43  }
0x1eb: {  	v51 =	vld [tilespmem:s25+$0xF200];
	v15 =	vsel vm10, v15, v16;
	v58 =	vsel vm10, $0x31, v6;
	v50 =	vsel vm2, v23, v43  }
0x1ec: {  	v52 =	vld [tilespmem:s25+$0xE280];
	vm11 =	vgt.f32 v10, v13;
	vm12 =	vgt.f32 v24, v15;
	vm5 =	vgt.f32 v45, v50  }
0x1ed: {  	v55 =	vld [tilespmem:s25+$0xF280];
	v61 =	vsel vm2, $0x39, v7;
	v53 =	vsel vm12, v24, v15;
	v54 =	vsel vm5, v45, v50  }
0x1ee: {  	v56 =	vld [tilespmem:s25+$0xE300];
	v17 =	vsel vm11, $0x2F, v17;
	vm6 =	vgt.f32 v46, v53;
	vm7 =	vgt.f32 v48, v54  }
0x1ef: {  	v57 =	vld [tilespmem:s25+$0xF300];
	v10 =	vsel vm11, v10, v13;
	v13 =	vsel vm6, v46, v53;
	v15 =	vsel vm7, v48, v54  }
0x1f0: {  	v59 =	vld [tilespmem:s25+$0xE380];
	vm1 =	vgt.f32 v10, v11;
	vm13 =	vgt.f32 v49, v13;
	vm8 =	vgt.f32 v51, v15  }
0x1f1: {  	v60 =	vld [tilespmem:s25+$0xF380];
	v16 =	vsel vm5, $0x3A, v61;
	v13 =	vsel vm13, v49, v13;
	v15 =	vsel vm8, v51, v15  }
0x1f2: {  	v10 =	vsel vm1, v10, v11;
	vm14 =	vgt.f32 v52, v13;
	vm15 =	vgt.f32 v55, v15  }
0x1f3: {  	v11 =	vsel vm12, $0x32, v58;
	v13 =	vsel vm14, v52, v13;
	v15 =	vsel vm15, v55, v15  }
0x1f4: {  	v11 =	vsel vm6, $0x33, v11;
	vm9 =	vgt.f32 v56, v13;
	vm10 =	vgt.f32 v57, v15  }
0x1f5: {  	v16 =	vsel vm7, $0x3B, v16;
	v13 =	vsel vm9, v56, v13;
	v15 =	vsel vm10, v57, v15  }
0x1f6: {  	v11 =	vsel vm13, $0x34, v11;
	vm11 =	vgt.f32 v59, v13;
	vm12 =	vgt.f32 v60, v15  }
0x1f7: {  	v16 =	vsel vm8, $0x3C, v16;
	v13 =	vsel vm11, v59, v13;
	v15 =	vsel vm12, v60, v15  }
0x1f8: {  	v11 =	vsel vm14, $0x35, v11;
	v16 =	vsel vm15, $0x3D, v16;
	vm13 =	vgt.f32 v15, v13  }
0x1f9: {  	v11 =	vsel vm9, $0x36, v11;
	v16 =	vsel vm10, $0x3E, v16;
	v13 =	vsel vm13, v15, v13  }
0x1fa: {  	v11 =	vsel vm11, $0x37, v11;
	v62 =	vsel vm12, $0x3F, v16;
	vm14 =	vgt.f32 v13, v10  }
0x1fb: {  	v14 =	vsel vm1, v17, v47;
	v11 =	vsel vm13, v62, v11;
	v10 =	vsel vm14, v13, v10  }
0x1fc: {  	v8 =	vsel vm0, v9, v8;
	v63 =	vsel vm14, v11, v14;
	vm15 =	vgt.f32 v10, v12  }
0x1fd: {  	v8 =	vsel vm15, v63, v8;
	_ =	sdelay $0x4  }
0x1fe: {  	v8 =	vld.idx.msk [tilespmem:v8+s12+$0x0], $0xffff;
	_ =	sdelay $0x3  }
0x1ff: {  	s23 =	sadd.s32 $0x10, s23;
	s21 =	sadd.s32 $0x3, s21  }
0x200: {  	s22 =	sadd.s32 s22, s10;
	p0 =	sge.u32 s21, s8;
	[tilespmem:s23+$0x0] =	vst v8  }
0x201: {  	[hbm4b:s22+s4] =	stream.linear.scatter [tilespmem:s17], [sflag:$0x3], $0x200, $0x38;
	[tilespmem:$0x10280] =	vst v63  }
0x202: {  	s20 =	sadd.s32 $0x1, s20;
	s23 =	simm.s32 @!p0 $0x8000;
	s22 =	sshll.u32 @!p0 s21, $0xC  }
0x203: {  	s21 =	sshll.u32 @!p0 s21, $0x9;
	_ =	swait.ge [sflag:s13], $0x200;
	s22 =	sand.u32 @!p0 $0xFFF8000, s22  }
0x204: {  	s21 =	sand.u32 @!p0 $0xE00, s21;
	[sflag:s13] =	ssyncset.done $0x0;
	s22 =	sadd.s32 @!p0 s22, s9  }
0x205: {  	[sflag:s13] =	ssyncadd.s32 $0xFFFFFE00;
	s21 =	sadd.s32 @!p0 s21, s22;
	s22 =	simm.s32 @!p0 $0x1000  }
0x206: {  	[tilespmem:s23], [sflag:$0x2] =	stream.strided.gather @!p0 [hbm4b:s21+s22], $0x8000, s23, s22, $0x38;
	[tilespmem:$0x10280] =	vst v63  }
0x207: {  	p0 =	sne.s32 s20, $0x11  }
.Ltmp2:
0x208: {  	_ = 	snop;
	(pc) =	sbr.rel @p0 .LBB2_2-.Ltmp2, $1  }
0x209: {  	_ =	sdelay $0x3  }
0x20a: {  	s19 =	sadd.s32 $0x1, s19  }
0x20b: {  	p0 =	sne.s32 s19, s11  }
.Ltmp3:
0x20c: {  	_ = 	snop;
	(pc) =	sbr.rel @p0 .LBB2_1-.Ltmp3, $1  }
0x20d: {  	_ =	sdelay $0x3  }
0x20e: {  	_ =	sfence.sel $0x180000  }
0x20f: {  	[bflag:$0x0] =	sbarrier.arrive $0xFFFF  }
0x210: {  	p0 =	sne.s32 s0, $0x0;
	_ =	strace $0x90000047  }
0x211: {  	s0 =	sadd.s32 @!p0 $0x100000, s1;
	[bflag:$0x2] =	sbarrier.arrive $0xFFFF  }
0x212: {  	[sflag:s0] =	ssyncadd.tile.s32 @!p0 $0x1;
	_ =	shalt  }
.Lfunc_end2:
_tile_overlayer_lowered:
.L_overlay_start_2:
0x213: {  	(tag) =	ssettag $0x2  }
0x214: {  	s0 =	rddreg [dreg:$0x0];
	s2 =	stileid.u32  }
0x215: {  	s1 =	rddreg [dreg:$0x1];
	p0 =	sne.s32 s2, $0x0  }
0x216: {  	s3 =	rddreg [dreg:$0x2];
	[bflag:$0x3] =	sbarrier.arrive $0xFFFF;
	s2 =	simm.s32 @!p0 $0x1C03  }
0x217: {  	[timem:s3], [sflag:s2] =	dma.local @!p0 [hbm:s0], s1  }
0x218: {  	s0 =	simm.s32 @!p0 $0x3  }
0x219: {  	_ =	swait.ge @!p0 [sflag:s0], s1  }
0x21a: {  	s1 =	ssub.s32 @!p0 $0x0, s1;
	[sflag:s0] =	ssyncset.done @!p0 $0x0  }
0x21b: {  	[sflag:s0] =	ssyncadd.s32 @!p0 s1  }
0x21c: {  	[bflag:$0x3] =	sbarrier.arrive $0xFFFF  }
0x21d: {  	_ =	shalt  }

</sc_bundles>
